<compile_context>
chip_gen: v7x
topology: tpu7x:2x2x1
jax: 0.10.2.dev20260603
libtpu: 0.0.44.dev20260713+nightly
codegen_flags: <defaults>
</compile_context>

<pallas_src>
import jax
import jax.numpy as jnp
from jax import lax
from jax.experimental import pallas as pl
from jax.experimental.pallas import tpu as pltpu
from jax.experimental.pallas import tpu_sc as plsc

N_EDGES = 1600000
EMB = 32
NC, NS = 2, 16
NW = NC * NS
NBLK = N_EDGES // 128
BLK_PER_W = NBLK // NW
CB = 5
NCHUNK = BLK_PER_W // CB


def _body(cm_hbm, ctab_hbm, out_hbm, ctab_v,
          cm_a, cm_b, rows_a, rows_b,
          sem_in_a, sem_in_b, sem_out_a, sem_out_b):
    wid = lax.axis_index("s") * NC + lax.axis_index("c")
    pltpu.sync_copy(ctab_hbm, ctab_v)
    base_blk = wid * BLK_PER_W

    def in_copy(g, cm_v, sem):
        return pltpu.async_copy(
            cm_hbm.at[pl.ds((base_blk + g * CB) * 128, CB * 128)], cm_v, sem
        )

    def out_copies(blk0, nb, rows, sem):
        for cb in range(4):
            pltpu.async_copy(
                rows.at[pl.ds(cb * (nb * 1024), nb * 1024)],
                out_hbm.at[pl.ds((cb * NBLK + blk0) * 1024, nb * 1024)],
                sem,
            )

    def compute(cm_v, rows, nb):
        @plsc.parallel_loop(0, nb * 8, unroll=1)
        def _(g2):
            cm = cm_v[pl.ds(g2 * 16, 16)]
            ebl = lax.div(g2, 8)
            base = ebl * 1024 + (g2 - ebl * 8) * 16
            vs = [plsc.load_gather(ctab_v, [cm + c]) for c in range(EMB)]
            for c in range(EMB):
                rows[pl.ds((c // 8) * (nb * 1024) + base + (c % 8) * 128, 16)] = vs[c]

    def step(g, h, cm_v, rows, sem_in, sem_out, cm_nxt, sem_in_nxt):
        @pl.when(g + 1 < NCHUNK)
        def _():
            in_copy(g + 1, cm_nxt, sem_in_nxt)

        pltpu.make_async_copy(
            cm_hbm.at[pl.ds(0, CB * 128)], cm_v, sem_in
        ).wait()

        @pl.when(h >= 1)
        def _():
            for _cb in range(4):
                pltpu.make_async_copy(
                    rows.at[pl.ds(0, CB * 1024)],
                    out_hbm.at[pl.ds(0, CB * 1024)],
                    sem_out,
                ).wait()

        compute(cm_v, rows, CB)
        out_copies(base_blk + g * CB, CB, rows, sem_out)

    in_copy(0, cm_a, sem_in_a)

    def pair(h, carry):
        step(2 * h, h, cm_a, rows_a, sem_in_a, sem_out_a, cm_b, sem_in_b)
        step(2 * h + 1, h, cm_b, rows_b, sem_in_b, sem_out_b, cm_a, sem_in_a)
        return carry

    lax.fori_loop(0, NCHUNK // 2, pair, 0)

    for rows, sem in ((rows_a, sem_out_a), (rows_b, sem_out_b)):
        for _cb in range(4):
            pltpu.make_async_copy(
                rows.at[pl.ds(0, CB * 1024)],
                out_hbm.at[pl.ds(0, CB * 1024)],
                sem,
            ).wait()

    @pl.when(wid < 20)
    def _():
        blk = NW * BLK_PER_W + wid
        pltpu.sync_copy(cm_hbm.at[pl.ds(blk * 128, 128)],
                        cm_a.at[pl.ds(0, 128)])
        compute(cm_a, rows_a, 1)
        for cb in range(4):
            pltpu.sync_copy(
                rows_a.at[pl.ds(cb * 1024, 1024)],
                out_hbm.at[pl.ds((cb * NBLK + blk) * 1024, 1024)],
            )


@jax.jit
def kernel(edge_feature, W0, W1, W2):
    ef = edge_feature.astype(jnp.int32)
    cm = (ef[:, 0] * 12 + ef[:, 1] * 2 + ef[:, 2]) * 33
    ctab = jnp.pad(
        (W0[:, None, None, :] + W1[None, :, None, :] + W2[None, None, :, :]
         ).reshape(60, EMB),
        ((0, 0), (0, 1)),
    ).reshape(-1)

    run = pl.kernel(
        _body,
        out_type=jax.ShapeDtypeStruct((N_EDGES * EMB,), jnp.float32),
        mesh=plsc.VectorSubcoreMesh(core_axis_name="c", subcore_axis_name="s"),
        compiler_params=pltpu.CompilerParams(
            use_tc_tiling_on_sc=False, needs_layout_passes=False
        ),
        scratch_types=[
            pltpu.VMEM((60 * 33,), jnp.float32),
            pltpu.VMEM((CB * 128,), jnp.int32),
            pltpu.VMEM((CB * 128,), jnp.int32),
            pltpu.VMEM((4 * CB * 1024,), jnp.float32),
            pltpu.VMEM((4 * CB * 1024,), jnp.float32),
            pltpu.SemaphoreType.DMA,
            pltpu.SemaphoreType.DMA,
            pltpu.SemaphoreType.DMA,
            pltpu.SemaphoreType.DMA,
        ],
    )
    out = run(cm, ctab)
    return out.reshape(4, NBLK, 8, 128).transpose(1, 3, 0, 2).reshape(N_EDGES, EMB)

# --- scband reference (transcript-rebuilt; emitter-appended) ---
"""Pipeline reference for scband-bond-encoder-19731079758637 (READ-ONLY COPY).

The authoritative reference and input builder live on the scoring server;
editing this copy changes nothing except your own understanding.
"""

import jax, jax.numpy as jnp
import numpy as np

FULL_BOND_FEATURE_DIMS = [5, 6, 2]
EMB_DIM = 32
N_EDGES = 1600000


def _xavier_uniform(key, shape):
    fan_in, fan_out = shape[0], shape[1]
    limit = float(np.sqrt(6.0 / (fan_in + fan_out)))
    return jax.random.uniform(key, shape, dtype=jnp.float32, minval=-limit, maxval=limit)


def setup_inputs(seed: int = 0) -> dict:
    key = jax.random.key(seed)
    k_idx, k0, k1, k2 = jax.random.split(key, 4)
    # edge_feature values must be valid for every table; min table size is 2
    edge_feature = jax.random.randint(k_idx, (N_EDGES, len(FULL_BOND_FEATURE_DIMS)), 0, 2, dtype=jnp.int64)
    W0 = _xavier_uniform(k0, (FULL_BOND_FEATURE_DIMS[0], EMB_DIM))
    W1 = _xavier_uniform(k1, (FULL_BOND_FEATURE_DIMS[1], EMB_DIM))
    W2 = _xavier_uniform(k2, (FULL_BOND_FEATURE_DIMS[2], EMB_DIM))
    return {"edge_feature": edge_feature, "W0": W0, "W1": W1, "W2": W2}


def reference(edge_feature, W0, W1, W2):
    # bond_embedding = sum_i embedding_i(edge_feature[:, i])
    tables = [W0, W1, W2]
    bond_embedding = jnp.zeros((edge_feature.shape[0], EMB_DIM), dtype=jnp.float32)
    for i, table in enumerate(tables):
        bond_embedding = bond_embedding + jnp.take(table, edge_feature[:, i], axis=0)
    return bond_embedding

if __name__ == "__main__":
    import jax
    _d = setup_inputs()
    print(jax.jit(kernel)(*tuple(_d.values())))

</pallas_src>

<mosaic_0001>
#map = affine_map<(d0, d1) -> (0)>
module attributes {stable_mosaic.version = 14 : i64} {
  func.func @_body(%arg0: i32, %arg1: i32, %arg2: memref<1600000xi32, #tpu.memory_space<hbm>>, %arg3: memref<1980xf32, #tpu.memory_space<hbm>>, %arg4: memref<51200000xf32, #tpu.memory_space<hbm>>, %arg5: memref<1980xf32, #tpu.memory_space<vmem>>, %arg6: memref<640xi32, #tpu.memory_space<vmem>>, %arg7: memref<640xi32, #tpu.memory_space<vmem>>, %arg8: memref<20480xf32, #tpu.memory_space<vmem>>, %arg9: memref<20480xf32, #tpu.memory_space<vmem>>, %arg10: memref<!tpu.dma_semaphore, #tpu.memory_space<semaphore_mem>>, %arg11: memref<!tpu.dma_semaphore, #tpu.memory_space<semaphore_mem>>, %arg12: memref<!tpu.dma_semaphore, #tpu.memory_space<semaphore_mem>>, %arg13: memref<!tpu.dma_semaphore, #tpu.memory_space<semaphore_mem>>) attributes {dimension_semantics = [#tpu.dimension_semantics<core_parallel>, #tpu.dimension_semantics<subcore_parallel>], iteration_bounds = array<i64: 2, 16>, scalar_prefetch = 0 : i64, scratch_operands = 9 : i64, tpu.core_type = #tpu.core_type<sc_vector_subcore>, window_params = [{transform_indices = #map}, {transform_indices = #map}, {transform_indices = #map}]} {
    %mul3A = arith.constant 2 : i32
    %mul3A_0 = arith.muli %arg1, %mul3A : i32
    %add3A = arith.addi %mul3A_0, %arg0 : i32
    "tpu.region"() ({
      %run_scoped3A = tpu.sem_alloc : memref<!tpu.dma_semaphore, #tpu.memory_space<semaphore_mem>>
      tpu.enqueue_dma source(%arg3 : memref<1980xf32, #tpu.memory_space<hbm>>) target(%arg5 : memref<1980xf32, #tpu.memory_space<vmem>>) target_semaphore(%run_scoped3A : memref<!tpu.dma_semaphore, #tpu.memory_space<semaphore_mem>>)
      tpu.wait_dma2 semaphore(%run_scoped3A : memref<!tpu.dma_semaphore, #tpu.memory_space<semaphore_mem>>) src(%arg3 : memref<1980xf32, #tpu.memory_space<hbm>>) dst(%arg5 : memref<1980xf32, #tpu.memory_space<vmem>>)
      tpu.yield
    }) : () -> ()
    %mul3A_1 = arith.constant 390 : i32
    %mul3A_2 = arith.muli %add3A, %mul3A_1 : i32
    %add3A_3 = arith.constant 0 : i32
    %add3A_4 = arith.addi %mul3A_2, %add3A_3 : i32
    %mul3A_5 = arith.constant 128 : i32
    %mul3A_6 = arith.muli %add3A_4, %mul3A_5 : i32
    %dma_start3A = tpu.memref_slice %arg2[%mul3A_6] : memref<1600000xi32, #tpu.memory_space<hbm>> -> memref<640xi32, #tpu.memory_space<hbm>>
    %dma_start3A_7 = tpu.memref_slice %arg2[%mul3A_6] : memref<1600000xi32, #tpu.memory_space<hbm>> -> memref<640xi32, #tpu.memory_space<hbm>>
    tpu.enqueue_dma source(%dma_start3A_7 : memref<640xi32, #tpu.memory_space<hbm>>) target(%arg6 : memref<640xi32, #tpu.memory_space<vmem>>) target_semaphore(%arg10 : memref<!tpu.dma_semaphore, #tpu.memory_space<semaphore_mem>>)
    %scan3A = arith.constant 0 : i32
    %scan3A_8 = arith.constant 0 : i32
    %scan3A_9 = arith.constant 39 : i32
    %scan3A_10 = arith.addi %scan3A_8, %scan3A_9 : i32
    %scan3A_11 = arith.constant 1 : i32
    scf.for %scan3A_78 = %scan3A_8 to %scan3A_10 step %scan3A_11  : i32 {
      %mul3A_79 = arith.constant 2 : i32
      %mul3A_80 = arith.muli %mul3A_79, %scan3A_78 : i32
      %add3A_81 = arith.constant 1 : i32
      %add3A_82 = arith.addi %mul3A_80, %add3A_81 : i32
      %lt3A_83 = arith.constant 78 : i32
      %lt3A_84 = arith.cmpi slt, %add3A_82, %lt3A_83 : i32
      %convert_element_type3A_85 = arith.extui %lt3A_84 : i1 to i32
      %cond3A_86 = arith.constant 0 : i32
      %cond3A_87 = arith.cmpi ne, %convert_element_type3A_85, %cond3A_86 : i32
      scf.if %cond3A_87 {
        %add3A_207 = arith.constant 1 : i32
        %add3A_208 = arith.addi %mul3A_80, %add3A_207 : i32
        %mul3A_209 = arith.constant 5 : i32
        %mul3A_210 = arith.muli %add3A_208, %mul3A_209 : i32
        %add3A_211 = arith.addi %mul3A_2, %mul3A_210 : i32
        %mul3A_212 = arith.constant 128 : i32
        %mul3A_213 = arith.muli %add3A_211, %mul3A_212 : i32
        %dma_start3A_214 = tpu.memref_slice %arg2[%mul3A_213] : memref<1600000xi32, #tpu.memory_space<hbm>> -> memref<640xi32, #tpu.memory_space<hbm>>
        %dma_start3A_215 = tpu.memref_slice %arg2[%mul3A_213] : memref<1600000xi32, #tpu.memory_space<hbm>> -> memref<640xi32, #tpu.memory_space<hbm>>
        tpu.enqueue_dma source(%dma_start3A_215 : memref<640xi32, #tpu.memory_space<hbm>>) target(%arg7 : memref<640xi32, #tpu.memory_space<vmem>>) target_semaphore(%arg11 : memref<!tpu.dma_semaphore, #tpu.memory_space<semaphore_mem>>)
      } else {
      }
      %dma_wait3A_88 = arith.constant 0 : i32
      %dma_wait3A_89 = tpu.memref_slice %arg2[%dma_wait3A_88] : memref<1600000xi32, #tpu.memory_space<hbm>> -> memref<640xi32, #tpu.memory_space<hbm>>
      %dma_wait3A_90 = arith.constant 0 : i32
      %dma_wait3A_91 = tpu.memref_slice %arg2[%dma_wait3A_90] : memref<1600000xi32, #tpu.memory_space<hbm>> -> memref<640xi32, #tpu.memory_space<hbm>>
      tpu.wait_dma2 semaphore(%arg10 : memref<!tpu.dma_semaphore, #tpu.memory_space<semaphore_mem>>) src(%dma_wait3A_91 : memref<640xi32, #tpu.memory_space<hbm>>) dst(%arg6 : memref<640xi32, #tpu.memory_space<vmem>>)
      %ge3A = arith.constant 1 : i32
      %ge3A_92 = arith.cmpi sge, %scan3A_78, %ge3A : i32
      %convert_element_type3A_93 = arith.extui %ge3A_92 : i1 to i32
      %cond3A_94 = arith.constant 0 : i32
      %cond3A_95 = arith.cmpi ne, %convert_element_type3A_93, %cond3A_94 : i32
      scf.if %cond3A_95 {
        %dma_wait3A_207 = arith.constant 0 : i32
        %dma_wait3A_208 = tpu.memref_slice %arg8[%dma_wait3A_207] : memref<20480xf32, #tpu.memory_space<vmem>> -> memref<5120xf32, #tpu.memory_space<vmem>>
        %dma_wait3A_209 = arith.constant 0 : i32
        %dma_wait3A_210 = tpu.memref_slice %arg4[%dma_wait3A_209] : memref<51200000xf32, #tpu.memory_space<hbm>> -> memref<5120xf32, #tpu.memory_space<hbm>>
        %dma_wait3A_211 = arith.constant 0 : i32
        %dma_wait3A_212 = tpu.memref_slice %arg4[%dma_wait3A_211] : memref<51200000xf32, #tpu.memory_space<hbm>> -> memref<5120xf32, #tpu.memory_space<hbm>>
        %dma_wait3A_213 = arith.constant 0 : i32
        %dma_wait3A_214 = tpu.memref_slice %arg8[%dma_wait3A_213] : memref<20480xf32, #tpu.memory_space<vmem>> -> memref<5120xf32, #tpu.memory_space<vmem>>
        tpu.wait_dma2 semaphore(%arg12 : memref<!tpu.dma_semaphore, #tpu.memory_space<semaphore_mem>>) src(%dma_wait3A_214 : memref<5120xf32, #tpu.memory_space<vmem>>) dst(%dma_wait3A_212 : memref<5120xf32, #tpu.memory_space<hbm>>)
        %dma_wait3A_215 = arith.constant 0 : i32
        %dma_wait3A_216 = tpu.memref_slice %arg8[%dma_wait3A_215] : memref<20480xf32, #tpu.memory_space<vmem>> -> memref<5120xf32, #tpu.memory_space<vmem>>
        %dma_wait3A_217 = arith.constant 0 : i32
        %dma_wait3A_218 = tpu.memref_slice %arg4[%dma_wait3A_217] : memref<51200000xf32, #tpu.memory_space<hbm>> -> memref<5120xf32, #tpu.memory_space<hbm>>
        %dma_wait3A_219 = arith.constant 0 : i32
        %dma_wait3A_220 = tpu.memref_slice %arg4[%dma_wait3A_219] : memref<51200000xf32, #tpu.memory_space<hbm>> -> memref<5120xf32, #tpu.memory_space<hbm>>
        %dma_wait3A_221 = arith.constant 0 : i32
        %dma_wait3A_222 = tpu.memref_slice %arg8[%dma_wait3A_221] : memref<20480xf32, #tpu.memory_space<vmem>> -> memref<5120xf32, #tpu.memory_space<vmem>>
        tpu.wait_dma2 semaphore(%arg12 : memref<!tpu.dma_semaphore, #tpu.memory_space<semaphore_mem>>) src(%dma_wait3A_222 : memref<5120xf32, #tpu.memory_space<vmem>>) dst(%dma_wait3A_220 : memref<5120xf32, #tpu.memory_space<hbm>>)
        %dma_wait3A_223 = arith.constant 0 : i32
        %dma_wait3A_224 = tpu.memref_slice %arg8[%dma_wait3A_223] : memref<20480xf32, #tpu.memory_space<vmem>> -> memref<5120xf32, #tpu.memory_space<vmem>>
        %dma_wait3A_225 = arith.constant 0 : i32
        %dma_wait3A_226 = tpu.memref_slice %arg4[%dma_wait3A_225] : memref<51200000xf32, #tpu.memory_space<hbm>> -> memref<5120xf32, #tpu.memory_space<hbm>>
        %dma_wait3A_227 = arith.constant 0 : i32
        %dma_wait3A_228 = tpu.memref_slice %arg4[%dma_wait3A_227] : memref<51200000xf32, #tpu.memory_space<hbm>> -> memref<5120xf32, #tpu.memory_space<hbm>>
        %dma_wait3A_229 = arith.constant 0 : i32
        %dma_wait3A_230 = tpu.memref_slice %arg8[%dma_wait3A_229] : memref<20480xf32, #tpu.memory_space<vmem>> -> memref<5120xf32, #tpu.memory_space<vmem>>
        tpu.wait_dma2 semaphore(%arg12 : memref<!tpu.dma_semaphore, #tpu.memory_space<semaphore_mem>>) src(%dma_wait3A_230 : memref<5120xf32, #tpu.memory_space<vmem>>) dst(%dma_wait3A_228 : memref<5120xf32, #tpu.memory_space<hbm>>)
        %dma_wait3A_231 = arith.constant 0 : i32
        %dma_wait3A_232 = tpu.memref_slice %arg8[%dma_wait3A_231] : memref<20480xf32, #tpu.memory_space<vmem>> -> memref<5120xf32, #tpu.memory_space<vmem>>
        %dma_wait3A_233 = arith.constant 0 : i32
        %dma_wait3A_234 = tpu.memref_slice %arg4[%dma_wait3A_233] : memref<51200000xf32, #tpu.memory_space<hbm>> -> memref<5120xf32, #tpu.memory_space<hbm>>
        %dma_wait3A_235 = arith.constant 0 : i32
        %dma_wait3A_236 = tpu.memref_slice %arg4[%dma_wait3A_235] : memref<51200000xf32, #tpu.memory_space<hbm>> -> memref<5120xf32, #tpu.memory_space<hbm>>
        %dma_wait3A_237 = arith.constant 0 : i32
        %dma_wait3A_238 = tpu.memref_slice %arg8[%dma_wait3A_237] : memref<20480xf32, #tpu.memory_space<vmem>> -> memref<5120xf32, #tpu.memory_space<vmem>>
        tpu.wait_dma2 semaphore(%arg12 : memref<!tpu.dma_semaphore, #tpu.memory_space<semaphore_mem>>) src(%dma_wait3A_238 : memref<5120xf32, #tpu.memory_space<vmem>>) dst(%dma_wait3A_236 : memref<5120xf32, #tpu.memory_space<hbm>>)
      } else {
      }
      %parallel_loop3A = arith.constant 0 : i32
      %parallel_loop3A_96 = arith.constant 40 : i32
      %parallel_loop3A_97 = arith.constant 1 : i32
      scf.for %parallel_loop3A_207 = %parallel_loop3A to %parallel_loop3A_96 step %parallel_loop3A_97  : i32 {
        %parallel_loop3A_208 = arith.constant 16 : i32
        %parallel_loop3A_209 = arith.muli %parallel_loop3A_207, %parallel_loop3A_208 : i32
        %parallel_loop3A_210 = arith.index_cast %parallel_loop3A_209 : i32 to index
        %parallel_loop3A_211 = tpu.vector_load %arg6[%parallel_loop3A_210] {strides = array<i32>} : memref<640xi32, #tpu.memory_space<vmem>>, vector<16xi32>,
        %parallel_loop3A_212 = arith.constant 8 : i32
        %parallel_loop3A_213 = arith.divsi %parallel_loop3A_207, %parallel_loop3A_212 : i32
        %parallel_loop3A_214 = arith.constant 1024 : i32
        %parallel_loop3A_215 = arith.muli %parallel_loop3A_213, %parallel_loop3A_214 : i32
        %parallel_loop3A_216 = arith.constant 8 : i32
        %parallel_loop3A_217 = arith.muli %parallel_loop3A_213, %parallel_loop3A_216 : i32
        %parallel_loop3A_218 = arith.subi %parallel_loop3A_207, %parallel_loop3A_217 : i32
        %parallel_loop3A_219 = arith.constant 16 : i32
        %parallel_loop3A_220 = arith.muli %parallel_loop3A_218, %parallel_loop3A_219 : i32
        %parallel_loop3A_221 = arith.addi %parallel_loop3A_215, %parallel_loop3A_220 : i32
        %parallel_loop3A_222 = arith.constant 0 : i32
        %parallel_loop3A_223 = vector.broadcast %parallel_loop3A_222 : i32 to vector<16xi32>
        %parallel_loop3A_224 = arith.addi %parallel_loop3A_211, %parallel_loop3A_223 : vector<16xi32>
        %parallel_loop3A_225 = tpu.vector_load_idx %arg5[%parallel_loop3A_224] : memref<1980xf32, #tpu.memory_space<vmem>>[vector<16xi32>], vector<16xf32>,
        %parallel_loop3A_226 = arith.constant 1 : i32
        %parallel_loop3A_227 = vector.broadcast %parallel_loop3A_226 : i32 to vector<16xi32>
        %parallel_loop3A_228 = arith.addi %parallel_loop3A_211, %parallel_loop3A_227 : vector<16xi32>
        %parallel_loop3A_229 = tpu.vector_load_idx %arg5[%parallel_loop3A_228] : memref<1980xf32, #tpu.memory_space<vmem>>[vector<16xi32>], vector<16xf32>,
        %parallel_loop3A_230 = arith.constant 2 : i32
        %parallel_loop3A_231 = vector.broadcast %parallel_loop3A_230 : i32 to vector<16xi32>
        %parallel_loop3A_232 = arith.addi %parallel_loop3A_211, %parallel_loop3A_231 : vector<16xi32>
        %parallel_loop3A_233 = tpu.vector_load_idx %arg5[%parallel_loop3A_232] : memref<1980xf32, #tpu.memory_space<vmem>>[vector<16xi32>], vector<16xf32>,
        %parallel_loop3A_234 = arith.constant 3 : i32
        %parallel_loop3A_235 = vector.broadcast %parallel_loop3A_234 : i32 to vector<16xi32>
        %parallel_loop3A_236 = arith.addi %parallel_loop3A_211, %parallel_loop3A_235 : vector<16xi32>
        %parallel_loop3A_237 = tpu.vector_load_idx %arg5[%parallel_loop3A_236] : memref<1980xf32, #tpu.memory_space<vmem>>[vector<16xi32>], vector<16xf32>,
        %parallel_loop3A_238 = arith.constant 4 : i32
        %parallel_loop3A_239 = vector.broadcast %parallel_loop3A_238 : i32 to vector<16xi32>
        %parallel_loop3A_240 = arith.addi %parallel_loop3A_211, %parallel_loop3A_239 : vector<16xi32>
        %parallel_loop3A_241 = tpu.vector_load_idx %arg5[%parallel_loop3A_240] : memref<1980xf32, #tpu.memory_space<vmem>>[vector<16xi32>], vector<16xf32>,
        %parallel_loop3A_242 = arith.constant 5 : i32
        %parallel_loop3A_243 = vector.broadcast %parallel_loop3A_242 : i32 to vector<16xi32>
        %parallel_loop3A_244 = arith.addi %parallel_loop3A_211, %parallel_loop3A_243 : vector<16xi32>
        %parallel_loop3A_245 = tpu.vector_load_idx %arg5[%parallel_loop3A_244] : memref<1980xf32, #tpu.memory_space<vmem>>[vector<16xi32>], vector<16xf32>,
        %parallel_loop3A_246 = arith.constant 6 : i32
        %parallel_loop3A_247 = vector.broadcast %parallel_loop3A_246 : i32 to vector<16xi32>
        %parallel_loop3A_248 = arith.addi %parallel_loop3A_211, %parallel_loop3A_247 : vector<16xi32>
        %parallel_loop3A_249 = tpu.vector_load_idx %arg5[%parallel_loop3A_248] : memref<1980xf32, #tpu.memory_space<vmem>>[vector<16xi32>], vector<16xf32>,
        %parallel_loop3A_250 = arith.constant 7 : i32
        %parallel_loop3A_251 = vector.broadcast %parallel_loop3A_250 : i32 to vector<16xi32>
        %parallel_loop3A_252 = arith.addi %parallel_loop3A_211, %parallel_loop3A_251 : vector<16xi32>
        %parallel_loop3A_253 = tpu.vector_load_idx %arg5[%parallel_loop3A_252] : memref<1980xf32, #tpu.memory_space<vmem>>[vector<16xi32>], vector<16xf32>,
        %parallel_loop3A_254 = arith.constant 8 : i32
        %parallel_loop3A_255 = vector.broadcast %parallel_loop3A_254 : i32 to vector<16xi32>
        %parallel_loop3A_256 = arith.addi %parallel_loop3A_211, %parallel_loop3A_255 : vector<16xi32>
        %parallel_loop3A_257 = tpu.vector_load_idx %arg5[%parallel_loop3A_256] : memref<1980xf32, #tpu.memory_space<vmem>>[vector<16xi32>], vector<16xf32>,
        %parallel_loop3A_258 = arith.constant 9 : i32
        %parallel_loop3A_259 = vector.broadcast %parallel_loop3A_258 : i32 to vector<16xi32>
        %parallel_loop3A_260 = arith.addi %parallel_loop3A_211, %parallel_loop3A_259 : vector<16xi32>
        %parallel_loop3A_261 = tpu.vector_load_idx %arg5[%parallel_loop3A_260] : memref<1980xf32, #tpu.memory_space<vmem>>[vector<16xi32>], vector<16xf32>,
        %parallel_loop3A_262 = arith.constant 10 : i32
        %parallel_loop3A_263 = vector.broadcast %parallel_loop3A_262 : i32 to vector<16xi32>
        %parallel_loop3A_264 = arith.addi %parallel_loop3A_211, %parallel_loop3A_263 : vector<16xi32>
        %parallel_loop3A_265 = tpu.vector_load_idx %arg5[%parallel_loop3A_264] : memref<1980xf32, #tpu.memory_space<vmem>>[vector<16xi32>], vector<16xf32>,
        %parallel_loop3A_266 = arith.constant 11 : i32
        %parallel_loop3A_267 = vector.broadcast %parallel_loop3A_266 : i32 to vector<16xi32>
        %parallel_loop3A_268 = arith.addi %parallel_loop3A_211, %parallel_loop3A_267 : vector<16xi32>
        %parallel_loop3A_269 = tpu.vector_load_idx %arg5[%parallel_loop3A_268] : memref<1980xf32, #tpu.memory_space<vmem>>[vector<16xi32>], vector<16xf32>,
        %parallel_loop3A_270 = arith.constant 12 : i32
        %parallel_loop3A_271 = vector.broadcast %parallel_loop3A_270 : i32 to vector<16xi32>
        %parallel_loop3A_272 = arith.addi %parallel_loop3A_211, %parallel_loop3A_271 : vector<16xi32>
        %parallel_loop3A_273 = tpu.vector_load_idx %arg5[%parallel_loop3A_272] : memref<1980xf32, #tpu.memory_space<vmem>>[vector<16xi32>], vector<16xf32>,
        %parallel_loop3A_274 = arith.constant 13 : i32
        %parallel_loop3A_275 = vector.broadcast %parallel_loop3A_274 : i32 to vector<16xi32>
        %parallel_loop3A_276 = arith.addi %parallel_loop3A_211, %parallel_loop3A_275 : vector<16xi32>
        %parallel_loop3A_277 = tpu.vector_load_idx %arg5[%parallel_loop3A_276] : memref<1980xf32, #tpu.memory_space<vmem>>[vector<16xi32>], vector<16xf32>,
        %parallel_loop3A_278 = arith.constant 14 : i32
        %parallel_loop3A_279 = vector.broadcast %parallel_loop3A_278 : i32 to vector<16xi32>
        %parallel_loop3A_280 = arith.addi %parallel_loop3A_211, %parallel_loop3A_279 : vector<16xi32>
        %parallel_loop3A_281 = tpu.vector_load_idx %arg5[%parallel_loop3A_280] : memref<1980xf32, #tpu.memory_space<vmem>>[vector<16xi32>], vector<16xf32>,
        %parallel_loop3A_282 = arith.constant 15 : i32
        %parallel_loop3A_283 = vector.broadcast %parallel_loop3A_282 : i32 to vector<16xi32>
        %parallel_loop3A_284 = arith.addi %parallel_loop3A_211, %parallel_loop3A_283 : vector<16xi32>
        %parallel_loop3A_285 = tpu.vector_load_idx %arg5[%parallel_loop3A_284] : memref<1980xf32, #tpu.memory_space<vmem>>[vector<16xi32>], vector<16xf32>,
        %parallel_loop3A_286 = arith.constant 16 : i32
        %parallel_loop3A_287 = vector.broadcast %parallel_loop3A_286 : i32 to vector<16xi32>
        %parallel_loop3A_288 = arith.addi %parallel_loop3A_211, %parallel_loop3A_287 : vector<16xi32>
        %parallel_loop3A_289 = tpu.vector_load_idx %arg5[%parallel_loop3A_288] : memref<1980xf32, #tpu.memory_space<vmem>>[vector<16xi32>], vector<16xf32>,
        %parallel_loop3A_290 = arith.constant 17 : i32
        %parallel_loop3A_291 = vector.broadcast %parallel_loop3A_290 : i32 to vector<16xi32>
        %parallel_loop3A_292 = arith.addi %parallel_loop3A_211, %parallel_loop3A_291 : vector<16xi32>
        %parallel_loop3A_293 = tpu.vector_load_idx %arg5[%parallel_loop3A_292] : memref<1980xf32, #tpu.memory_space<vmem>>[vector<16xi32>], vector<16xf32>,
        %parallel_loop3A_294 = arith.constant 18 : i32
        %parallel_loop3A_295 = vector.broadcast %parallel_loop3A_294 : i32 to vector<16xi32>
        %parallel_loop3A_296 = arith.addi %parallel_loop3A_211, %parallel_loop3A_295 : vector<16xi32>
        %parallel_loop3A_297 = tpu.vector_load_idx %arg5[%parallel_loop3A_296] : memref<1980xf32, #tpu.memory_space<vmem>>[vector<16xi32>], vector<16xf32>,
        %parallel_loop3A_298 = arith.constant 19 : i32
        %parallel_loop3A_299 = vector.broadcast %parallel_loop3A_298 : i32 to vector<16xi32>
        %parallel_loop3A_300 = arith.addi %parallel_loop3A_211, %parallel_loop3A_299 : vector<16xi32>
        %parallel_loop3A_301 = tpu.vector_load_idx %arg5[%parallel_loop3A_300] : memref<1980xf32, #tpu.memory_space<vmem>>[vector<16xi32>], vector<16xf32>,
        %parallel_loop3A_302 = arith.constant 20 : i32
        %parallel_loop3A_303 = vector.broadcast %parallel_loop3A_302 : i32 to vector<16xi32>
        %parallel_loop3A_304 = arith.addi %parallel_loop3A_211, %parallel_loop3A_303 : vector<16xi32>
        %parallel_loop3A_305 = tpu.vector_load_idx %arg5[%parallel_loop3A_304] : memref<1980xf32, #tpu.memory_space<vmem>>[vector<16xi32>], vector<16xf32>,
        %parallel_loop3A_306 = arith.constant 21 : i32
        %parallel_loop3A_307 = vector.broadcast %parallel_loop3A_306 : i32 to vector<16xi32>
        %parallel_loop3A_308 = arith.addi %parallel_loop3A_211, %parallel_loop3A_307 : vector<16xi32>
        %parallel_loop3A_309 = tpu.vector_load_idx %arg5[%parallel_loop3A_308] : memref<1980xf32, #tpu.memory_space<vmem>>[vector<16xi32>], vector<16xf32>,
        %parallel_loop3A_310 = arith.constant 22 : i32
        %parallel_loop3A_311 = vector.broadcast %parallel_loop3A_310 : i32 to vector<16xi32>
        %parallel_loop3A_312 = arith.addi %parallel_loop3A_211, %parallel_loop3A_311 : vector<16xi32>
        %parallel_loop3A_313 = tpu.vector_load_idx %arg5[%parallel_loop3A_312] : memref<1980xf32, #tpu.memory_space<vmem>>[vector<16xi32>], vector<16xf32>,
        %parallel_loop3A_314 = arith.constant 23 : i32
        %parallel_loop3A_315 = vector.broadcast %parallel_loop3A_314 : i32 to vector<16xi32>
        %parallel_loop3A_316 = arith.addi %parallel_loop3A_211, %parallel_loop3A_315 : vector<16xi32>
        %parallel_loop3A_317 = tpu.vector_load_idx %arg5[%parallel_loop3A_316] : memref<1980xf32, #tpu.memory_space<vmem>>[vector<16xi32>], vector<16xf32>,
        %parallel_loop3A_318 = arith.constant 24 : i32
        %parallel_loop3A_319 = vector.broadcast %parallel_loop3A_318 : i32 to vector<16xi32>
        %parallel_loop3A_320 = arith.addi %parallel_loop3A_211, %parallel_loop3A_319 : vector<16xi32>
        %parallel_loop3A_321 = tpu.vector_load_idx %arg5[%parallel_loop3A_320] : memref<1980xf32, #tpu.memory_space<vmem>>[vector<16xi32>], vector<16xf32>,
        %parallel_loop3A_322 = arith.constant 25 : i32
        %parallel_loop3A_323 = vector.broadcast %parallel_loop3A_322 : i32 to vector<16xi32>
        %parallel_loop3A_324 = arith.addi %parallel_loop3A_211, %parallel_loop3A_323 : vector<16xi32>
        %parallel_loop3A_325 = tpu.vector_load_idx %arg5[%parallel_loop3A_324] : memref<1980xf32, #tpu.memory_space<vmem>>[vector<16xi32>], vector<16xf32>,
        %parallel_loop3A_326 = arith.constant 26 : i32
        %parallel_loop3A_327 = vector.broadcast %parallel_loop3A_326 : i32 to vector<16xi32>
        %parallel_loop3A_328 = arith.addi %parallel_loop3A_211, %parallel_loop3A_327 : vector<16xi32>
        %parallel_loop3A_329 = tpu.vector_load_idx %arg5[%parallel_loop3A_328] : memref<1980xf32, #tpu.memory_space<vmem>>[vector<16xi32>], vector<16xf32>,
        %parallel_loop3A_330 = arith.constant 27 : i32
        %parallel_loop3A_331 = vector.broadcast %parallel_loop3A_330 : i32 to vector<16xi32>
        %parallel_loop3A_332 = arith.addi %parallel_loop3A_211, %parallel_loop3A_331 : vector<16xi32>
        %parallel_loop3A_333 = tpu.vector_load_idx %arg5[%parallel_loop3A_332] : memref<1980xf32, #tpu.memory_space<vmem>>[vector<16xi32>], vector<16xf32>,
        %parallel_loop3A_334 = arith.constant 28 : i32
        %parallel_loop3A_335 = vector.broadcast %parallel_loop3A_334 : i32 to vector<16xi32>
        %parallel_loop3A_336 = arith.addi %parallel_loop3A_211, %parallel_loop3A_335 : vector<16xi32>
        %parallel_loop3A_337 = tpu.vector_load_idx %arg5[%parallel_loop3A_336] : memref<1980xf32, #tpu.memory_space<vmem>>[vector<16xi32>], vector<16xf32>,
        %parallel_loop3A_338 = arith.constant 29 : i32
        %parallel_loop3A_339 = vector.broadcast %parallel_loop3A_338 : i32 to vector<16xi32>
        %parallel_loop3A_340 = arith.addi %parallel_loop3A_211, %parallel_loop3A_339 : vector<16xi32>
        %parallel_loop3A_341 = tpu.vector_load_idx %arg5[%parallel_loop3A_340] : memref<1980xf32, #tpu.memory_space<vmem>>[vector<16xi32>], vector<16xf32>,
        %parallel_loop3A_342 = arith.constant 30 : i32
        %parallel_loop3A_343 = vector.broadcast %parallel_loop3A_342 : i32 to vector<16xi32>
        %parallel_loop3A_344 = arith.addi %parallel_loop3A_211, %parallel_loop3A_343 : vector<16xi32>
        %parallel_loop3A_345 = tpu.vector_load_idx %arg5[%parallel_loop3A_344] : memref<1980xf32, #tpu.memory_space<vmem>>[vector<16xi32>], vector<16xf32>,
        %parallel_loop3A_346 = arith.constant 31 : i32
        %parallel_loop3A_347 = vector.broadcast %parallel_loop3A_346 : i32 to vector<16xi32>
        %parallel_loop3A_348 = arith.addi %parallel_loop3A_211, %parallel_loop3A_347 : vector<16xi32>
        %parallel_loop3A_349 = tpu.vector_load_idx %arg5[%parallel_loop3A_348] : memref<1980xf32, #tpu.memory_space<vmem>>[vector<16xi32>], vector<16xf32>,
        %parallel_loop3A_350 = arith.constant 0 : i32
        %parallel_loop3A_351 = arith.addi %parallel_loop3A_350, %parallel_loop3A_221 : i32
        %parallel_loop3A_352 = arith.constant 0 : i32
        %parallel_loop3A_353 = arith.addi %parallel_loop3A_351, %parallel_loop3A_352 : i32
        %parallel_loop3A_354 = arith.index_cast %parallel_loop3A_353 : i32 to index
        %parallel_loop3A_355 = tpu.vector_load %arg8[%parallel_loop3A_354] {strides = array<i32>} : memref<20480xf32, #tpu.memory_space<vmem>>, vector<16xf32>,
        tpu.vector_store %arg8[%parallel_loop3A_354], %parallel_loop3A_225 {strides = array<i32>} : memref<20480xf32, #tpu.memory_space<vmem>>, vector<16xf32>,
        %parallel_loop3A_356 = arith.constant 0 : i32
        %parallel_loop3A_357 = arith.addi %parallel_loop3A_356, %parallel_loop3A_221 : i32
        %parallel_loop3A_358 = arith.constant 128 : i32
        %parallel_loop3A_359 = arith.addi %parallel_loop3A_357, %parallel_loop3A_358 : i32
        %parallel_loop3A_360 = arith.index_cast %parallel_loop3A_359 : i32 to index
        %parallel_loop3A_361 = tpu.vector_load %arg8[%parallel_loop3A_360] {strides = array<i32>} : memref<20480xf32, #tpu.memory_space<vmem>>, vector<16xf32>,
        tpu.vector_store %arg8[%parallel_loop3A_360], %parallel_loop3A_229 {strides = array<i32>} : memref<20480xf32, #tpu.memory_space<vmem>>, vector<16xf32>,
        %parallel_loop3A_362 = arith.constant 0 : i32
        %parallel_loop3A_363 = arith.addi %parallel_loop3A_362, %parallel_loop3A_221 : i32
        %parallel_loop3A_364 = arith.constant 256 : i32
        %parallel_loop3A_365 = arith.addi %parallel_loop3A_363, %parallel_loop3A_364 : i32
        %parallel_loop3A_366 = arith.index_cast %parallel_loop3A_365 : i32 to index
        %parallel_loop3A_367 = tpu.vector_load %arg8[%parallel_loop3A_366] {strides = array<i32>} : memref<20480xf32, #tpu.memory_space<vmem>>, vector<16xf32>,
        tpu.vector_store %arg8[%parallel_loop3A_366], %parallel_loop3A_233 {strides = array<i32>} : memref<20480xf32, #tpu.memory_space<vmem>>, vector<16xf32>,
        %parallel_loop3A_368 = arith.constant 0 : i32
        %parallel_loop3A_369 = arith.addi %parallel_loop3A_368, %parallel_loop3A_221 : i32
        %parallel_loop3A_370 = arith.constant 384 : i32
        %parallel_loop3A_371 = arith.addi %parallel_loop3A_369, %parallel_loop3A_370 : i32
        %parallel_loop3A_372 = arith.index_cast %parallel_loop3A_371 : i32 to index
        %parallel_loop3A_373 = tpu.vector_load %arg8[%parallel_loop3A_372] {strides = array<i32>} : memref<20480xf32, #tpu.memory_space<vmem>>, vector<16xf32>,
        tpu.vector_store %arg8[%parallel_loop3A_372], %parallel_loop3A_237 {strides = array<i32>} : memref<20480xf32, #tpu.memory_space<vmem>>, vector<16xf32>,
        %parallel_loop3A_374 = arith.constant 0 : i32
        %parallel_loop3A_375 = arith.addi %parallel_loop3A_374, %parallel_loop3A_221 : i32
        %parallel_loop3A_376 = arith.constant 512 : i32
        %parallel_loop3A_377 = arith.addi %parallel_loop3A_375, %parallel_loop3A_376 : i32
        %parallel_loop3A_378 = arith.index_cast %parallel_loop3A_377 : i32 to index
        %parallel_loop3A_379 = tpu.vector_load %arg8[%parallel_loop3A_378] {strides = array<i32>} : memref<20480xf32, #tpu.memory_space<vmem>>, vector<16xf32>,
        tpu.vector_store %arg8[%parallel_loop3A_378], %parallel_loop3A_241 {strides = array<i32>} : memref<20480xf32, #tpu.memory_space<vmem>>, vector<16xf32>,
        %parallel_loop3A_380 = arith.constant 0 : i32
        %parallel_loop3A_381 = arith.addi %parallel_loop3A_380, %parallel_loop3A_221 : i32
        %parallel_loop3A_382 = arith.constant 640 : i32
        %parallel_loop3A_383 = arith.addi %parallel_loop3A_381, %parallel_loop3A_382 : i32
        %parallel_loop3A_384 = arith.index_cast %parallel_loop3A_383 : i32 to index
        %parallel_loop3A_385 = tpu.vector_load %arg8[%parallel_loop3A_384] {strides = array<i32>} : memref<20480xf32, #tpu.memory_space<vmem>>, vector<16xf32>,
        tpu.vector_store %arg8[%parallel_loop3A_384], %parallel_loop3A_245 {strides = array<i32>} : memref<20480xf32, #tpu.memory_space<vmem>>, vector<16xf32>,
        %parallel_loop3A_386 = arith.constant 0 : i32
        %parallel_loop3A_387 = arith.addi %parallel_loop3A_386, %parallel_loop3A_221 : i32
        %parallel_loop3A_388 = arith.constant 768 : i32
        %parallel_loop3A_389 = arith.addi %parallel_loop3A_387, %parallel_loop3A_388 : i32
        %parallel_loop3A_390 = arith.index_cast %parallel_loop3A_389 : i32 to index
        %parallel_loop3A_391 = tpu.vector_load %arg8[%parallel_loop3A_390] {strides = array<i32>} : memref<20480xf32, #tpu.memory_space<vmem>>, vector<16xf32>,
        tpu.vector_store %arg8[%parallel_loop3A_390], %parallel_loop3A_249 {strides = array<i32>} : memref<20480xf32, #tpu.memory_space<vmem>>, vector<16xf32>,
        %parallel_loop3A_392 = arith.constant 0 : i32
        %parallel_loop3A_393 = arith.addi %parallel_loop3A_392, %parallel_loop3A_221 : i32
        %parallel_loop3A_394 = arith.constant 896 : i32
        %parallel_loop3A_395 = arith.addi %parallel_loop3A_393, %parallel_loop3A_394 : i32
        %parallel_loop3A_396 = arith.index_cast %parallel_loop3A_395 : i32 to index
        %parallel_loop3A_397 = tpu.vector_load %arg8[%parallel_loop3A_396] {strides = array<i32>} : memref<20480xf32, #tpu.memory_space<vmem>>, vector<16xf32>,
        tpu.vector_store %arg8[%parallel_loop3A_396], %parallel_loop3A_253 {strides = array<i32>} : memref<20480xf32, #tpu.memory_space<vmem>>, vector<16xf32>,
        %parallel_loop3A_398 = arith.constant 5120 : i32
        %parallel_loop3A_399 = arith.addi %parallel_loop3A_398, %parallel_loop3A_221 : i32
        %parallel_loop3A_400 = arith.constant 0 : i32
        %parallel_loop3A_401 = arith.addi %parallel_loop3A_399, %parallel_loop3A_400 : i32
        %parallel_loop3A_402 = arith.index_cast %parallel_loop3A_401 : i32 to index
        %parallel_loop3A_403 = tpu.vector_load %arg8[%parallel_loop3A_402] {strides = array<i32>} : memref<20480xf32, #tpu.memory_space<vmem>>, vector<16xf32>,
        tpu.vector_store %arg8[%parallel_loop3A_402], %parallel_loop3A_257 {strides = array<i32>} : memref<20480xf32, #tpu.memory_space<vmem>>, vector<16xf32>,
        %parallel_loop3A_404 = arith.constant 5120 : i32
        %parallel_loop3A_405 = arith.addi %parallel_loop3A_404, %parallel_loop3A_221 : i32
        %parallel_loop3A_406 = arith.constant 128 : i32
        %parallel_loop3A_407 = arith.addi %parallel_loop3A_405, %parallel_loop3A_406 : i32
        %parallel_loop3A_408 = arith.index_cast %parallel_loop3A_407 : i32 to index
        %parallel_loop3A_409 = tpu.vector_load %arg8[%parallel_loop3A_408] {strides = array<i32>} : memref<20480xf32, #tpu.memory_space<vmem>>, vector<16xf32>,
        tpu.vector_store %arg8[%parallel_loop3A_408], %parallel_loop3A_261 {strides = array<i32>} : memref<20480xf32, #tpu.memory_space<vmem>>, vector<16xf32>,
        %parallel_loop3A_410 = arith.constant 5120 : i32
        %parallel_loop3A_411 = arith.addi %parallel_loop3A_410, %parallel_loop3A_221 : i32
        %parallel_loop3A_412 = arith.constant 256 : i32
        %parallel_loop3A_413 = arith.addi %parallel_loop3A_411, %parallel_loop3A_412 : i32
        %parallel_loop3A_414 = arith.index_cast %parallel_loop3A_413 : i32 to index
        %parallel_loop3A_415 = tpu.vector_load %arg8[%parallel_loop3A_414] {strides = array<i32>} : memref<20480xf32, #tpu.memory_space<vmem>>, vector<16xf32>,
        tpu.vector_store %arg8[%parallel_loop3A_414], %parallel_loop3A_265 {strides = array<i32>} : memref<20480xf32, #tpu.memory_space<vmem>>, vector<16xf32>,
        %parallel_loop3A_416 = arith.constant 5120 : i32
        %parallel_loop3A_417 = arith.addi %parallel_loop3A_416, %parallel_loop3A_221 : i32
        %parallel_loop3A_418 = arith.constant 384 : i32
        %parallel_loop3A_419 = arith.addi %parallel_loop3A_417, %parallel_loop3A_418 : i32
        %parallel_loop3A_420 = arith.index_cast %parallel_loop3A_419 : i32 to index
        %parallel_loop3A_421 = tpu.vector_load %arg8[%parallel_loop3A_420] {strides = array<i32>} : memref<20480xf32, #tpu.memory_space<vmem>>, vector<16xf32>,
        tpu.vector_store %arg8[%parallel_loop3A_420], %parallel_loop3A_269 {strides = array<i32>} : memref<20480xf32, #tpu.memory_space<vmem>>, vector<16xf32>,
        %parallel_loop3A_422 = arith.constant 5120 : i32
        %parallel_loop3A_423 = arith.addi %parallel_loop3A_422, %parallel_loop3A_221 : i32
        %parallel_loop3A_424 = arith.constant 512 : i32
        %parallel_loop3A_425 = arith.addi %parallel_loop3A_423, %parallel_loop3A_424 : i32
        %parallel_loop3A_426 = arith.index_cast %parallel_loop3A_425 : i32 to index
        %parallel_loop3A_427 = tpu.vector_load %arg8[%parallel_loop3A_426] {strides = array<i32>} : memref<20480xf32, #tpu.memory_space<vmem>>, vector<16xf32>,
        tpu.vector_store %arg8[%parallel_loop3A_426], %parallel_loop3A_273 {strides = array<i32>} : memref<20480xf32, #tpu.memory_space<vmem>>, vector<16xf32>,
        %parallel_loop3A_428 = arith.constant 5120 : i32
        %parallel_loop3A_429 = arith.addi %parallel_loop3A_428, %parallel_loop3A_221 : i32
        %parallel_loop3A_430 = arith.constant 640 : i32
        %parallel_loop3A_431 = arith.addi %parallel_loop3A_429, %parallel_loop3A_430 : i32
        %parallel_loop3A_432 = arith.index_cast %parallel_loop3A_431 : i32 to index
        %parallel_loop3A_433 = tpu.vector_load %arg8[%parallel_loop3A_432] {strides = array<i32>} : memref<20480xf32, #tpu.memory_space<vmem>>, vector<16xf32>,
        tpu.vector_store %arg8[%parallel_loop3A_432], %parallel_loop3A_277 {strides = array<i32>} : memref<20480xf32, #tpu.memory_space<vmem>>, vector<16xf32>,
        %parallel_loop3A_434 = arith.constant 5120 : i32
        %parallel_loop3A_435 = arith.addi %parallel_loop3A_434, %parallel_loop3A_221 : i32
        %parallel_loop3A_436 = arith.constant 768 : i32
        %parallel_loop3A_437 = arith.addi %parallel_loop3A_435, %parallel_loop3A_436 : i32
        %parallel_loop3A_438 = arith.index_cast %parallel_loop3A_437 : i32 to index
        %parallel_loop3A_439 = tpu.vector_load %arg8[%parallel_loop3A_438] {strides = array<i32>} : memref<20480xf32, #tpu.memory_space<vmem>>, vector<16xf32>,
        tpu.vector_store %arg8[%parallel_loop3A_438], %parallel_loop3A_281 {strides = array<i32>} : memref<20480xf32, #tpu.memory_space<vmem>>, vector<16xf32>,
        %parallel_loop3A_440 = arith.constant 5120 : i32
        %parallel_loop3A_441 = arith.addi %parallel_loop3A_440, %parallel_loop3A_221 : i32
        %parallel_loop3A_442 = arith.constant 896 : i32
        %parallel_loop3A_443 = arith.addi %parallel_loop3A_441, %parallel_loop3A_442 : i32
        %parallel_loop3A_444 = arith.index_cast %parallel_loop3A_443 : i32 to index
        %parallel_loop3A_445 = tpu.vector_load %arg8[%parallel_loop3A_444] {strides = array<i32>} : memref<20480xf32, #tpu.memory_space<vmem>>, vector<16xf32>,
        tpu.vector_store %arg8[%parallel_loop3A_444], %parallel_loop3A_285 {strides = array<i32>} : memref<20480xf32, #tpu.memory_space<vmem>>, vector<16xf32>,
        %parallel_loop3A_446 = arith.constant 10240 : i32
        %parallel_loop3A_447 = arith.addi %parallel_loop3A_446, %parallel_loop3A_221 : i32
        %parallel_loop3A_448 = arith.constant 0 : i32
        %parallel_loop3A_449 = arith.addi %parallel_loop3A_447, %parallel_loop3A_448 : i32
        %parallel_loop3A_450 = arith.index_cast %parallel_loop3A_449 : i32 to index
        %parallel_loop3A_451 = tpu.vector_load %arg8[%parallel_loop3A_450] {strides = array<i32>} : memref<20480xf32, #tpu.memory_space<vmem>>, vector<16xf32>,
        tpu.vector_store %arg8[%parallel_loop3A_450], %parallel_loop3A_289 {strides = array<i32>} : memref<20480xf32, #tpu.memory_space<vmem>>, vector<16xf32>,
        %parallel_loop3A_452 = arith.constant 10240 : i32
        %parallel_loop3A_453 = arith.addi %parallel_loop3A_452, %parallel_loop3A_221 : i32
        %parallel_loop3A_454 = arith.constant 128 : i32
        %parallel_loop3A_455 = arith.addi %parallel_loop3A_453, %parallel_loop3A_454 : i32
        %parallel_loop3A_456 = arith.index_cast %parallel_loop3A_455 : i32 to index
        %parallel_loop3A_457 = tpu.vector_load %arg8[%parallel_loop3A_456] {strides = array<i32>} : memref<20480xf32, #tpu.memory_space<vmem>>, vector<16xf32>,
        tpu.vector_store %arg8[%parallel_loop3A_456], %parallel_loop3A_293 {strides = array<i32>} : memref<20480xf32, #tpu.memory_space<vmem>>, vector<16xf32>,
        %parallel_loop3A_458 = arith.constant 10240 : i32
        %parallel_loop3A_459 = arith.addi %parallel_loop3A_458, %parallel_loop3A_221 : i32
        %parallel_loop3A_460 = arith.constant 256 : i32
        %parallel_loop3A_461 = arith.addi %parallel_loop3A_459, %parallel_loop3A_460 : i32
        %parallel_loop3A_462 = arith.index_cast %parallel_loop3A_461 : i32 to index
        %parallel_loop3A_463 = tpu.vector_load %arg8[%parallel_loop3A_462] {strides = array<i32>} : memref<20480xf32, #tpu.memory_space<vmem>>, vector<16xf32>,
        tpu.vector_store %arg8[%parallel_loop3A_462], %parallel_loop3A_297 {strides = array<i32>} : memref<20480xf32, #tpu.memory_space<vmem>>, vector<16xf32>,
        %parallel_loop3A_464 = arith.constant 10240 : i32
        %parallel_loop3A_465 = arith.addi %parallel_loop3A_464, %parallel_loop3A_221 : i32
        %parallel_loop3A_466 = arith.constant 384 : i32
        %parallel_loop3A_467 = arith.addi %parallel_loop3A_465, %parallel_loop3A_466 : i32
        %parallel_loop3A_468 = arith.index_cast %parallel_loop3A_467 : i32 to index
        %parallel_loop3A_469 = tpu.vector_load %arg8[%parallel_loop3A_468] {strides = array<i32>} : memref<20480xf32, #tpu.memory_space<vmem>>, vector<16xf32>,
        tpu.vector_store %arg8[%parallel_loop3A_468], %parallel_loop3A_301 {strides = array<i32>} : memref<20480xf32, #tpu.memory_space<vmem>>, vector<16xf32>,
        %parallel_loop3A_470 = arith.constant 10240 : i32
        %parallel_loop3A_471 = arith.addi %parallel_loop3A_470, %parallel_loop3A_221 : i32
        %parallel_loop3A_472 = arith.constant 512 : i32
        %parallel_loop3A_473 = arith.addi %parallel_loop3A_471, %parallel_loop3A_472 : i32
        %parallel_loop3A_474 = arith.index_cast %parallel_loop3A_473 : i32 to index
        %parallel_loop3A_475 = tpu.vector_load %arg8[%parallel_loop3A_474] {strides = array<i32>} : memref<20480xf32, #tpu.memory_space<vmem>>, vector<16xf32>,
        tpu.vector_store %arg8[%parallel_loop3A_474], %parallel_loop3A_305 {strides = array<i32>} : memref<20480xf32, #tpu.memory_space<vmem>>, vector<16xf32>,
        %parallel_loop3A_476 = arith.constant 10240 : i32
        %parallel_loop3A_477 = arith.addi %parallel_loop3A_476, %parallel_loop3A_221 : i32
        %parallel_loop3A_478 = arith.constant 640 : i32
        %parallel_loop3A_479 = arith.addi %parallel_loop3A_477, %parallel_loop3A_478 : i32
        %parallel_loop3A_480 = arith.index_cast %parallel_loop3A_479 : i32 to index
        %parallel_loop3A_481 = tpu.vector_load %arg8[%parallel_loop3A_480] {strides = array<i32>} : memref<20480xf32, #tpu.memory_space<vmem>>, vector<16xf32>,
        tpu.vector_store %arg8[%parallel_loop3A_480], %parallel_loop3A_309 {strides = array<i32>} : memref<20480xf32, #tpu.memory_space<vmem>>, vector<16xf32>,
        %parallel_loop3A_482 = arith.constant 10240 : i32
        %parallel_loop3A_483 = arith.addi %parallel_loop3A_482, %parallel_loop3A_221 : i32
        %parallel_loop3A_484 = arith.constant 768 : i32
        %parallel_loop3A_485 = arith.addi %parallel_loop3A_483, %parallel_loop3A_484 : i32
        %parallel_loop3A_486 = arith.index_cast %parallel_loop3A_485 : i32 to index
        %parallel_loop3A_487 = tpu.vector_load %arg8[%parallel_loop3A_486] {strides = array<i32>} : memref<20480xf32, #tpu.memory_space<vmem>>, vector<16xf32>,
        tpu.vector_store %arg8[%parallel_loop3A_486], %parallel_loop3A_313 {strides = array<i32>} : memref<20480xf32, #tpu.memory_space<vmem>>, vector<16xf32>,
        %parallel_loop3A_488 = arith.constant 10240 : i32
        %parallel_loop3A_489 = arith.addi %parallel_loop3A_488, %parallel_loop3A_221 : i32
        %parallel_loop3A_490 = arith.constant 896 : i32
        %parallel_loop3A_491 = arith.addi %parallel_loop3A_489, %parallel_loop3A_490 : i32
        %parallel_loop3A_492 = arith.index_cast %parallel_loop3A_491 : i32 to index
        %parallel_loop3A_493 = tpu.vector_load %arg8[%parallel_loop3A_492] {strides = array<i32>} : memref<20480xf32, #tpu.memory_space<vmem>>, vector<16xf32>,
        tpu.vector_store %arg8[%parallel_loop3A_492], %parallel_loop3A_317 {strides = array<i32>} : memref<20480xf32, #tpu.memory_space<vmem>>, vector<16xf32>,
        %parallel_loop3A_494 = arith.constant 15360 : i32
        %parallel_loop3A_495 = arith.addi %parallel_loop3A_494, %parallel_loop3A_221 : i32
        %parallel_loop3A_496 = arith.constant 0 : i32
        %parallel_loop3A_497 = arith.addi %parallel_loop3A_495, %parallel_loop3A_496 : i32
        %parallel_loop3A_498 = arith.index_cast %parallel_loop3A_497 : i32 to index
        %parallel_loop3A_499 = tpu.vector_load %arg8[%parallel_loop3A_498] {strides = array<i32>} : memref<20480xf32, #tpu.memory_space<vmem>>, vector<16xf32>,
        tpu.vector_store %arg8[%parallel_loop3A_498], %parallel_loop3A_321 {strides = array<i32>} : memref<20480xf32, #tpu.memory_space<vmem>>, vector<16xf32>,
        %parallel_loop3A_500 = arith.constant 15360 : i32
        %parallel_loop3A_501 = arith.addi %parallel_loop3A_500, %parallel_loop3A_221 : i32
        %parallel_loop3A_502 = arith.constant 128 : i32
        %parallel_loop3A_503 = arith.addi %parallel_loop3A_501, %parallel_loop3A_502 : i32
        %parallel_loop3A_504 = arith.index_cast %parallel_loop3A_503 : i32 to index
        %parallel_loop3A_505 = tpu.vector_load %arg8[%parallel_loop3A_504] {strides = array<i32>} : memref<20480xf32, #tpu.memory_space<vmem>>, vector<16xf32>,
        tpu.vector_store %arg8[%parallel_loop3A_504], %parallel_loop3A_325 {strides = array<i32>} : memref<20480xf32, #tpu.memory_space<vmem>>, vector<16xf32>,
        %parallel_loop3A_506 = arith.constant 15360 : i32
        %parallel_loop3A_507 = arith.addi %parallel_loop3A_506, %parallel_loop3A_221 : i32
        %parallel_loop3A_508 = arith.constant 256 : i32
        %parallel_loop3A_509 = arith.addi %parallel_loop3A_507, %parallel_loop3A_508 : i32
        %parallel_loop3A_510 = arith.index_cast %parallel_loop3A_509 : i32 to index
        %parallel_loop3A_511 = tpu.vector_load %arg8[%parallel_loop3A_510] {strides = array<i32>} : memref<20480xf32, #tpu.memory_space<vmem>>, vector<16xf32>,
        tpu.vector_store %arg8[%parallel_loop3A_510], %parallel_loop3A_329 {strides = array<i32>} : memref<20480xf32, #tpu.memory_space<vmem>>, vector<16xf32>,
        %parallel_loop3A_512 = arith.constant 15360 : i32
        %parallel_loop3A_513 = arith.addi %parallel_loop3A_512, %parallel_loop3A_221 : i32
        %parallel_loop3A_514 = arith.constant 384 : i32
        %parallel_loop3A_515 = arith.addi %parallel_loop3A_513, %parallel_loop3A_514 : i32
        %parallel_loop3A_516 = arith.index_cast %parallel_loop3A_515 : i32 to index
        %parallel_loop3A_517 = tpu.vector_load %arg8[%parallel_loop3A_516] {strides = array<i32>} : memref<20480xf32, #tpu.memory_space<vmem>>, vector<16xf32>,
        tpu.vector_store %arg8[%parallel_loop3A_516], %parallel_loop3A_333 {strides = array<i32>} : memref<20480xf32, #tpu.memory_space<vmem>>, vector<16xf32>,
        %parallel_loop3A_518 = arith.constant 15360 : i32
        %parallel_loop3A_519 = arith.addi %parallel_loop3A_518, %parallel_loop3A_221 : i32
        %parallel_loop3A_520 = arith.constant 512 : i32
        %parallel_loop3A_521 = arith.addi %parallel_loop3A_519, %parallel_loop3A_520 : i32
        %parallel_loop3A_522 = arith.index_cast %parallel_loop3A_521 : i32 to index
        %parallel_loop3A_523 = tpu.vector_load %arg8[%parallel_loop3A_522] {strides = array<i32>} : memref<20480xf32, #tpu.memory_space<vmem>>, vector<16xf32>,
        tpu.vector_store %arg8[%parallel_loop3A_522], %parallel_loop3A_337 {strides = array<i32>} : memref<20480xf32, #tpu.memory_space<vmem>>, vector<16xf32>,
        %parallel_loop3A_524 = arith.constant 15360 : i32
        %parallel_loop3A_525 = arith.addi %parallel_loop3A_524, %parallel_loop3A_221 : i32
        %parallel_loop3A_526 = arith.constant 640 : i32
        %parallel_loop3A_527 = arith.addi %parallel_loop3A_525, %parallel_loop3A_526 : i32
        %parallel_loop3A_528 = arith.index_cast %parallel_loop3A_527 : i32 to index
        %parallel_loop3A_529 = tpu.vector_load %arg8[%parallel_loop3A_528] {strides = array<i32>} : memref<20480xf32, #tpu.memory_space<vmem>>, vector<16xf32>,
        tpu.vector_store %arg8[%parallel_loop3A_528], %parallel_loop3A_341 {strides = array<i32>} : memref<20480xf32, #tpu.memory_space<vmem>>, vector<16xf32>,
        %parallel_loop3A_530 = arith.constant 15360 : i32
        %parallel_loop3A_531 = arith.addi %parallel_loop3A_530, %parallel_loop3A_221 : i32
        %parallel_loop3A_532 = arith.constant 768 : i32
        %parallel_loop3A_533 = arith.addi %parallel_loop3A_531, %parallel_loop3A_532 : i32
        %parallel_loop3A_534 = arith.index_cast %parallel_loop3A_533 : i32 to index
        %parallel_loop3A_535 = tpu.vector_load %arg8[%parallel_loop3A_534] {strides = array<i32>} : memref<20480xf32, #tpu.memory_space<vmem>>, vector<16xf32>,
        tpu.vector_store %arg8[%parallel_loop3A_534], %parallel_loop3A_345 {strides = array<i32>} : memref<20480xf32, #tpu.memory_space<vmem>>, vector<16xf32>,
        %parallel_loop3A_536 = arith.constant 15360 : i32
        %parallel_loop3A_537 = arith.addi %parallel_loop3A_536, %parallel_loop3A_221 : i32
        %parallel_loop3A_538 = arith.constant 896 : i32
        %parallel_loop3A_539 = arith.addi %parallel_loop3A_537, %parallel_loop3A_538 : i32
        %parallel_loop3A_540 = arith.index_cast %parallel_loop3A_539 : i32 to index
        %parallel_loop3A_541 = tpu.vector_load %arg8[%parallel_loop3A_540] {strides = array<i32>} : memref<20480xf32, #tpu.memory_space<vmem>>, vector<16xf32>,
        tpu.vector_store %arg8[%parallel_loop3A_540], %parallel_loop3A_349 {strides = array<i32>} : memref<20480xf32, #tpu.memory_space<vmem>>, vector<16xf32>,
      } {sc.loop_unroll_factor = 1 : i64, sc.parallel_access}
      %mul3A_98 = arith.constant 5 : i32
      %mul3A_99 = arith.muli %mul3A_80, %mul3A_98 : i32
      %add3A_100 = arith.addi %mul3A_2, %mul3A_99 : i32
      %add3A_101 = arith.constant 0 : i32
      %add3A_102 = arith.addi %add3A_101, %add3A_100 : i32
      %mul3A_103 = arith.constant 1024 : i32
      %mul3A_104 = arith.muli %add3A_102, %mul3A_103 : i32
      %dma_start3A_105 = arith.constant 0 : i32
      %dma_start3A_106 = tpu.memref_slice %arg8[%dma_start3A_105] : memref<20480xf32, #tpu.memory_space<vmem>> -> memref<5120xf32, #tpu.memory_space<vmem>>
      %dma_start3A_107 = tpu.memref_slice %arg4[%mul3A_104] : memref<51200000xf32, #tpu.memory_space<hbm>> -> memref<5120xf32, #tpu.memory_space<hbm>>
      %dma_start3A_108 = tpu.memref_slice %arg4[%mul3A_104] : memref<51200000xf32, #tpu.memory_space<hbm>> -> memref<5120xf32, #tpu.memory_space<hbm>>
      %dma_start3A_109 = arith.constant 0 : i32
      %dma_start3A_110 = tpu.memref_slice %arg8[%dma_start3A_109] : memref<20480xf32, #tpu.memory_space<vmem>> -> memref<5120xf32, #tpu.memory_space<vmem>>
      tpu.enqueue_dma source(%dma_start3A_110 : memref<5120xf32, #tpu.memory_space<vmem>>) target(%dma_start3A_108 : memref<5120xf32, #tpu.memory_space<hbm>>) target_semaphore(%arg12 : memref<!tpu.dma_semaphore, #tpu.memory_space<semaphore_mem>>)
      %add3A_111 = arith.constant 12500 : i32
      %add3A_112 = arith.addi %add3A_111, %add3A_100 : i32
      %mul3A_113 = arith.constant 1024 : i32
      %mul3A_114 = arith.muli %add3A_112, %mul3A_113 : i32
      %dma_start3A_115 = arith.constant 5120 : i32
      %dma_start3A_116 = tpu.memref_slice %arg8[%dma_start3A_115] : memref<20480xf32, #tpu.memory_space<vmem>> -> memref<5120xf32, #tpu.memory_space<vmem>>
      %dma_start3A_117 = tpu.memref_slice %arg4[%mul3A_114] : memref<51200000xf32, #tpu.memory_space<hbm>> -> memref<5120xf32, #tpu.memory_space<hbm>>
      %dma_start3A_118 = tpu.memref_slice %arg4[%mul3A_114] : memref<51200000xf32, #tpu.memory_space<hbm>> -> memref<5120xf32, #tpu.memory_space<hbm>>
      %dma_start3A_119 = arith.constant 5120 : i32
      %dma_start3A_120 = tpu.memref_slice %arg8[%dma_start3A_119] : memref<20480xf32, #tpu.memory_space<vmem>> -> memref<5120xf32, #tpu.memory_space<vmem>>
      tpu.enqueue_dma source(%dma_start3A_120 : memref<5120xf32, #tpu.memory_space<vmem>>) target(%dma_start3A_118 : memref<5120xf32, #tpu.memory_space<hbm>>) target_semaphore(%arg12 : memref<!tpu.dma_semaphore, #tpu.memory_space<semaphore_mem>>)
      %add3A_121 = arith.constant 25000 : i32
      %add3A_122 = arith.addi %add3A_121, %add3A_100 : i32
      %mul3A_123 = arith.constant 1024 : i32
      %mul3A_124 = arith.muli %add3A_122, %mul3A_123 : i32
      %dma_start3A_125 = arith.constant 10240 : i32
      %dma_start3A_126 = tpu.memref_slice %arg8[%dma_start3A_125] : memref<20480xf32, #tpu.memory_space<vmem>> -> memref<5120xf32, #tpu.memory_space<vmem>>
      %dma_start3A_127 = tpu.memref_slice %arg4[%mul3A_124] : memref<51200000xf32, #tpu.memory_space<hbm>> -> memref<5120xf32, #tpu.memory_space<hbm>>
      %dma_start3A_128 = tpu.memref_slice %arg4[%mul3A_124] : memref<51200000xf32, #tpu.memory_space<hbm>> -> memref<5120xf32, #tpu.memory_space<hbm>>
      %dma_start3A_129 = arith.constant 10240 : i32
      %dma_start3A_130 = tpu.memref_slice %arg8[%dma_start3A_129] : memref<20480xf32, #tpu.memory_space<vmem>> -> memref<5120xf32, #tpu.memory_space<vmem>>
      tpu.enqueue_dma source(%dma_start3A_130 : memref<5120xf32, #tpu.memory_space<vmem>>) target(%dma_start3A_128 : memref<5120xf32, #tpu.memory_space<hbm>>) target_semaphore(%arg12 : memref<!tpu.dma_semaphore, #tpu.memory_space<semaphore_mem>>)
      %add3A_131 = arith.constant 37500 : i32
      %add3A_132 = arith.addi %add3A_131, %add3A_100 : i32
      %mul3A_133 = arith.constant 1024 : i32
      %mul3A_134 = arith.muli %add3A_132, %mul3A_133 : i32
      %dma_start3A_135 = arith.constant 15360 : i32
      %dma_start3A_136 = tpu.memref_slice %arg8[%dma_start3A_135] : memref<20480xf32, #tpu.memory_space<vmem>> -> memref<5120xf32, #tpu.memory_space<vmem>>
      %dma_start3A_137 = tpu.memref_slice %arg4[%mul3A_134] : memref<51200000xf32, #tpu.memory_space<hbm>> -> memref<5120xf32, #tpu.memory_space<hbm>>
      %dma_start3A_138 = tpu.memref_slice %arg4[%mul3A_134] : memref<51200000xf32, #tpu.memory_space<hbm>> -> memref<5120xf32, #tpu.memory_space<hbm>>
      %dma_start3A_139 = arith.constant 15360 : i32
      %dma_start3A_140 = tpu.memref_slice %arg8[%dma_start3A_139] : memref<20480xf32, #tpu.memory_space<vmem>> -> memref<5120xf32, #tpu.memory_space<vmem>>
      tpu.enqueue_dma source(%dma_start3A_140 : memref<5120xf32, #tpu.memory_space<vmem>>) target(%dma_start3A_138 : memref<5120xf32, #tpu.memory_space<hbm>>) target_semaphore(%arg12 : memref<!tpu.dma_semaphore, #tpu.memory_space<semaphore_mem>>)
      %mul3A_141 = arith.constant 2 : i32
      %mul3A_142 = arith.muli %mul3A_141, %scan3A_78 : i32
      %add3A_143 = arith.constant 1 : i32
      %add3A_144 = arith.addi %mul3A_142, %add3A_143 : i32
      %add3A_145 = arith.constant 1 : i32
      %add3A_146 = arith.addi %add3A_144, %add3A_145 : i32
      %lt3A_147 = arith.constant 78 : i32
      %lt3A_148 = arith.cmpi slt, %add3A_146, %lt3A_147 : i32
      %convert_element_type3A_149 = arith.extui %lt3A_148 : i1 to i32
      %cond3A_150 = arith.constant 0 : i32
      %cond3A_151 = arith.cmpi ne, %convert_element_type3A_149, %cond3A_150 : i32
      scf.if %cond3A_151 {
        %add3A_207 = arith.constant 1 : i32
        %add3A_208 = arith.addi %add3A_144, %add3A_207 : i32
        %mul3A_209 = arith.constant 5 : i32
        %mul3A_210 = arith.muli %add3A_208, %mul3A_209 : i32
        %add3A_211 = arith.addi %mul3A_2, %mul3A_210 : i32
        %mul3A_212 = arith.constant 128 : i32
        %mul3A_213 = arith.muli %add3A_211, %mul3A_212 : i32
        %dma_start3A_214 = tpu.memref_slice %arg2[%mul3A_213] : memref<1600000xi32, #tpu.memory_space<hbm>> -> memref<640xi32, #tpu.memory_space<hbm>>
        %dma_start3A_215 = tpu.memref_slice %arg2[%mul3A_213] : memref<1600000xi32, #tpu.memory_space<hbm>> -> memref<640xi32, #tpu.memory_space<hbm>>
        tpu.enqueue_dma source(%dma_start3A_215 : memref<640xi32, #tpu.memory_space<hbm>>) target(%arg6 : memref<640xi32, #tpu.memory_space<vmem>>) target_semaphore(%arg10 : memref<!tpu.dma_semaphore, #tpu.memory_space<semaphore_mem>>)
      } else {
      }
      %dma_wait3A_152 = arith.constant 0 : i32
      %dma_wait3A_153 = tpu.memref_slice %arg2[%dma_wait3A_152] : memref<1600000xi32, #tpu.memory_space<hbm>> -> memref<640xi32, #tpu.memory_space<hbm>>
      %dma_wait3A_154 = arith.constant 0 : i32
      %dma_wait3A_155 = tpu.memref_slice %arg2[%dma_wait3A_154] : memref<1600000xi32, #tpu.memory_space<hbm>> -> memref<640xi32, #tpu.memory_space<hbm>>
      tpu.wait_dma2 semaphore(%arg11 : memref<!tpu.dma_semaphore, #tpu.memory_space<semaphore_mem>>) src(%dma_wait3A_155 : memref<640xi32, #tpu.memory_space<hbm>>) dst(%arg7 : memref<640xi32, #tpu.memory_space<vmem>>)
      %ge3A_156 = arith.constant 1 : i32
      %ge3A_157 = arith.cmpi sge, %scan3A_78, %ge3A_156 : i32
      %convert_element_type3A_158 = arith.extui %ge3A_157 : i1 to i32
      %cond3A_159 = arith.constant 0 : i32
      %cond3A_160 = arith.cmpi ne, %convert_element_type3A_158, %cond3A_159 : i32
      scf.if %cond3A_160 {
        %dma_wait3A_207 = arith.constant 0 : i32
        %dma_wait3A_208 = tpu.memref_slice %arg9[%dma_wait3A_207] : memref<20480xf32, #tpu.memory_space<vmem>> -> memref<5120xf32, #tpu.memory_space<vmem>>
        %dma_wait3A_209 = arith.constant 0 : i32
        %dma_wait3A_210 = tpu.memref_slice %arg4[%dma_wait3A_209] : memref<51200000xf32, #tpu.memory_space<hbm>> -> memref<5120xf32, #tpu.memory_space<hbm>>
        %dma_wait3A_211 = arith.constant 0 : i32
        %dma_wait3A_212 = tpu.memref_slice %arg4[%dma_wait3A_211] : memref<51200000xf32, #tpu.memory_space<hbm>> -> memref<5120xf32, #tpu.memory_space<hbm>>
        %dma_wait3A_213 = arith.constant 0 : i32
        %dma_wait3A_214 = tpu.memref_slice %arg9[%dma_wait3A_213] : memref<20480xf32, #tpu.memory_space<vmem>> -> memref<5120xf32, #tpu.memory_space<vmem>>
        tpu.wait_dma2 semaphore(%arg13 : memref<!tpu.dma_semaphore, #tpu.memory_space<semaphore_mem>>) src(%dma_wait3A_214 : memref<5120xf32, #tpu.memory_space<vmem>>) dst(%dma_wait3A_212 : memref<5120xf32, #tpu.memory_space<hbm>>)
        %dma_wait3A_215 = arith.constant 0 : i32
        %dma_wait3A_216 = tpu.memref_slice %arg9[%dma_wait3A_215] : memref<20480xf32, #tpu.memory_space<vmem>> -> memref<5120xf32, #tpu.memory_space<vmem>>
        %dma_wait3A_217 = arith.constant 0 : i32
        %dma_wait3A_218 = tpu.memref_slice %arg4[%dma_wait3A_217] : memref<51200000xf32, #tpu.memory_space<hbm>> -> memref<5120xf32, #tpu.memory_space<hbm>>
        %dma_wait3A_219 = arith.constant 0 : i32
        %dma_wait3A_220 = tpu.memref_slice %arg4[%dma_wait3A_219] : memref<51200000xf32, #tpu.memory_space<hbm>> -> memref<5120xf32, #tpu.memory_space<hbm>>
        %dma_wait3A_221 = arith.constant 0 : i32
        %dma_wait3A_222 = tpu.memref_slice %arg9[%dma_wait3A_221] : memref<20480xf32, #tpu.memory_space<vmem>> -> memref<5120xf32, #tpu.memory_space<vmem>>
        tpu.wait_dma2 semaphore(%arg13 : memref<!tpu.dma_semaphore, #tpu.memory_space<semaphore_mem>>) src(%dma_wait3A_222 : memref<5120xf32, #tpu.memory_space<vmem>>) dst(%dma_wait3A_220 : memref<5120xf32, #tpu.memory_space<hbm>>)
        %dma_wait3A_223 = arith.constant 0 : i32
        %dma_wait3A_224 = tpu.memref_slice %arg9[%dma_wait3A_223] : memref<20480xf32, #tpu.memory_space<vmem>> -> memref<5120xf32, #tpu.memory_space<vmem>>
        %dma_wait3A_225 = arith.constant 0 : i32
        %dma_wait3A_226 = tpu.memref_slice %arg4[%dma_wait3A_225] : memref<51200000xf32, #tpu.memory_space<hbm>> -> memref<5120xf32, #tpu.memory_space<hbm>>
        %dma_wait3A_227 = arith.constant 0 : i32
        %dma_wait3A_228 = tpu.memref_slice %arg4[%dma_wait3A_227] : memref<51200000xf32, #tpu.memory_space<hbm>> -> memref<5120xf32, #tpu.memory_space<hbm>>
        %dma_wait3A_229 = arith.constant 0 : i32
        %dma_wait3A_230 = tpu.memref_slice %arg9[%dma_wait3A_229] : memref<20480xf32, #tpu.memory_space<vmem>> -> memref<5120xf32, #tpu.memory_space<vmem>>
        tpu.wait_dma2 semaphore(%arg13 : memref<!tpu.dma_semaphore, #tpu.memory_space<semaphore_mem>>) src(%dma_wait3A_230 : memref<5120xf32, #tpu.memory_space<vmem>>) dst(%dma_wait3A_228 : memref<5120xf32, #tpu.memory_space<hbm>>)
        %dma_wait3A_231 = arith.constant 0 : i32
        %dma_wait3A_232 = tpu.memref_slice %arg9[%dma_wait3A_231] : memref<20480xf32, #tpu.memory_space<vmem>> -> memref<5120xf32, #tpu.memory_space<vmem>>
        %dma_wait3A_233 = arith.constant 0 : i32
        %dma_wait3A_234 = tpu.memref_slice %arg4[%dma_wait3A_233] : memref<51200000xf32, #tpu.memory_space<hbm>> -> memref<5120xf32, #tpu.memory_space<hbm>>
        %dma_wait3A_235 = arith.constant 0 : i32
        %dma_wait3A_236 = tpu.memref_slice %arg4[%dma_wait3A_235] : memref<51200000xf32, #tpu.memory_space<hbm>> -> memref<5120xf32, #tpu.memory_space<hbm>>
        %dma_wait3A_237 = arith.constant 0 : i32
        %dma_wait3A_238 = tpu.memref_slice %arg9[%dma_wait3A_237] : memref<20480xf32, #tpu.memory_space<vmem>> -> memref<5120xf32, #tpu.memory_space<vmem>>
        tpu.wait_dma2 semaphore(%arg13 : memref<!tpu.dma_semaphore, #tpu.memory_space<semaphore_mem>>) src(%dma_wait3A_238 : memref<5120xf32, #tpu.memory_space<vmem>>) dst(%dma_wait3A_236 : memref<5120xf32, #tpu.memory_space<hbm>>)
      } else {
      }
      %parallel_loop3A_161 = arith.constant 0 : i32
      %parallel_loop3A_162 = arith.constant 40 : i32
      %parallel_loop3A_163 = arith.constant 1 : i32
      scf.for %parallel_loop3A_207 = %parallel_loop3A_161 to %parallel_loop3A_162 step %parallel_loop3A_163  : i32 {
        %parallel_loop3A_208 = arith.constant 16 : i32
        %parallel_loop3A_209 = arith.muli %parallel_loop3A_207, %parallel_loop3A_208 : i32
        %parallel_loop3A_210 = arith.index_cast %parallel_loop3A_209 : i32 to index
        %parallel_loop3A_211 = tpu.vector_load %arg7[%parallel_loop3A_210] {strides = array<i32>} : memref<640xi32, #tpu.memory_space<vmem>>, vector<16xi32>,
        %parallel_loop3A_212 = arith.constant 8 : i32
        %parallel_loop3A_213 = arith.divsi %parallel_loop3A_207, %parallel_loop3A_212 : i32
        %parallel_loop3A_214 = arith.constant 1024 : i32
        %parallel_loop3A_215 = arith.muli %parallel_loop3A_213, %parallel_loop3A_214 : i32
        %parallel_loop3A_216 = arith.constant 8 : i32
        %parallel_loop3A_217 = arith.muli %parallel_loop3A_213, %parallel_loop3A_216 : i32
        %parallel_loop3A_218 = arith.subi %parallel_loop3A_207, %parallel_loop3A_217 : i32
        %parallel_loop3A_219 = arith.constant 16 : i32
        %parallel_loop3A_220 = arith.muli %parallel_loop3A_218, %parallel_loop3A_219 : i32
        %parallel_loop3A_221 = arith.addi %parallel_loop3A_215, %parallel_loop3A_220 : i32
        %parallel_loop3A_222 = arith.constant 0 : i32
        %parallel_loop3A_223 = vector.broadcast %parallel_loop3A_222 : i32 to vector<16xi32>
        %parallel_loop3A_224 = arith.addi %parallel_loop3A_211, %parallel_loop3A_223 : vector<16xi32>
        %parallel_loop3A_225 = tpu.vector_load_idx %arg5[%parallel_loop3A_224] : memref<1980xf32, #tpu.memory_space<vmem>>[vector<16xi32>], vector<16xf32>,
        %parallel_loop3A_226 = arith.constant 1 : i32
        %parallel_loop3A_227 = vector.broadcast %parallel_loop3A_226 : i32 to vector<16xi32>
        %parallel_loop3A_228 = arith.addi %parallel_loop3A_211, %parallel_loop3A_227 : vector<16xi32>
        %parallel_loop3A_229 = tpu.vector_load_idx %arg5[%parallel_loop3A_228] : memref<1980xf32, #tpu.memory_space<vmem>>[vector<16xi32>], vector<16xf32>,
        %parallel_loop3A_230 = arith.constant 2 : i32
        %parallel_loop3A_231 = vector.broadcast %parallel_loop3A_230 : i32 to vector<16xi32>
        %parallel_loop3A_232 = arith.addi %parallel_loop3A_211, %parallel_loop3A_231 : vector<16xi32>
        %parallel_loop3A_233 = tpu.vector_load_idx %arg5[%parallel_loop3A_232] : memref<1980xf32, #tpu.memory_space<vmem>>[vector<16xi32>], vector<16xf32>,
        %parallel_loop3A_234 = arith.constant 3 : i32
        %parallel_loop3A_235 = vector.broadcast %parallel_loop3A_234 : i32 to vector<16xi32>
        %parallel_loop3A_236 = arith.addi %parallel_loop3A_211, %parallel_loop3A_235 : vector<16xi32>
        %parallel_loop3A_237 = tpu.vector_load_idx %arg5[%parallel_loop3A_236] : memref<1980xf32, #tpu.memory_space<vmem>>[vector<16xi32>], vector<16xf32>,
        %parallel_loop3A_238 = arith.constant 4 : i32
        %parallel_loop3A_239 = vector.broadcast %parallel_loop3A_238 : i32 to vector<16xi32>
        %parallel_loop3A_240 = arith.addi %parallel_loop3A_211, %parallel_loop3A_239 : vector<16xi32>
        %parallel_loop3A_241 = tpu.vector_load_idx %arg5[%parallel_loop3A_240] : memref<1980xf32, #tpu.memory_space<vmem>>[vector<16xi32>], vector<16xf32>,
        %parallel_loop3A_242 = arith.constant 5 : i32
        %parallel_loop3A_243 = vector.broadcast %parallel_loop3A_242 : i32 to vector<16xi32>
        %parallel_loop3A_244 = arith.addi %parallel_loop3A_211, %parallel_loop3A_243 : vector<16xi32>
        %parallel_loop3A_245 = tpu.vector_load_idx %arg5[%parallel_loop3A_244] : memref<1980xf32, #tpu.memory_space<vmem>>[vector<16xi32>], vector<16xf32>,
        %parallel_loop3A_246 = arith.constant 6 : i32
        %parallel_loop3A_247 = vector.broadcast %parallel_loop3A_246 : i32 to vector<16xi32>
        %parallel_loop3A_248 = arith.addi %parallel_loop3A_211, %parallel_loop3A_247 : vector<16xi32>
        %parallel_loop3A_249 = tpu.vector_load_idx %arg5[%parallel_loop3A_248] : memref<1980xf32, #tpu.memory_space<vmem>>[vector<16xi32>], vector<16xf32>,
        %parallel_loop3A_250 = arith.constant 7 : i32
        %parallel_loop3A_251 = vector.broadcast %parallel_loop3A_250 : i32 to vector<16xi32>
        %parallel_loop3A_252 = arith.addi %parallel_loop3A_211, %parallel_loop3A_251 : vector<16xi32>
        %parallel_loop3A_253 = tpu.vector_load_idx %arg5[%parallel_loop3A_252] : memref<1980xf32, #tpu.memory_space<vmem>>[vector<16xi32>], vector<16xf32>,
        %parallel_loop3A_254 = arith.constant 8 : i32
        %parallel_loop3A_255 = vector.broadcast %parallel_loop3A_254 : i32 to vector<16xi32>
        %parallel_loop3A_256 = arith.addi %parallel_loop3A_211, %parallel_loop3A_255 : vector<16xi32>
        %parallel_loop3A_257 = tpu.vector_load_idx %arg5[%parallel_loop3A_256] : memref<1980xf32, #tpu.memory_space<vmem>>[vector<16xi32>], vector<16xf32>,
        %parallel_loop3A_258 = arith.constant 9 : i32
        %parallel_loop3A_259 = vector.broadcast %parallel_loop3A_258 : i32 to vector<16xi32>
        %parallel_loop3A_260 = arith.addi %parallel_loop3A_211, %parallel_loop3A_259 : vector<16xi32>
        %parallel_loop3A_261 = tpu.vector_load_idx %arg5[%parallel_loop3A_260] : memref<1980xf32, #tpu.memory_space<vmem>>[vector<16xi32>], vector<16xf32>,
        %parallel_loop3A_262 = arith.constant 10 : i32
        %parallel_loop3A_263 = vector.broadcast %parallel_loop3A_262 : i32 to vector<16xi32>
        %parallel_loop3A_264 = arith.addi %parallel_loop3A_211, %parallel_loop3A_263 : vector<16xi32>
        %parallel_loop3A_265 = tpu.vector_load_idx %arg5[%parallel_loop3A_264] : memref<1980xf32, #tpu.memory_space<vmem>>[vector<16xi32>], vector<16xf32>,
        %parallel_loop3A_266 = arith.constant 11 : i32
        %parallel_loop3A_267 = vector.broadcast %parallel_loop3A_266 : i32 to vector<16xi32>
        %parallel_loop3A_268 = arith.addi %parallel_loop3A_211, %parallel_loop3A_267 : vector<16xi32>
        %parallel_loop3A_269 = tpu.vector_load_idx %arg5[%parallel_loop3A_268] : memref<1980xf32, #tpu.memory_space<vmem>>[vector<16xi32>], vector<16xf32>,
        %parallel_loop3A_270 = arith.constant 12 : i32
        %parallel_loop3A_271 = vector.broadcast %parallel_loop3A_270 : i32 to vector<16xi32>
        %parallel_loop3A_272 = arith.addi %parallel_loop3A_211, %parallel_loop3A_271 : vector<16xi32>
        %parallel_loop3A_273 = tpu.vector_load_idx %arg5[%parallel_loop3A_272] : memref<1980xf32, #tpu.memory_space<vmem>>[vector<16xi32>], vector<16xf32>,
        %parallel_loop3A_274 = arith.constant 13 : i32
        %parallel_loop3A_275 = vector.broadcast %parallel_loop3A_274 : i32 to vector<16xi32>
        %parallel_loop3A_276 = arith.addi %parallel_loop3A_211, %parallel_loop3A_275 : vector<16xi32>
        %parallel_loop3A_277 = tpu.vector_load_idx %arg5[%parallel_loop3A_276] : memref<1980xf32, #tpu.memory_space<vmem>>[vector<16xi32>], vector<16xf32>,
        %parallel_loop3A_278 = arith.constant 14 : i32
        %parallel_loop3A_279 = vector.broadcast %parallel_loop3A_278 : i32 to vector<16xi32>
        %parallel_loop3A_280 = arith.addi %parallel_loop3A_211, %parallel_loop3A_279 : vector<16xi32>
        %parallel_loop3A_281 = tpu.vector_load_idx %arg5[%parallel_loop3A_280] : memref<1980xf32, #tpu.memory_space<vmem>>[vector<16xi32>], vector<16xf32>,
        %parallel_loop3A_282 = arith.constant 15 : i32
        %parallel_loop3A_283 = vector.broadcast %parallel_loop3A_282 : i32 to vector<16xi32>
        %parallel_loop3A_284 = arith.addi %parallel_loop3A_211, %parallel_loop3A_283 : vector<16xi32>
        %parallel_loop3A_285 = tpu.vector_load_idx %arg5[%parallel_loop3A_284] : memref<1980xf32, #tpu.memory_space<vmem>>[vector<16xi32>], vector<16xf32>,
        %parallel_loop3A_286 = arith.constant 16 : i32
        %parallel_loop3A_287 = vector.broadcast %parallel_loop3A_286 : i32 to vector<16xi32>
        %parallel_loop3A_288 = arith.addi %parallel_loop3A_211, %parallel_loop3A_287 : vector<16xi32>
        %parallel_loop3A_289 = tpu.vector_load_idx %arg5[%parallel_loop3A_288] : memref<1980xf32, #tpu.memory_space<vmem>>[vector<16xi32>], vector<16xf32>,
        %parallel_loop3A_290 = arith.constant 17 : i32
        %parallel_loop3A_291 = vector.broadcast %parallel_loop3A_290 : i32 to vector<16xi32>
        %parallel_loop3A_292 = arith.addi %parallel_loop3A_211, %parallel_loop3A_291 : vector<16xi32>
        %parallel_loop3A_293 = tpu.vector_load_idx %arg5[%parallel_loop3A_292] : memref<1980xf32, #tpu.memory_space<vmem>>[vector<16xi32>], vector<16xf32>,
        %parallel_loop3A_294 = arith.constant 18 : i32
        %parallel_loop3A_295 = vector.broadcast %parallel_loop3A_294 : i32 to vector<16xi32>
        %parallel_loop3A_296 = arith.addi %parallel_loop3A_211, %parallel_loop3A_295 : vector<16xi32>
        %parallel_loop3A_297 = tpu.vector_load_idx %arg5[%parallel_loop3A_296] : memref<1980xf32, #tpu.memory_space<vmem>>[vector<16xi32>], vector<16xf32>,
        %parallel_loop3A_298 = arith.constant 19 : i32
        %parallel_loop3A_299 = vector.broadcast %parallel_loop3A_298 : i32 to vector<16xi32>
        %parallel_loop3A_300 = arith.addi %parallel_loop3A_211, %parallel_loop3A_299 : vector<16xi32>
        %parallel_loop3A_301 = tpu.vector_load_idx %arg5[%parallel_loop3A_300] : memref<1980xf32, #tpu.memory_space<vmem>>[vector<16xi32>], vector<16xf32>,
        %parallel_loop3A_302 = arith.constant 20 : i32
        %parallel_loop3A_303 = vector.broadcast %parallel_loop3A_302 : i32 to vector<16xi32>
        %parallel_loop3A_304 = arith.addi %parallel_loop3A_211, %parallel_loop3A_303 : vector<16xi32>
        %parallel_loop3A_305 = tpu.vector_load_idx %arg5[%parallel_loop3A_304] : memref<1980xf32, #tpu.memory_space<vmem>>[vector<16xi32>], vector<16xf32>,
        %parallel_loop3A_306 = arith.constant 21 : i32
        %parallel_loop3A_307 = vector.broadcast %parallel_loop3A_306 : i32 to vector<16xi32>
        %parallel_loop3A_308 = arith.addi %parallel_loop3A_211, %parallel_loop3A_307 : vector<16xi32>
        %parallel_loop3A_309 = tpu.vector_load_idx %arg5[%parallel_loop3A_308] : memref<1980xf32, #tpu.memory_space<vmem>>[vector<16xi32>], vector<16xf32>,
        %parallel_loop3A_310 = arith.constant 22 : i32
        %parallel_loop3A_311 = vector.broadcast %parallel_loop3A_310 : i32 to vector<16xi32>
        %parallel_loop3A_312 = arith.addi %parallel_loop3A_211, %parallel_loop3A_311 : vector<16xi32>
        %parallel_loop3A_313 = tpu.vector_load_idx %arg5[%parallel_loop3A_312] : memref<1980xf32, #tpu.memory_space<vmem>>[vector<16xi32>], vector<16xf32>,
        %parallel_loop3A_314 = arith.constant 23 : i32
        %parallel_loop3A_315 = vector.broadcast %parallel_loop3A_314 : i32 to vector<16xi32>
        %parallel_loop3A_316 = arith.addi %parallel_loop3A_211, %parallel_loop3A_315 : vector<16xi32>
        %parallel_loop3A_317 = tpu.vector_load_idx %arg5[%parallel_loop3A_316] : memref<1980xf32, #tpu.memory_space<vmem>>[vector<16xi32>], vector<16xf32>,
        %parallel_loop3A_318 = arith.constant 24 : i32
        %parallel_loop3A_319 = vector.broadcast %parallel_loop3A_318 : i32 to vector<16xi32>
        %parallel_loop3A_320 = arith.addi %parallel_loop3A_211, %parallel_loop3A_319 : vector<16xi32>
        %parallel_loop3A_321 = tpu.vector_load_idx %arg5[%parallel_loop3A_320] : memref<1980xf32, #tpu.memory_space<vmem>>[vector<16xi32>], vector<16xf32>,
        %parallel_loop3A_322 = arith.constant 25 : i32
        %parallel_loop3A_323 = vector.broadcast %parallel_loop3A_322 : i32 to vector<16xi32>
        %parallel_loop3A_324 = arith.addi %parallel_loop3A_211, %parallel_loop3A_323 : vector<16xi32>
        %parallel_loop3A_325 = tpu.vector_load_idx %arg5[%parallel_loop3A_324] : memref<1980xf32, #tpu.memory_space<vmem>>[vector<16xi32>], vector<16xf32>,
        %parallel_loop3A_326 = arith.constant 26 : i32
        %parallel_loop3A_327 = vector.broadcast %parallel_loop3A_326 : i32 to vector<16xi32>
        %parallel_loop3A_328 = arith.addi %parallel_loop3A_211, %parallel_loop3A_327 : vector<16xi32>
        %parallel_loop3A_329 = tpu.vector_load_idx %arg5[%parallel_loop3A_328] : memref<1980xf32, #tpu.memory_space<vmem>>[vector<16xi32>], vector<16xf32>,
        %parallel_loop3A_330 = arith.constant 27 : i32
        %parallel_loop3A_331 = vector.broadcast %parallel_loop3A_330 : i32 to vector<16xi32>
        %parallel_loop3A_332 = arith.addi %parallel_loop3A_211, %parallel_loop3A_331 : vector<16xi32>
        %parallel_loop3A_333 = tpu.vector_load_idx %arg5[%parallel_loop3A_332] : memref<1980xf32, #tpu.memory_space<vmem>>[vector<16xi32>], vector<16xf32>,
        %parallel_loop3A_334 = arith.constant 28 : i32
        %parallel_loop3A_335 = vector.broadcast %parallel_loop3A_334 : i32 to vector<16xi32>
        %parallel_loop3A_336 = arith.addi %parallel_loop3A_211, %parallel_loop3A_335 : vector<16xi32>
        %parallel_loop3A_337 = tpu.vector_load_idx %arg5[%parallel_loop3A_336] : memref<1980xf32, #tpu.memory_space<vmem>>[vector<16xi32>], vector<16xf32>,
        %parallel_loop3A_338 = arith.constant 29 : i32
        %parallel_loop3A_339 = vector.broadcast %parallel_loop3A_338 : i32 to vector<16xi32>
        %parallel_loop3A_340 = arith.addi %parallel_loop3A_211, %parallel_loop3A_339 : vector<16xi32>
        %parallel_loop3A_341 = tpu.vector_load_idx %arg5[%parallel_loop3A_340] : memref<1980xf32, #tpu.memory_space<vmem>>[vector<16xi32>], vector<16xf32>,
        %parallel_loop3A_342 = arith.constant 30 : i32
        %parallel_loop3A_343 = vector.broadcast %parallel_loop3A_342 : i32 to vector<16xi32>
        %parallel_loop3A_344 = arith.addi %parallel_loop3A_211, %parallel_loop3A_343 : vector<16xi32>
        %parallel_loop3A_345 = tpu.vector_load_idx %arg5[%parallel_loop3A_344] : memref<1980xf32, #tpu.memory_space<vmem>>[vector<16xi32>], vector<16xf32>,
        %parallel_loop3A_346 = arith.constant 31 : i32
        %parallel_loop3A_347 = vector.broadcast %parallel_loop3A_346 : i32 to vector<16xi32>
        %parallel_loop3A_348 = arith.addi %parallel_loop3A_211, %parallel_loop3A_347 : vector<16xi32>
        %parallel_loop3A_349 = tpu.vector_load_idx %arg5[%parallel_loop3A_348] : memref<1980xf32, #tpu.memory_space<vmem>>[vector<16xi32>], vector<16xf32>,
        %parallel_loop3A_350 = arith.constant 0 : i32
        %parallel_loop3A_351 = arith.addi %parallel_loop3A_350, %parallel_loop3A_221 : i32
        %parallel_loop3A_352 = arith.constant 0 : i32
        %parallel_loop3A_353 = arith.addi %parallel_loop3A_351, %parallel_loop3A_352 : i32
        %parallel_loop3A_354 = arith.index_cast %parallel_loop3A_353 : i32 to index
        %parallel_loop3A_355 = tpu.vector_load %arg9[%parallel_loop3A_354] {strides = array<i32>} : memref<20480xf32, #tpu.memory_space<vmem>>, vector<16xf32>,
        tpu.vector_store %arg9[%parallel_loop3A_354], %parallel_loop3A_225 {strides = array<i32>} : memref<20480xf32, #tpu.memory_space<vmem>>, vector<16xf32>,
        %parallel_loop3A_356 = arith.constant 0 : i32
        %parallel_loop3A_357 = arith.addi %parallel_loop3A_356, %parallel_loop3A_221 : i32
        %parallel_loop3A_358 = arith.constant 128 : i32
        %parallel_loop3A_359 = arith.addi %parallel_loop3A_357, %parallel_loop3A_358 : i32
        %parallel_loop3A_360 = arith.index_cast %parallel_loop3A_359 : i32 to index
        %parallel_loop3A_361 = tpu.vector_load %arg9[%parallel_loop3A_360] {strides = array<i32>} : memref<20480xf32, #tpu.memory_space<vmem>>, vector<16xf32>,
        tpu.vector_store %arg9[%parallel_loop3A_360], %parallel_loop3A_229 {strides = array<i32>} : memref<20480xf32, #tpu.memory_space<vmem>>, vector<16xf32>,
        %parallel_loop3A_362 = arith.constant 0 : i32
        %parallel_loop3A_363 = arith.addi %parallel_loop3A_362, %parallel_loop3A_221 : i32
        %parallel_loop3A_364 = arith.constant 256 : i32
        %parallel_loop3A_365 = arith.addi %parallel_loop3A_363, %parallel_loop3A_364 : i32
        %parallel_loop3A_366 = arith.index_cast %parallel_loop3A_365 : i32 to index
        %parallel_loop3A_367 = tpu.vector_load %arg9[%parallel_loop3A_366] {strides = array<i32>} : memref<20480xf32, #tpu.memory_space<vmem>>, vector<16xf32>,
        tpu.vector_store %arg9[%parallel_loop3A_366], %parallel_loop3A_233 {strides = array<i32>} : memref<20480xf32, #tpu.memory_space<vmem>>, vector<16xf32>,
        %parallel_loop3A_368 = arith.constant 0 : i32
        %parallel_loop3A_369 = arith.addi %parallel_loop3A_368, %parallel_loop3A_221 : i32
        %parallel_loop3A_370 = arith.constant 384 : i32
        %parallel_loop3A_371 = arith.addi %parallel_loop3A_369, %parallel_loop3A_370 : i32
        %parallel_loop3A_372 = arith.index_cast %parallel_loop3A_371 : i32 to index
        %parallel_loop3A_373 = tpu.vector_load %arg9[%parallel_loop3A_372] {strides = array<i32>} : memref<20480xf32, #tpu.memory_space<vmem>>, vector<16xf32>,
        tpu.vector_store %arg9[%parallel_loop3A_372], %parallel_loop3A_237 {strides = array<i32>} : memref<20480xf32, #tpu.memory_space<vmem>>, vector<16xf32>,
        %parallel_loop3A_374 = arith.constant 0 : i32
        %parallel_loop3A_375 = arith.addi %parallel_loop3A_374, %parallel_loop3A_221 : i32
        %parallel_loop3A_376 = arith.constant 512 : i32
        %parallel_loop3A_377 = arith.addi %parallel_loop3A_375, %parallel_loop3A_376 : i32
        %parallel_loop3A_378 = arith.index_cast %parallel_loop3A_377 : i32 to index
        %parallel_loop3A_379 = tpu.vector_load %arg9[%parallel_loop3A_378] {strides = array<i32>} : memref<20480xf32, #tpu.memory_space<vmem>>, vector<16xf32>,
        tpu.vector_store %arg9[%parallel_loop3A_378], %parallel_loop3A_241 {strides = array<i32>} : memref<20480xf32, #tpu.memory_space<vmem>>, vector<16xf32>,
        %parallel_loop3A_380 = arith.constant 0 : i32
        %parallel_loop3A_381 = arith.addi %parallel_loop3A_380, %parallel_loop3A_221 : i32
        %parallel_loop3A_382 = arith.constant 640 : i32
        %parallel_loop3A_383 = arith.addi %parallel_loop3A_381, %parallel_loop3A_382 : i32
        %parallel_loop3A_384 = arith.index_cast %parallel_loop3A_383 : i32 to index
        %parallel_loop3A_385 = tpu.vector_load %arg9[%parallel_loop3A_384] {strides = array<i32>} : memref<20480xf32, #tpu.memory_space<vmem>>, vector<16xf32>,
        tpu.vector_store %arg9[%parallel_loop3A_384], %parallel_loop3A_245 {strides = array<i32>} : memref<20480xf32, #tpu.memory_space<vmem>>, vector<16xf32>,
        %parallel_loop3A_386 = arith.constant 0 : i32
        %parallel_loop3A_387 = arith.addi %parallel_loop3A_386, %parallel_loop3A_221 : i32
        %parallel_loop3A_388 = arith.constant 768 : i32
        %parallel_loop3A_389 = arith.addi %parallel_loop3A_387, %parallel_loop3A_388 : i32
        %parallel_loop3A_390 = arith.index_cast %parallel_loop3A_389 : i32 to index
        %parallel_loop3A_391 = tpu.vector_load %arg9[%parallel_loop3A_390] {strides = array<i32>} : memref<20480xf32, #tpu.memory_space<vmem>>, vector<16xf32>,
        tpu.vector_store %arg9[%parallel_loop3A_390], %parallel_loop3A_249 {strides = array<i32>} : memref<20480xf32, #tpu.memory_space<vmem>>, vector<16xf32>,
        %parallel_loop3A_392 = arith.constant 0 : i32
        %parallel_loop3A_393 = arith.addi %parallel_loop3A_392, %parallel_loop3A_221 : i32
        %parallel_loop3A_394 = arith.constant 896 : i32
        %parallel_loop3A_395 = arith.addi %parallel_loop3A_393, %parallel_loop3A_394 : i32
        %parallel_loop3A_396 = arith.index_cast %parallel_loop3A_395 : i32 to index
        %parallel_loop3A_397 = tpu.vector_load %arg9[%parallel_loop3A_396] {strides = array<i32>} : memref<20480xf32, #tpu.memory_space<vmem>>, vector<16xf32>,
        tpu.vector_store %arg9[%parallel_loop3A_396], %parallel_loop3A_253 {strides = array<i32>} : memref<20480xf32, #tpu.memory_space<vmem>>, vector<16xf32>,
        %parallel_loop3A_398 = arith.constant 5120 : i32
        %parallel_loop3A_399 = arith.addi %parallel_loop3A_398, %parallel_loop3A_221 : i32
        %parallel_loop3A_400 = arith.constant 0 : i32
        %parallel_loop3A_401 = arith.addi %parallel_loop3A_399, %parallel_loop3A_400 : i32
        %parallel_loop3A_402 = arith.index_cast %parallel_loop3A_401 : i32 to index
        %parallel_loop3A_403 = tpu.vector_load %arg9[%parallel_loop3A_402] {strides = array<i32>} : memref<20480xf32, #tpu.memory_space<vmem>>, vector<16xf32>,
        tpu.vector_store %arg9[%parallel_loop3A_402], %parallel_loop3A_257 {strides = array<i32>} : memref<20480xf32, #tpu.memory_space<vmem>>, vector<16xf32>,
        %parallel_loop3A_404 = arith.constant 5120 : i32
        %parallel_loop3A_405 = arith.addi %parallel_loop3A_404, %parallel_loop3A_221 : i32
        %parallel_loop3A_406 = arith.constant 128 : i32
        %parallel_loop3A_407 = arith.addi %parallel_loop3A_405, %parallel_loop3A_406 : i32
        %parallel_loop3A_408 = arith.index_cast %parallel_loop3A_407 : i32 to index
        %parallel_loop3A_409 = tpu.vector_load %arg9[%parallel_loop3A_408] {strides = array<i32>} : memref<20480xf32, #tpu.memory_space<vmem>>, vector<16xf32>,
        tpu.vector_store %arg9[%parallel_loop3A_408], %parallel_loop3A_261 {strides = array<i32>} : memref<20480xf32, #tpu.memory_space<vmem>>, vector<16xf32>,
        %parallel_loop3A_410 = arith.constant 5120 : i32
        %parallel_loop3A_411 = arith.addi %parallel_loop3A_410, %parallel_loop3A_221 : i32
        %parallel_loop3A_412 = arith.constant 256 : i32
        %parallel_loop3A_413 = arith.addi %parallel_loop3A_411, %parallel_loop3A_412 : i32
        %parallel_loop3A_414 = arith.index_cast %parallel_loop3A_413 : i32 to index
        %parallel_loop3A_415 = tpu.vector_load %arg9[%parallel_loop3A_414] {strides = array<i32>} : memref<20480xf32, #tpu.memory_space<vmem>>, vector<16xf32>,
        tpu.vector_store %arg9[%parallel_loop3A_414], %parallel_loop3A_265 {strides = array<i32>} : memref<20480xf32, #tpu.memory_space<vmem>>, vector<16xf32>,
        %parallel_loop3A_416 = arith.constant 5120 : i32
        %parallel_loop3A_417 = arith.addi %parallel_loop3A_416, %parallel_loop3A_221 : i32
        %parallel_loop3A_418 = arith.constant 384 : i32
        %parallel_loop3A_419 = arith.addi %parallel_loop3A_417, %parallel_loop3A_418 : i32
        %parallel_loop3A_420 = arith.index_cast %parallel_loop3A_419 : i32 to index
        %parallel_loop3A_421 = tpu.vector_load %arg9[%parallel_loop3A_420] {strides = array<i32>} : memref<20480xf32, #tpu.memory_space<vmem>>, vector<16xf32>,
        tpu.vector_store %arg9[%parallel_loop3A_420], %parallel_loop3A_269 {strides = array<i32>} : memref<20480xf32, #tpu.memory_space<vmem>>, vector<16xf32>,
        %parallel_loop3A_422 = arith.constant 5120 : i32
        %parallel_loop3A_423 = arith.addi %parallel_loop3A_422, %parallel_loop3A_221 : i32
        %parallel_loop3A_424 = arith.constant 512 : i32
        %parallel_loop3A_425 = arith.addi %parallel_loop3A_423, %parallel_loop3A_424 : i32
        %parallel_loop3A_426 = arith.index_cast %parallel_loop3A_425 : i32 to index
        %parallel_loop3A_427 = tpu.vector_load %arg9[%parallel_loop3A_426] {strides = array<i32>} : memref<20480xf32, #tpu.memory_space<vmem>>, vector<16xf32>,
        tpu.vector_store %arg9[%parallel_loop3A_426], %parallel_loop3A_273 {strides = array<i32>} : memref<20480xf32, #tpu.memory_space<vmem>>, vector<16xf32>,
        %parallel_loop3A_428 = arith.constant 5120 : i32
        %parallel_loop3A_429 = arith.addi %parallel_loop3A_428, %parallel_loop3A_221 : i32
        %parallel_loop3A_430 = arith.constant 640 : i32
        %parallel_loop3A_431 = arith.addi %parallel_loop3A_429, %parallel_loop3A_430 : i32
        %parallel_loop3A_432 = arith.index_cast %parallel_loop3A_431 : i32 to index
        %parallel_loop3A_433 = tpu.vector_load %arg9[%parallel_loop3A_432] {strides = array<i32>} : memref<20480xf32, #tpu.memory_space<vmem>>, vector<16xf32>,
        tpu.vector_store %arg9[%parallel_loop3A_432], %parallel_loop3A_277 {strides = array<i32>} : memref<20480xf32, #tpu.memory_space<vmem>>, vector<16xf32>,
        %parallel_loop3A_434 = arith.constant 5120 : i32
        %parallel_loop3A_435 = arith.addi %parallel_loop3A_434, %parallel_loop3A_221 : i32
        %parallel_loop3A_436 = arith.constant 768 : i32
        %parallel_loop3A_437 = arith.addi %parallel_loop3A_435, %parallel_loop3A_436 : i32
        %parallel_loop3A_438 = arith.index_cast %parallel_loop3A_437 : i32 to index
        %parallel_loop3A_439 = tpu.vector_load %arg9[%parallel_loop3A_438] {strides = array<i32>} : memref<20480xf32, #tpu.memory_space<vmem>>, vector<16xf32>,
        tpu.vector_store %arg9[%parallel_loop3A_438], %parallel_loop3A_281 {strides = array<i32>} : memref<20480xf32, #tpu.memory_space<vmem>>, vector<16xf32>,
        %parallel_loop3A_440 = arith.constant 5120 : i32
        %parallel_loop3A_441 = arith.addi %parallel_loop3A_440, %parallel_loop3A_221 : i32
        %parallel_loop3A_442 = arith.constant 896 : i32
        %parallel_loop3A_443 = arith.addi %parallel_loop3A_441, %parallel_loop3A_442 : i32
        %parallel_loop3A_444 = arith.index_cast %parallel_loop3A_443 : i32 to index
        %parallel_loop3A_445 = tpu.vector_load %arg9[%parallel_loop3A_444] {strides = array<i32>} : memref<20480xf32, #tpu.memory_space<vmem>>, vector<16xf32>,
        tpu.vector_store %arg9[%parallel_loop3A_444], %parallel_loop3A_285 {strides = array<i32>} : memref<20480xf32, #tpu.memory_space<vmem>>, vector<16xf32>,
        %parallel_loop3A_446 = arith.constant 10240 : i32
        %parallel_loop3A_447 = arith.addi %parallel_loop3A_446, %parallel_loop3A_221 : i32
        %parallel_loop3A_448 = arith.constant 0 : i32
        %parallel_loop3A_449 = arith.addi %parallel_loop3A_447, %parallel_loop3A_448 : i32
        %parallel_loop3A_450 = arith.index_cast %parallel_loop3A_449 : i32 to index
        %parallel_loop3A_451 = tpu.vector_load %arg9[%parallel_loop3A_450] {strides = array<i32>} : memref<20480xf32, #tpu.memory_space<vmem>>, vector<16xf32>,
        tpu.vector_store %arg9[%parallel_loop3A_450], %parallel_loop3A_289 {strides = array<i32>} : memref<20480xf32, #tpu.memory_space<vmem>>, vector<16xf32>,
        %parallel_loop3A_452 = arith.constant 10240 : i32
        %parallel_loop3A_453 = arith.addi %parallel_loop3A_452, %parallel_loop3A_221 : i32
        %parallel_loop3A_454 = arith.constant 128 : i32
        %parallel_loop3A_455 = arith.addi %parallel_loop3A_453, %parallel_loop3A_454 : i32
        %parallel_loop3A_456 = arith.index_cast %parallel_loop3A_455 : i32 to index
        %parallel_loop3A_457 = tpu.vector_load %arg9[%parallel_loop3A_456] {strides = array<i32>} : memref<20480xf32, #tpu.memory_space<vmem>>, vector<16xf32>,
        tpu.vector_store %arg9[%parallel_loop3A_456], %parallel_loop3A_293 {strides = array<i32>} : memref<20480xf32, #tpu.memory_space<vmem>>, vector<16xf32>,
        %parallel_loop3A_458 = arith.constant 10240 : i32
        %parallel_loop3A_459 = arith.addi %parallel_loop3A_458, %parallel_loop3A_221 : i32
        %parallel_loop3A_460 = arith.constant 256 : i32
        %parallel_loop3A_461 = arith.addi %parallel_loop3A_459, %parallel_loop3A_460 : i32
        %parallel_loop3A_462 = arith.index_cast %parallel_loop3A_461 : i32 to index
        %parallel_loop3A_463 = tpu.vector_load %arg9[%parallel_loop3A_462] {strides = array<i32>} : memref<20480xf32, #tpu.memory_space<vmem>>, vector<16xf32>,
        tpu.vector_store %arg9[%parallel_loop3A_462], %parallel_loop3A_297 {strides = array<i32>} : memref<20480xf32, #tpu.memory_space<vmem>>, vector<16xf32>,
        %parallel_loop3A_464 = arith.constant 10240 : i32
        %parallel_loop3A_465 = arith.addi %parallel_loop3A_464, %parallel_loop3A_221 : i32
        %parallel_loop3A_466 = arith.constant 384 : i32
        %parallel_loop3A_467 = arith.addi %parallel_loop3A_465, %parallel_loop3A_466 : i32
        %parallel_loop3A_468 = arith.index_cast %parallel_loop3A_467 : i32 to index
        %parallel_loop3A_469 = tpu.vector_load %arg9[%parallel_loop3A_468] {strides = array<i32>} : memref<20480xf32, #tpu.memory_space<vmem>>, vector<16xf32>,
        tpu.vector_store %arg9[%parallel_loop3A_468], %parallel_loop3A_301 {strides = array<i32>} : memref<20480xf32, #tpu.memory_space<vmem>>, vector<16xf32>,
        %parallel_loop3A_470 = arith.constant 10240 : i32
        %parallel_loop3A_471 = arith.addi %parallel_loop3A_470, %parallel_loop3A_221 : i32
        %parallel_loop3A_472 = arith.constant 512 : i32
        %parallel_loop3A_473 = arith.addi %parallel_loop3A_471, %parallel_loop3A_472 : i32
        %parallel_loop3A_474 = arith.index_cast %parallel_loop3A_473 : i32 to index
        %parallel_loop3A_475 = tpu.vector_load %arg9[%parallel_loop3A_474] {strides = array<i32>} : memref<20480xf32, #tpu.memory_space<vmem>>, vector<16xf32>,
        tpu.vector_store %arg9[%parallel_loop3A_474], %parallel_loop3A_305 {strides = array<i32>} : memref<20480xf32, #tpu.memory_space<vmem>>, vector<16xf32>,
        %parallel_loop3A_476 = arith.constant 10240 : i32
        %parallel_loop3A_477 = arith.addi %parallel_loop3A_476, %parallel_loop3A_221 : i32
        %parallel_loop3A_478 = arith.constant 640 : i32
        %parallel_loop3A_479 = arith.addi %parallel_loop3A_477, %parallel_loop3A_478 : i32
        %parallel_loop3A_480 = arith.index_cast %parallel_loop3A_479 : i32 to index
        %parallel_loop3A_481 = tpu.vector_load %arg9[%parallel_loop3A_480] {strides = array<i32>} : memref<20480xf32, #tpu.memory_space<vmem>>, vector<16xf32>,
        tpu.vector_store %arg9[%parallel_loop3A_480], %parallel_loop3A_309 {strides = array<i32>} : memref<20480xf32, #tpu.memory_space<vmem>>, vector<16xf32>,
        %parallel_loop3A_482 = arith.constant 10240 : i32
        %parallel_loop3A_483 = arith.addi %parallel_loop3A_482, %parallel_loop3A_221 : i32
        %parallel_loop3A_484 = arith.constant 768 : i32
        %parallel_loop3A_485 = arith.addi %parallel_loop3A_483, %parallel_loop3A_484 : i32
        %parallel_loop3A_486 = arith.index_cast %parallel_loop3A_485 : i32 to index
        %parallel_loop3A_487 = tpu.vector_load %arg9[%parallel_loop3A_486] {strides = array<i32>} : memref<20480xf32, #tpu.memory_space<vmem>>, vector<16xf32>,
        tpu.vector_store %arg9[%parallel_loop3A_486], %parallel_loop3A_313 {strides = array<i32>} : memref<20480xf32, #tpu.memory_space<vmem>>, vector<16xf32>,
        %parallel_loop3A_488 = arith.constant 10240 : i32
        %parallel_loop3A_489 = arith.addi %parallel_loop3A_488, %parallel_loop3A_221 : i32
        %parallel_loop3A_490 = arith.constant 896 : i32
        %parallel_loop3A_491 = arith.addi %parallel_loop3A_489, %parallel_loop3A_490 : i32
        %parallel_loop3A_492 = arith.index_cast %parallel_loop3A_491 : i32 to index
        %parallel_loop3A_493 = tpu.vector_load %arg9[%parallel_loop3A_492] {strides = array<i32>} : memref<20480xf32, #tpu.memory_space<vmem>>, vector<16xf32>,
        tpu.vector_store %arg9[%parallel_loop3A_492], %parallel_loop3A_317 {strides = array<i32>} : memref<20480xf32, #tpu.memory_space<vmem>>, vector<16xf32>,
        %parallel_loop3A_494 = arith.constant 15360 : i32
        %parallel_loop3A_495 = arith.addi %parallel_loop3A_494, %parallel_loop3A_221 : i32
        %parallel_loop3A_496 = arith.constant 0 : i32
        %parallel_loop3A_497 = arith.addi %parallel_loop3A_495, %parallel_loop3A_496 : i32
        %parallel_loop3A_498 = arith.index_cast %parallel_loop3A_497 : i32 to index
        %parallel_loop3A_499 = tpu.vector_load %arg9[%parallel_loop3A_498] {strides = array<i32>} : memref<20480xf32, #tpu.memory_space<vmem>>, vector<16xf32>,
        tpu.vector_store %arg9[%parallel_loop3A_498], %parallel_loop3A_321 {strides = array<i32>} : memref<20480xf32, #tpu.memory_space<vmem>>, vector<16xf32>,
        %parallel_loop3A_500 = arith.constant 15360 : i32
        %parallel_loop3A_501 = arith.addi %parallel_loop3A_500, %parallel_loop3A_221 : i32
        %parallel_loop3A_502 = arith.constant 128 : i32
        %parallel_loop3A_503 = arith.addi %parallel_loop3A_501, %parallel_loop3A_502 : i32
        %parallel_loop3A_504 = arith.index_cast %parallel_loop3A_503 : i32 to index
        %parallel_loop3A_505 = tpu.vector_load %arg9[%parallel_loop3A_504] {strides = array<i32>} : memref<20480xf32, #tpu.memory_space<vmem>>, vector<16xf32>,
        tpu.vector_store %arg9[%parallel_loop3A_504], %parallel_loop3A_325 {strides = array<i32>} : memref<20480xf32, #tpu.memory_space<vmem>>, vector<16xf32>,
        %parallel_loop3A_506 = arith.constant 15360 : i32
        %parallel_loop3A_507 = arith.addi %parallel_loop3A_506, %parallel_loop3A_221 : i32
        %parallel_loop3A_508 = arith.constant 256 : i32
        %parallel_loop3A_509 = arith.addi %parallel_loop3A_507, %parallel_loop3A_508 : i32
        %parallel_loop3A_510 = arith.index_cast %parallel_loop3A_509 : i32 to index
        %parallel_loop3A_511 = tpu.vector_load %arg9[%parallel_loop3A_510] {strides = array<i32>} : memref<20480xf32, #tpu.memory_space<vmem>>, vector<16xf32>,
        tpu.vector_store %arg9[%parallel_loop3A_510], %parallel_loop3A_329 {strides = array<i32>} : memref<20480xf32, #tpu.memory_space<vmem>>, vector<16xf32>,
        %parallel_loop3A_512 = arith.constant 15360 : i32
        %parallel_loop3A_513 = arith.addi %parallel_loop3A_512, %parallel_loop3A_221 : i32
        %parallel_loop3A_514 = arith.constant 384 : i32
        %parallel_loop3A_515 = arith.addi %parallel_loop3A_513, %parallel_loop3A_514 : i32
        %parallel_loop3A_516 = arith.index_cast %parallel_loop3A_515 : i32 to index
        %parallel_loop3A_517 = tpu.vector_load %arg9[%parallel_loop3A_516] {strides = array<i32>} : memref<20480xf32, #tpu.memory_space<vmem>>, vector<16xf32>,
        tpu.vector_store %arg9[%parallel_loop3A_516], %parallel_loop3A_333 {strides = array<i32>} : memref<20480xf32, #tpu.memory_space<vmem>>, vector<16xf32>,
        %parallel_loop3A_518 = arith.constant 15360 : i32
        %parallel_loop3A_519 = arith.addi %parallel_loop3A_518, %parallel_loop3A_221 : i32
        %parallel_loop3A_520 = arith.constant 512 : i32
        %parallel_loop3A_521 = arith.addi %parallel_loop3A_519, %parallel_loop3A_520 : i32
        %parallel_loop3A_522 = arith.index_cast %parallel_loop3A_521 : i32 to index
        %parallel_loop3A_523 = tpu.vector_load %arg9[%parallel_loop3A_522] {strides = array<i32>} : memref<20480xf32, #tpu.memory_space<vmem>>, vector<16xf32>,
        tpu.vector_store %arg9[%parallel_loop3A_522], %parallel_loop3A_337 {strides = array<i32>} : memref<20480xf32, #tpu.memory_space<vmem>>, vector<16xf32>,
        %parallel_loop3A_524 = arith.constant 15360 : i32
        %parallel_loop3A_525 = arith.addi %parallel_loop3A_524, %parallel_loop3A_221 : i32
        %parallel_loop3A_526 = arith.constant 640 : i32
        %parallel_loop3A_527 = arith.addi %parallel_loop3A_525, %parallel_loop3A_526 : i32
        %parallel_loop3A_528 = arith.index_cast %parallel_loop3A_527 : i32 to index
        %parallel_loop3A_529 = tpu.vector_load %arg9[%parallel_loop3A_528] {strides = array<i32>} : memref<20480xf32, #tpu.memory_space<vmem>>, vector<16xf32>,
        tpu.vector_store %arg9[%parallel_loop3A_528], %parallel_loop3A_341 {strides = array<i32>} : memref<20480xf32, #tpu.memory_space<vmem>>, vector<16xf32>,
        %parallel_loop3A_530 = arith.constant 15360 : i32
        %parallel_loop3A_531 = arith.addi %parallel_loop3A_530, %parallel_loop3A_221 : i32
        %parallel_loop3A_532 = arith.constant 768 : i32
        %parallel_loop3A_533 = arith.addi %parallel_loop3A_531, %parallel_loop3A_532 : i32
        %parallel_loop3A_534 = arith.index_cast %parallel_loop3A_533 : i32 to index
        %parallel_loop3A_535 = tpu.vector_load %arg9[%parallel_loop3A_534] {strides = array<i32>} : memref<20480xf32, #tpu.memory_space<vmem>>, vector<16xf32>,
        tpu.vector_store %arg9[%parallel_loop3A_534], %parallel_loop3A_345 {strides = array<i32>} : memref<20480xf32, #tpu.memory_space<vmem>>, vector<16xf32>,
        %parallel_loop3A_536 = arith.constant 15360 : i32
        %parallel_loop3A_537 = arith.addi %parallel_loop3A_536, %parallel_loop3A_221 : i32
        %parallel_loop3A_538 = arith.constant 896 : i32
        %parallel_loop3A_539 = arith.addi %parallel_loop3A_537, %parallel_loop3A_538 : i32
        %parallel_loop3A_540 = arith.index_cast %parallel_loop3A_539 : i32 to index
        %parallel_loop3A_541 = tpu.vector_load %arg9[%parallel_loop3A_540] {strides = array<i32>} : memref<20480xf32, #tpu.memory_space<vmem>>, vector<16xf32>,
        tpu.vector_store %arg9[%parallel_loop3A_540], %parallel_loop3A_349 {strides = array<i32>} : memref<20480xf32, #tpu.memory_space<vmem>>, vector<16xf32>,
      } {sc.loop_unroll_factor = 1 : i64, sc.parallel_access}
      %mul3A_164 = arith.constant 5 : i32
      %mul3A_165 = arith.muli %add3A_144, %mul3A_164 : i32
      %add3A_166 = arith.addi %mul3A_2, %mul3A_165 : i32
      %add3A_167 = arith.constant 0 : i32
      %add3A_168 = arith.addi %add3A_167, %add3A_166 : i32
      %mul3A_169 = arith.constant 1024 : i32
      %mul3A_170 = arith.muli %add3A_168, %mul3A_169 : i32
      %dma_start3A_171 = arith.constant 0 : i32
      %dma_start3A_172 = tpu.memref_slice %arg9[%dma_start3A_171] : memref<20480xf32, #tpu.memory_space<vmem>> -> memref<5120xf32, #tpu.memory_space<vmem>>
      %dma_start3A_173 = tpu.memref_slice %arg4[%mul3A_170] : memref<51200000xf32, #tpu.memory_space<hbm>> -> memref<5120xf32, #tpu.memory_space<hbm>>
      %dma_start3A_174 = tpu.memref_slice %arg4[%mul3A_170] : memref<51200000xf32, #tpu.memory_space<hbm>> -> memref<5120xf32, #tpu.memory_space<hbm>>
      %dma_start3A_175 = arith.constant 0 : i32
      %dma_start3A_176 = tpu.memref_slice %arg9[%dma_start3A_175] : memref<20480xf32, #tpu.memory_space<vmem>> -> memref<5120xf32, #tpu.memory_space<vmem>>
      tpu.enqueue_dma source(%dma_start3A_176 : memref<5120xf32, #tpu.memory_space<vmem>>) target(%dma_start3A_174 : memref<5120xf32, #tpu.memory_space<hbm>>) target_semaphore(%arg13 : memref<!tpu.dma_semaphore, #tpu.memory_space<semaphore_mem>>)
      %add3A_177 = arith.constant 12500 : i32
      %add3A_178 = arith.addi %add3A_177, %add3A_166 : i32
      %mul3A_179 = arith.constant 1024 : i32
      %mul3A_180 = arith.muli %add3A_178, %mul3A_179 : i32
      %dma_start3A_181 = arith.constant 5120 : i32
      %dma_start3A_182 = tpu.memref_slice %arg9[%dma_start3A_181] : memref<20480xf32, #tpu.memory_space<vmem>> -> memref<5120xf32, #tpu.memory_space<vmem>>
      %dma_start3A_183 = tpu.memref_slice %arg4[%mul3A_180] : memref<51200000xf32, #tpu.memory_space<hbm>> -> memref<5120xf32, #tpu.memory_space<hbm>>
      %dma_start3A_184 = tpu.memref_slice %arg4[%mul3A_180] : memref<51200000xf32, #tpu.memory_space<hbm>> -> memref<5120xf32, #tpu.memory_space<hbm>>
      %dma_start3A_185 = arith.constant 5120 : i32
      %dma_start3A_186 = tpu.memref_slice %arg9[%dma_start3A_185] : memref<20480xf32, #tpu.memory_space<vmem>> -> memref<5120xf32, #tpu.memory_space<vmem>>
      tpu.enqueue_dma source(%dma_start3A_186 : memref<5120xf32, #tpu.memory_space<vmem>>) target(%dma_start3A_184 : memref<5120xf32, #tpu.memory_space<hbm>>) target_semaphore(%arg13 : memref<!tpu.dma_semaphore, #tpu.memory_space<semaphore_mem>>)
      %add3A_187 = arith.constant 25000 : i32
      %add3A_188 = arith.addi %add3A_187, %add3A_166 : i32
      %mul3A_189 = arith.constant 1024 : i32
      %mul3A_190 = arith.muli %add3A_188, %mul3A_189 : i32
      %dma_start3A_191 = arith.constant 10240 : i32
      %dma_start3A_192 = tpu.memref_slice %arg9[%dma_start3A_191] : memref<20480xf32, #tpu.memory_space<vmem>> -> memref<5120xf32, #tpu.memory_space<vmem>>
      %dma_start3A_193 = tpu.memref_slice %arg4[%mul3A_190] : memref<51200000xf32, #tpu.memory_space<hbm>> -> memref<5120xf32, #tpu.memory_space<hbm>>
      %dma_start3A_194 = tpu.memref_slice %arg4[%mul3A_190] : memref<51200000xf32, #tpu.memory_space<hbm>> -> memref<5120xf32, #tpu.memory_space<hbm>>
      %dma_start3A_195 = arith.constant 10240 : i32
      %dma_start3A_196 = tpu.memref_slice %arg9[%dma_start3A_195] : memref<20480xf32, #tpu.memory_space<vmem>> -> memref<5120xf32, #tpu.memory_space<vmem>>
      tpu.enqueue_dma source(%dma_start3A_196 : memref<5120xf32, #tpu.memory_space<vmem>>) target(%dma_start3A_194 : memref<5120xf32, #tpu.memory_space<hbm>>) target_semaphore(%arg13 : memref<!tpu.dma_semaphore, #tpu.memory_space<semaphore_mem>>)
      %add3A_197 = arith.constant 37500 : i32
      %add3A_198 = arith.addi %add3A_197, %add3A_166 : i32
      %mul3A_199 = arith.constant 1024 : i32
      %mul3A_200 = arith.muli %add3A_198, %mul3A_199 : i32
      %dma_start3A_201 = arith.constant 15360 : i32
      %dma_start3A_202 = tpu.memref_slice %arg9[%dma_start3A_201] : memref<20480xf32, #tpu.memory_space<vmem>> -> memref<5120xf32, #tpu.memory_space<vmem>>
      %dma_start3A_203 = tpu.memref_slice %arg4[%mul3A_200] : memref<51200000xf32, #tpu.memory_space<hbm>> -> memref<5120xf32, #tpu.memory_space<hbm>>
      %dma_start3A_204 = tpu.memref_slice %arg4[%mul3A_200] : memref<51200000xf32, #tpu.memory_space<hbm>> -> memref<5120xf32, #tpu.memory_space<hbm>>
      %dma_start3A_205 = arith.constant 15360 : i32
      %dma_start3A_206 = tpu.memref_slice %arg9[%dma_start3A_205] : memref<20480xf32, #tpu.memory_space<vmem>> -> memref<5120xf32, #tpu.memory_space<vmem>>
      tpu.enqueue_dma source(%dma_start3A_206 : memref<5120xf32, #tpu.memory_space<vmem>>) target(%dma_start3A_204 : memref<5120xf32, #tpu.memory_space<hbm>>) target_semaphore(%arg13 : memref<!tpu.dma_semaphore, #tpu.memory_space<semaphore_mem>>)
    }
    %scan3A_12 = arith.constant 39 : i32
    %dma_wait3A = arith.constant 0 : i32
    %dma_wait3A_13 = tpu.memref_slice %arg8[%dma_wait3A] : memref<20480xf32, #tpu.memory_space<vmem>> -> memref<5120xf32, #tpu.memory_space<vmem>>
    %dma_wait3A_14 = arith.constant 0 : i32
    %dma_wait3A_15 = tpu.memref_slice %arg4[%dma_wait3A_14] : memref<51200000xf32, #tpu.memory_space<hbm>> -> memref<5120xf32, #tpu.memory_space<hbm>>
    %dma_wait3A_16 = arith.constant 0 : i32
    %dma_wait3A_17 = tpu.memref_slice %arg4[%dma_wait3A_16] : memref<51200000xf32, #tpu.memory_space<hbm>> -> memref<5120xf32, #tpu.memory_space<hbm>>
    %dma_wait3A_18 = arith.constant 0 : i32
    %dma_wait3A_19 = tpu.memref_slice %arg8[%dma_wait3A_18] : memref<20480xf32, #tpu.memory_space<vmem>> -> memref<5120xf32, #tpu.memory_space<vmem>>
    tpu.wait_dma2 semaphore(%arg12 : memref<!tpu.dma_semaphore, #tpu.memory_space<semaphore_mem>>) src(%dma_wait3A_19 : memref<5120xf32, #tpu.memory_space<vmem>>) dst(%dma_wait3A_17 : memref<5120xf32, #tpu.memory_space<hbm>>)
    %dma_wait3A_20 = arith.constant 0 : i32
    %dma_wait3A_21 = tpu.memref_slice %arg8[%dma_wait3A_20] : memref<20480xf32, #tpu.memory_space<vmem>> -> memref<5120xf32, #tpu.memory_space<vmem>>
    %dma_wait3A_22 = arith.constant 0 : i32
    %dma_wait3A_23 = tpu.memref_slice %arg4[%dma_wait3A_22] : memref<51200000xf32, #tpu.memory_space<hbm>> -> memref<5120xf32, #tpu.memory_space<hbm>>
    %dma_wait3A_24 = arith.constant 0 : i32
    %dma_wait3A_25 = tpu.memref_slice %arg4[%dma_wait3A_24] : memref<51200000xf32, #tpu.memory_space<hbm>> -> memref<5120xf32, #tpu.memory_space<hbm>>
    %dma_wait3A_26 = arith.constant 0 : i32
    %dma_wait3A_27 = tpu.memref_slice %arg8[%dma_wait3A_26] : memref<20480xf32, #tpu.memory_space<vmem>> -> memref<5120xf32, #tpu.memory_space<vmem>>
    tpu.wait_dma2 semaphore(%arg12 : memref<!tpu.dma_semaphore, #tpu.memory_space<semaphore_mem>>) src(%dma_wait3A_27 : memref<5120xf32, #tpu.memory_space<vmem>>) dst(%dma_wait3A_25 : memref<5120xf32, #tpu.memory_space<hbm>>)
    %dma_wait3A_28 = arith.constant 0 : i32
    %dma_wait3A_29 = tpu.memref_slice %arg8[%dma_wait3A_28] : memref<20480xf32, #tpu.memory_space<vmem>> -> memref<5120xf32, #tpu.memory_space<vmem>>
    %dma_wait3A_30 = arith.constant 0 : i32
    %dma_wait3A_31 = tpu.memref_slice %arg4[%dma_wait3A_30] : memref<51200000xf32, #tpu.memory_space<hbm>> -> memref<5120xf32, #tpu.memory_space<hbm>>
    %dma_wait3A_32 = arith.constant 0 : i32
    %dma_wait3A_33 = tpu.memref_slice %arg4[%dma_wait3A_32] : memref<51200000xf32, #tpu.memory_space<hbm>> -> memref<5120xf32, #tpu.memory_space<hbm>>
    %dma_wait3A_34 = arith.constant 0 : i32
    %dma_wait3A_35 = tpu.memref_slice %arg8[%dma_wait3A_34] : memref<20480xf32, #tpu.memory_space<vmem>> -> memref<5120xf32, #tpu.memory_space<vmem>>
    tpu.wait_dma2 semaphore(%arg12 : memref<!tpu.dma_semaphore, #tpu.memory_space<semaphore_mem>>) src(%dma_wait3A_35 : memref<5120xf32, #tpu.memory_space<vmem>>) dst(%dma_wait3A_33 : memref<5120xf32, #tpu.memory_space<hbm>>)
    %dma_wait3A_36 = arith.constant 0 : i32
    %dma_wait3A_37 = tpu.memref_slice %arg8[%dma_wait3A_36] : memref<20480xf32, #tpu.memory_space<vmem>> -> memref<5120xf32, #tpu.memory_space<vmem>>
    %dma_wait3A_38 = arith.constant 0 : i32
    %dma_wait3A_39 = tpu.memref_slice %arg4[%dma_wait3A_38] : memref<51200000xf32, #tpu.memory_space<hbm>> -> memref<5120xf32, #tpu.memory_space<hbm>>
    %dma_wait3A_40 = arith.constant 0 : i32
    %dma_wait3A_41 = tpu.memref_slice %arg4[%dma_wait3A_40] : memref<51200000xf32, #tpu.memory_space<hbm>> -> memref<5120xf32, #tpu.memory_space<hbm>>
    %dma_wait3A_42 = arith.constant 0 : i32
    %dma_wait3A_43 = tpu.memref_slice %arg8[%dma_wait3A_42] : memref<20480xf32, #tpu.memory_space<vmem>> -> memref<5120xf32, #tpu.memory_space<vmem>>
    tpu.wait_dma2 semaphore(%arg12 : memref<!tpu.dma_semaphore, #tpu.memory_space<semaphore_mem>>) src(%dma_wait3A_43 : memref<5120xf32, #tpu.memory_space<vmem>>) dst(%dma_wait3A_41 : memref<5120xf32, #tpu.memory_space<hbm>>)
    %dma_wait3A_44 = arith.constant 0 : i32
    %dma_wait3A_45 = tpu.memref_slice %arg9[%dma_wait3A_44] : memref<20480xf32, #tpu.memory_space<vmem>> -> memref<5120xf32, #tpu.memory_space<vmem>>
    %dma_wait3A_46 = arith.constant 0 : i32
    %dma_wait3A_47 = tpu.memref_slice %arg4[%dma_wait3A_46] : memref<51200000xf32, #tpu.memory_space<hbm>> -> memref<5120xf32, #tpu.memory_space<hbm>>
    %dma_wait3A_48 = arith.constant 0 : i32
    %dma_wait3A_49 = tpu.memref_slice %arg4[%dma_wait3A_48] : memref<51200000xf32, #tpu.memory_space<hbm>> -> memref<5120xf32, #tpu.memory_space<hbm>>
    %dma_wait3A_50 = arith.constant 0 : i32
    %dma_wait3A_51 = tpu.memref_slice %arg9[%dma_wait3A_50] : memref<20480xf32, #tpu.memory_space<vmem>> -> memref<5120xf32, #tpu.memory_space<vmem>>
    tpu.wait_dma2 semaphore(%arg13 : memref<!tpu.dma_semaphore, #tpu.memory_space<semaphore_mem>>) src(%dma_wait3A_51 : memref<5120xf32, #tpu.memory_space<vmem>>) dst(%dma_wait3A_49 : memref<5120xf32, #tpu.memory_space<hbm>>)
    %dma_wait3A_52 = arith.constant 0 : i32
    %dma_wait3A_53 = tpu.memref_slice %arg9[%dma_wait3A_52] : memref<20480xf32, #tpu.memory_space<vmem>> -> memref<5120xf32, #tpu.memory_space<vmem>>
    %dma_wait3A_54 = arith.constant 0 : i32
    %dma_wait3A_55 = tpu.memref_slice %arg4[%dma_wait3A_54] : memref<51200000xf32, #tpu.memory_space<hbm>> -> memref<5120xf32, #tpu.memory_space<hbm>>
    %dma_wait3A_56 = arith.constant 0 : i32
    %dma_wait3A_57 = tpu.memref_slice %arg4[%dma_wait3A_56] : memref<51200000xf32, #tpu.memory_space<hbm>> -> memref<5120xf32, #tpu.memory_space<hbm>>
    %dma_wait3A_58 = arith.constant 0 : i32
    %dma_wait3A_59 = tpu.memref_slice %arg9[%dma_wait3A_58] : memref<20480xf32, #tpu.memory_space<vmem>> -> memref<5120xf32, #tpu.memory_space<vmem>>
    tpu.wait_dma2 semaphore(%arg13 : memref<!tpu.dma_semaphore, #tpu.memory_space<semaphore_mem>>) src(%dma_wait3A_59 : memref<5120xf32, #tpu.memory_space<vmem>>) dst(%dma_wait3A_57 : memref<5120xf32, #tpu.memory_space<hbm>>)
    %dma_wait3A_60 = arith.constant 0 : i32
    %dma_wait3A_61 = tpu.memref_slice %arg9[%dma_wait3A_60] : memref<20480xf32, #tpu.memory_space<vmem>> -> memref<5120xf32, #tpu.memory_space<vmem>>
    %dma_wait3A_62 = arith.constant 0 : i32
    %dma_wait3A_63 = tpu.memref_slice %arg4[%dma_wait3A_62] : memref<51200000xf32, #tpu.memory_space<hbm>> -> memref<5120xf32, #tpu.memory_space<hbm>>
    %dma_wait3A_64 = arith.constant 0 : i32
    %dma_wait3A_65 = tpu.memref_slice %arg4[%dma_wait3A_64] : memref<51200000xf32, #tpu.memory_space<hbm>> -> memref<5120xf32, #tpu.memory_space<hbm>>
    %dma_wait3A_66 = arith.constant 0 : i32
    %dma_wait3A_67 = tpu.memref_slice %arg9[%dma_wait3A_66] : memref<20480xf32, #tpu.memory_space<vmem>> -> memref<5120xf32, #tpu.memory_space<vmem>>
    tpu.wait_dma2 semaphore(%arg13 : memref<!tpu.dma_semaphore, #tpu.memory_space<semaphore_mem>>) src(%dma_wait3A_67 : memref<5120xf32, #tpu.memory_space<vmem>>) dst(%dma_wait3A_65 : memref<5120xf32, #tpu.memory_space<hbm>>)
    %dma_wait3A_68 = arith.constant 0 : i32
    %dma_wait3A_69 = tpu.memref_slice %arg9[%dma_wait3A_68] : memref<20480xf32, #tpu.memory_space<vmem>> -> memref<5120xf32, #tpu.memory_space<vmem>>
    %dma_wait3A_70 = arith.constant 0 : i32
    %dma_wait3A_71 = tpu.memref_slice %arg4[%dma_wait3A_70] : memref<51200000xf32, #tpu.memory_space<hbm>> -> memref<5120xf32, #tpu.memory_space<hbm>>
    %dma_wait3A_72 = arith.constant 0 : i32
    %dma_wait3A_73 = tpu.memref_slice %arg4[%dma_wait3A_72] : memref<51200000xf32, #tpu.memory_space<hbm>> -> memref<5120xf32, #tpu.memory_space<hbm>>
    %dma_wait3A_74 = arith.constant 0 : i32
    %dma_wait3A_75 = tpu.memref_slice %arg9[%dma_wait3A_74] : memref<20480xf32, #tpu.memory_space<vmem>> -> memref<5120xf32, #tpu.memory_space<vmem>>
    tpu.wait_dma2 semaphore(%arg13 : memref<!tpu.dma_semaphore, #tpu.memory_space<semaphore_mem>>) src(%dma_wait3A_75 : memref<5120xf32, #tpu.memory_space<vmem>>) dst(%dma_wait3A_73 : memref<5120xf32, #tpu.memory_space<hbm>>)
    %lt3A = arith.constant 20 : i32
    %lt3A_76 = arith.cmpi slt, %add3A, %lt3A : i32
    %convert_element_type3A = arith.extui %lt3A_76 : i1 to i32
    %cond3A = arith.constant 0 : i32
    %cond3A_77 = arith.cmpi ne, %convert_element_type3A, %cond3A : i32
    scf.if %cond3A_77 {
      %add3A_78 = arith.constant 12480 : i32
      %add3A_79 = arith.addi %add3A_78, %add3A : i32
      %mul3A_80 = arith.constant 128 : i32
      %mul3A_81 = arith.muli %add3A_79, %mul3A_80 : i32
      "tpu.region"() ({
        %run_scoped3A = tpu.sem_alloc : memref<!tpu.dma_semaphore, #tpu.memory_space<semaphore_mem>>
        %dma_start3A_100 = arith.constant 0 : i32
        %dma_start3A_101 = tpu.memref_slice %arg6[%dma_start3A_100] : memref<640xi32, #tpu.memory_space<vmem>> -> memref<128xi32, #tpu.memory_space<vmem>>
        %dma_start3A_102 = tpu.memref_slice %arg2[%mul3A_81] : memref<1600000xi32, #tpu.memory_space<hbm>> -> memref<128xi32, #tpu.memory_space<hbm>>
        %dma_start3A_103 = arith.constant 0 : i32
        %dma_start3A_104 = tpu.memref_slice %arg6[%dma_start3A_103] : memref<640xi32, #tpu.memory_space<vmem>> -> memref<128xi32, #tpu.memory_space<vmem>>
        %dma_start3A_105 = tpu.memref_slice %arg2[%mul3A_81] : memref<1600000xi32, #tpu.memory_space<hbm>> -> memref<128xi32, #tpu.memory_space<hbm>>
        tpu.enqueue_dma source(%dma_start3A_105 : memref<128xi32, #tpu.memory_space<hbm>>) target(%dma_start3A_104 : memref<128xi32, #tpu.memory_space<vmem>>) target_semaphore(%run_scoped3A : memref<!tpu.dma_semaphore, #tpu.memory_space<semaphore_mem>>)
        %dma_wait3A_106 = arith.constant 0 : i32
        %dma_wait3A_107 = tpu.memref_slice %arg6[%dma_wait3A_106] : memref<640xi32, #tpu.memory_space<vmem>> -> memref<128xi32, #tpu.memory_space<vmem>>
        %dma_wait3A_108 = tpu.memref_slice %arg2[%mul3A_81] : memref<1600000xi32, #tpu.memory_space<hbm>> -> memref<128xi32, #tpu.memory_space<hbm>>
        %dma_wait3A_109 = arith.constant 0 : i32
        %dma_wait3A_110 = tpu.memref_slice %arg6[%dma_wait3A_109] : memref<640xi32, #tpu.memory_space<vmem>> -> memref<128xi32, #tpu.memory_space<vmem>>
        %dma_wait3A_111 = tpu.memref_slice %arg2[%mul3A_81] : memref<1600000xi32, #tpu.memory_space<hbm>> -> memref<128xi32, #tpu.memory_space<hbm>>
        tpu.wait_dma2 semaphore(%run_scoped3A : memref<!tpu.dma_semaphore, #tpu.memory_space<semaphore_mem>>) src(%dma_wait3A_111 : memref<128xi32, #tpu.memory_space<hbm>>) dst(%dma_wait3A_110 : memref<128xi32, #tpu.memory_space<vmem>>)
        tpu.yield
      }) : () -> ()
      %parallel_loop3A = arith.constant 0 : i32
      %parallel_loop3A_82 = arith.constant 8 : i32
      %parallel_loop3A_83 = arith.constant 1 : i32
      scf.for %parallel_loop3A_100 = %parallel_loop3A to %parallel_loop3A_82 step %parallel_loop3A_83  : i32 {
        %parallel_loop3A_101 = arith.constant 16 : i32
        %parallel_loop3A_102 = arith.muli %parallel_loop3A_100, %parallel_loop3A_101 : i32
        %parallel_loop3A_103 = arith.index_cast %parallel_loop3A_102 : i32 to index
        %parallel_loop3A_104 = tpu.vector_load %arg6[%parallel_loop3A_103] {strides = array<i32>} : memref<640xi32, #tpu.memory_space<vmem>>, vector<16xi32>,
        %parallel_loop3A_105 = arith.constant 8 : i32
        %parallel_loop3A_106 = arith.divsi %parallel_loop3A_100, %parallel_loop3A_105 : i32
        %parallel_loop3A_107 = arith.constant 1024 : i32
        %parallel_loop3A_108 = arith.muli %parallel_loop3A_106, %parallel_loop3A_107 : i32
        %parallel_loop3A_109 = arith.constant 8 : i32
        %parallel_loop3A_110 = arith.muli %parallel_loop3A_106, %parallel_loop3A_109 : i32
        %parallel_loop3A_111 = arith.subi %parallel_loop3A_100, %parallel_loop3A_110 : i32
        %parallel_loop3A_112 = arith.constant 16 : i32
        %parallel_loop3A_113 = arith.muli %parallel_loop3A_111, %parallel_loop3A_112 : i32
        %parallel_loop3A_114 = arith.addi %parallel_loop3A_108, %parallel_loop3A_113 : i32
        %parallel_loop3A_115 = arith.constant 0 : i32
        %parallel_loop3A_116 = vector.broadcast %parallel_loop3A_115 : i32 to vector<16xi32>
        %parallel_loop3A_117 = arith.addi %parallel_loop3A_104, %parallel_loop3A_116 : vector<16xi32>
        %parallel_loop3A_118 = tpu.vector_load_idx %arg5[%parallel_loop3A_117] : memref<1980xf32, #tpu.memory_space<vmem>>[vector<16xi32>], vector<16xf32>,
        %parallel_loop3A_119 = arith.constant 1 : i32
        %parallel_loop3A_120 = vector.broadcast %parallel_loop3A_119 : i32 to vector<16xi32>
        %parallel_loop3A_121 = arith.addi %parallel_loop3A_104, %parallel_loop3A_120 : vector<16xi32>
        %parallel_loop3A_122 = tpu.vector_load_idx %arg5[%parallel_loop3A_121] : memref<1980xf32, #tpu.memory_space<vmem>>[vector<16xi32>], vector<16xf32>,
        %parallel_loop3A_123 = arith.constant 2 : i32
        %parallel_loop3A_124 = vector.broadcast %parallel_loop3A_123 : i32 to vector<16xi32>
        %parallel_loop3A_125 = arith.addi %parallel_loop3A_104, %parallel_loop3A_124 : vector<16xi32>
        %parallel_loop3A_126 = tpu.vector_load_idx %arg5[%parallel_loop3A_125] : memref<1980xf32, #tpu.memory_space<vmem>>[vector<16xi32>], vector<16xf32>,
        %parallel_loop3A_127 = arith.constant 3 : i32
        %parallel_loop3A_128 = vector.broadcast %parallel_loop3A_127 : i32 to vector<16xi32>
        %parallel_loop3A_129 = arith.addi %parallel_loop3A_104, %parallel_loop3A_128 : vector<16xi32>
        %parallel_loop3A_130 = tpu.vector_load_idx %arg5[%parallel_loop3A_129] : memref<1980xf32, #tpu.memory_space<vmem>>[vector<16xi32>], vector<16xf32>,
        %parallel_loop3A_131 = arith.constant 4 : i32
        %parallel_loop3A_132 = vector.broadcast %parallel_loop3A_131 : i32 to vector<16xi32>
        %parallel_loop3A_133 = arith.addi %parallel_loop3A_104, %parallel_loop3A_132 : vector<16xi32>
        %parallel_loop3A_134 = tpu.vector_load_idx %arg5[%parallel_loop3A_133] : memref<1980xf32, #tpu.memory_space<vmem>>[vector<16xi32>], vector<16xf32>,
        %parallel_loop3A_135 = arith.constant 5 : i32
        %parallel_loop3A_136 = vector.broadcast %parallel_loop3A_135 : i32 to vector<16xi32>
        %parallel_loop3A_137 = arith.addi %parallel_loop3A_104, %parallel_loop3A_136 : vector<16xi32>
        %parallel_loop3A_138 = tpu.vector_load_idx %arg5[%parallel_loop3A_137] : memref<1980xf32, #tpu.memory_space<vmem>>[vector<16xi32>], vector<16xf32>,
        %parallel_loop3A_139 = arith.constant 6 : i32
        %parallel_loop3A_140 = vector.broadcast %parallel_loop3A_139 : i32 to vector<16xi32>
        %parallel_loop3A_141 = arith.addi %parallel_loop3A_104, %parallel_loop3A_140 : vector<16xi32>
        %parallel_loop3A_142 = tpu.vector_load_idx %arg5[%parallel_loop3A_141] : memref<1980xf32, #tpu.memory_space<vmem>>[vector<16xi32>], vector<16xf32>,
        %parallel_loop3A_143 = arith.constant 7 : i32
        %parallel_loop3A_144 = vector.broadcast %parallel_loop3A_143 : i32 to vector<16xi32>
        %parallel_loop3A_145 = arith.addi %parallel_loop3A_104, %parallel_loop3A_144 : vector<16xi32>
        %parallel_loop3A_146 = tpu.vector_load_idx %arg5[%parallel_loop3A_145] : memref<1980xf32, #tpu.memory_space<vmem>>[vector<16xi32>], vector<16xf32>,
        %parallel_loop3A_147 = arith.constant 8 : i32
        %parallel_loop3A_148 = vector.broadcast %parallel_loop3A_147 : i32 to vector<16xi32>
        %parallel_loop3A_149 = arith.addi %parallel_loop3A_104, %parallel_loop3A_148 : vector<16xi32>
        %parallel_loop3A_150 = tpu.vector_load_idx %arg5[%parallel_loop3A_149] : memref<1980xf32, #tpu.memory_space<vmem>>[vector<16xi32>], vector<16xf32>,
        %parallel_loop3A_151 = arith.constant 9 : i32
        %parallel_loop3A_152 = vector.broadcast %parallel_loop3A_151 : i32 to vector<16xi32>
        %parallel_loop3A_153 = arith.addi %parallel_loop3A_104, %parallel_loop3A_152 : vector<16xi32>
        %parallel_loop3A_154 = tpu.vector_load_idx %arg5[%parallel_loop3A_153] : memref<1980xf32, #tpu.memory_space<vmem>>[vector<16xi32>], vector<16xf32>,
        %parallel_loop3A_155 = arith.constant 10 : i32
        %parallel_loop3A_156 = vector.broadcast %parallel_loop3A_155 : i32 to vector<16xi32>
        %parallel_loop3A_157 = arith.addi %parallel_loop3A_104, %parallel_loop3A_156 : vector<16xi32>
        %parallel_loop3A_158 = tpu.vector_load_idx %arg5[%parallel_loop3A_157] : memref<1980xf32, #tpu.memory_space<vmem>>[vector<16xi32>], vector<16xf32>,
        %parallel_loop3A_159 = arith.constant 11 : i32
        %parallel_loop3A_160 = vector.broadcast %parallel_loop3A_159 : i32 to vector<16xi32>
        %parallel_loop3A_161 = arith.addi %parallel_loop3A_104, %parallel_loop3A_160 : vector<16xi32>
        %parallel_loop3A_162 = tpu.vector_load_idx %arg5[%parallel_loop3A_161] : memref<1980xf32, #tpu.memory_space<vmem>>[vector<16xi32>], vector<16xf32>,
        %parallel_loop3A_163 = arith.constant 12 : i32
        %parallel_loop3A_164 = vector.broadcast %parallel_loop3A_163 : i32 to vector<16xi32>
        %parallel_loop3A_165 = arith.addi %parallel_loop3A_104, %parallel_loop3A_164 : vector<16xi32>
        %parallel_loop3A_166 = tpu.vector_load_idx %arg5[%parallel_loop3A_165] : memref<1980xf32, #tpu.memory_space<vmem>>[vector<16xi32>], vector<16xf32>,
        %parallel_loop3A_167 = arith.constant 13 : i32
        %parallel_loop3A_168 = vector.broadcast %parallel_loop3A_167 : i32 to vector<16xi32>
        %parallel_loop3A_169 = arith.addi %parallel_loop3A_104, %parallel_loop3A_168 : vector<16xi32>
        %parallel_loop3A_170 = tpu.vector_load_idx %arg5[%parallel_loop3A_169] : memref<1980xf32, #tpu.memory_space<vmem>>[vector<16xi32>], vector<16xf32>,
        %parallel_loop3A_171 = arith.constant 14 : i32
        %parallel_loop3A_172 = vector.broadcast %parallel_loop3A_171 : i32 to vector<16xi32>
        %parallel_loop3A_173 = arith.addi %parallel_loop3A_104, %parallel_loop3A_172 : vector<16xi32>
        %parallel_loop3A_174 = tpu.vector_load_idx %arg5[%parallel_loop3A_173] : memref<1980xf32, #tpu.memory_space<vmem>>[vector<16xi32>], vector<16xf32>,
        %parallel_loop3A_175 = arith.constant 15 : i32
        %parallel_loop3A_176 = vector.broadcast %parallel_loop3A_175 : i32 to vector<16xi32>
        %parallel_loop3A_177 = arith.addi %parallel_loop3A_104, %parallel_loop3A_176 : vector<16xi32>
        %parallel_loop3A_178 = tpu.vector_load_idx %arg5[%parallel_loop3A_177] : memref<1980xf32, #tpu.memory_space<vmem>>[vector<16xi32>], vector<16xf32>,
        %parallel_loop3A_179 = arith.constant 16 : i32
        %parallel_loop3A_180 = vector.broadcast %parallel_loop3A_179 : i32 to vector<16xi32>
        %parallel_loop3A_181 = arith.addi %parallel_loop3A_104, %parallel_loop3A_180 : vector<16xi32>
        %parallel_loop3A_182 = tpu.vector_load_idx %arg5[%parallel_loop3A_181] : memref<1980xf32, #tpu.memory_space<vmem>>[vector<16xi32>], vector<16xf32>,
        %parallel_loop3A_183 = arith.constant 17 : i32
        %parallel_loop3A_184 = vector.broadcast %parallel_loop3A_183 : i32 to vector<16xi32>
        %parallel_loop3A_185 = arith.addi %parallel_loop3A_104, %parallel_loop3A_184 : vector<16xi32>
        %parallel_loop3A_186 = tpu.vector_load_idx %arg5[%parallel_loop3A_185] : memref<1980xf32, #tpu.memory_space<vmem>>[vector<16xi32>], vector<16xf32>,
        %parallel_loop3A_187 = arith.constant 18 : i32
        %parallel_loop3A_188 = vector.broadcast %parallel_loop3A_187 : i32 to vector<16xi32>
        %parallel_loop3A_189 = arith.addi %parallel_loop3A_104, %parallel_loop3A_188 : vector<16xi32>
        %parallel_loop3A_190 = tpu.vector_load_idx %arg5[%parallel_loop3A_189] : memref<1980xf32, #tpu.memory_space<vmem>>[vector<16xi32>], vector<16xf32>,
        %parallel_loop3A_191 = arith.constant 19 : i32
        %parallel_loop3A_192 = vector.broadcast %parallel_loop3A_191 : i32 to vector<16xi32>
        %parallel_loop3A_193 = arith.addi %parallel_loop3A_104, %parallel_loop3A_192 : vector<16xi32>
        %parallel_loop3A_194 = tpu.vector_load_idx %arg5[%parallel_loop3A_193] : memref<1980xf32, #tpu.memory_space<vmem>>[vector<16xi32>], vector<16xf32>,
        %parallel_loop3A_195 = arith.constant 20 : i32
        %parallel_loop3A_196 = vector.broadcast %parallel_loop3A_195 : i32 to vector<16xi32>
        %parallel_loop3A_197 = arith.addi %parallel_loop3A_104, %parallel_loop3A_196 : vector<16xi32>
        %parallel_loop3A_198 = tpu.vector_load_idx %arg5[%parallel_loop3A_197] : memref<1980xf32, #tpu.memory_space<vmem>>[vector<16xi32>], vector<16xf32>,
        %parallel_loop3A_199 = arith.constant 21 : i32
        %parallel_loop3A_200 = vector.broadcast %parallel_loop3A_199 : i32 to vector<16xi32>
        %parallel_loop3A_201 = arith.addi %parallel_loop3A_104, %parallel_loop3A_200 : vector<16xi32>
        %parallel_loop3A_202 = tpu.vector_load_idx %arg5[%parallel_loop3A_201] : memref<1980xf32, #tpu.memory_space<vmem>>[vector<16xi32>], vector<16xf32>,
        %parallel_loop3A_203 = arith.constant 22 : i32
        %parallel_loop3A_204 = vector.broadcast %parallel_loop3A_203 : i32 to vector<16xi32>
        %parallel_loop3A_205 = arith.addi %parallel_loop3A_104, %parallel_loop3A_204 : vector<16xi32>
        %parallel_loop3A_206 = tpu.vector_load_idx %arg5[%parallel_loop3A_205] : memref<1980xf32, #tpu.memory_space<vmem>>[vector<16xi32>], vector<16xf32>,
        %parallel_loop3A_207 = arith.constant 23 : i32
        %parallel_loop3A_208 = vector.broadcast %parallel_loop3A_207 : i32 to vector<16xi32>
        %parallel_loop3A_209 = arith.addi %parallel_loop3A_104, %parallel_loop3A_208 : vector<16xi32>
        %parallel_loop3A_210 = tpu.vector_load_idx %arg5[%parallel_loop3A_209] : memref<1980xf32, #tpu.memory_space<vmem>>[vector<16xi32>], vector<16xf32>,
        %parallel_loop3A_211 = arith.constant 24 : i32
        %parallel_loop3A_212 = vector.broadcast %parallel_loop3A_211 : i32 to vector<16xi32>
        %parallel_loop3A_213 = arith.addi %parallel_loop3A_104, %parallel_loop3A_212 : vector<16xi32>
        %parallel_loop3A_214 = tpu.vector_load_idx %arg5[%parallel_loop3A_213] : memref<1980xf32, #tpu.memory_space<vmem>>[vector<16xi32>], vector<16xf32>,
        %parallel_loop3A_215 = arith.constant 25 : i32
        %parallel_loop3A_216 = vector.broadcast %parallel_loop3A_215 : i32 to vector<16xi32>
        %parallel_loop3A_217 = arith.addi %parallel_loop3A_104, %parallel_loop3A_216 : vector<16xi32>
        %parallel_loop3A_218 = tpu.vector_load_idx %arg5[%parallel_loop3A_217] : memref<1980xf32, #tpu.memory_space<vmem>>[vector<16xi32>], vector<16xf32>,
        %parallel_loop3A_219 = arith.constant 26 : i32
        %parallel_loop3A_220 = vector.broadcast %parallel_loop3A_219 : i32 to vector<16xi32>
        %parallel_loop3A_221 = arith.addi %parallel_loop3A_104, %parallel_loop3A_220 : vector<16xi32>
        %parallel_loop3A_222 = tpu.vector_load_idx %arg5[%parallel_loop3A_221] : memref<1980xf32, #tpu.memory_space<vmem>>[vector<16xi32>], vector<16xf32>,
        %parallel_loop3A_223 = arith.constant 27 : i32
        %parallel_loop3A_224 = vector.broadcast %parallel_loop3A_223 : i32 to vector<16xi32>
        %parallel_loop3A_225 = arith.addi %parallel_loop3A_104, %parallel_loop3A_224 : vector<16xi32>
        %parallel_loop3A_226 = tpu.vector_load_idx %arg5[%parallel_loop3A_225] : memref<1980xf32, #tpu.memory_space<vmem>>[vector<16xi32>], vector<16xf32>,
        %parallel_loop3A_227 = arith.constant 28 : i32
        %parallel_loop3A_228 = vector.broadcast %parallel_loop3A_227 : i32 to vector<16xi32>
        %parallel_loop3A_229 = arith.addi %parallel_loop3A_104, %parallel_loop3A_228 : vector<16xi32>
        %parallel_loop3A_230 = tpu.vector_load_idx %arg5[%parallel_loop3A_229] : memref<1980xf32, #tpu.memory_space<vmem>>[vector<16xi32>], vector<16xf32>,
        %parallel_loop3A_231 = arith.constant 29 : i32
        %parallel_loop3A_232 = vector.broadcast %parallel_loop3A_231 : i32 to vector<16xi32>
        %parallel_loop3A_233 = arith.addi %parallel_loop3A_104, %parallel_loop3A_232 : vector<16xi32>
        %parallel_loop3A_234 = tpu.vector_load_idx %arg5[%parallel_loop3A_233] : memref<1980xf32, #tpu.memory_space<vmem>>[vector<16xi32>], vector<16xf32>,
        %parallel_loop3A_235 = arith.constant 30 : i32
        %parallel_loop3A_236 = vector.broadcast %parallel_loop3A_235 : i32 to vector<16xi32>
        %parallel_loop3A_237 = arith.addi %parallel_loop3A_104, %parallel_loop3A_236 : vector<16xi32>
        %parallel_loop3A_238 = tpu.vector_load_idx %arg5[%parallel_loop3A_237] : memref<1980xf32, #tpu.memory_space<vmem>>[vector<16xi32>], vector<16xf32>,
        %parallel_loop3A_239 = arith.constant 31 : i32
        %parallel_loop3A_240 = vector.broadcast %parallel_loop3A_239 : i32 to vector<16xi32>
        %parallel_loop3A_241 = arith.addi %parallel_loop3A_104, %parallel_loop3A_240 : vector<16xi32>
        %parallel_loop3A_242 = tpu.vector_load_idx %arg5[%parallel_loop3A_241] : memref<1980xf32, #tpu.memory_space<vmem>>[vector<16xi32>], vector<16xf32>,
        %parallel_loop3A_243 = arith.constant 0 : i32
        %parallel_loop3A_244 = arith.addi %parallel_loop3A_243, %parallel_loop3A_114 : i32
        %parallel_loop3A_245 = arith.constant 0 : i32
        %parallel_loop3A_246 = arith.addi %parallel_loop3A_244, %parallel_loop3A_245 : i32
        %parallel_loop3A_247 = arith.index_cast %parallel_loop3A_246 : i32 to index
        %parallel_loop3A_248 = tpu.vector_load %arg8[%parallel_loop3A_247] {strides = array<i32>} : memref<20480xf32, #tpu.memory_space<vmem>>, vector<16xf32>,
        tpu.vector_store %arg8[%parallel_loop3A_247], %parallel_loop3A_118 {strides = array<i32>} : memref<20480xf32, #tpu.memory_space<vmem>>, vector<16xf32>,
        %parallel_loop3A_249 = arith.constant 0 : i32
        %parallel_loop3A_250 = arith.addi %parallel_loop3A_249, %parallel_loop3A_114 : i32
        %parallel_loop3A_251 = arith.constant 128 : i32
        %parallel_loop3A_252 = arith.addi %parallel_loop3A_250, %parallel_loop3A_251 : i32
        %parallel_loop3A_253 = arith.index_cast %parallel_loop3A_252 : i32 to index
        %parallel_loop3A_254 = tpu.vector_load %arg8[%parallel_loop3A_253] {strides = array<i32>} : memref<20480xf32, #tpu.memory_space<vmem>>, vector<16xf32>,
        tpu.vector_store %arg8[%parallel_loop3A_253], %parallel_loop3A_122 {strides = array<i32>} : memref<20480xf32, #tpu.memory_space<vmem>>, vector<16xf32>,
        %parallel_loop3A_255 = arith.constant 0 : i32
        %parallel_loop3A_256 = arith.addi %parallel_loop3A_255, %parallel_loop3A_114 : i32
        %parallel_loop3A_257 = arith.constant 256 : i32
        %parallel_loop3A_258 = arith.addi %parallel_loop3A_256, %parallel_loop3A_257 : i32
        %parallel_loop3A_259 = arith.index_cast %parallel_loop3A_258 : i32 to index
        %parallel_loop3A_260 = tpu.vector_load %arg8[%parallel_loop3A_259] {strides = array<i32>} : memref<20480xf32, #tpu.memory_space<vmem>>, vector<16xf32>,
        tpu.vector_store %arg8[%parallel_loop3A_259], %parallel_loop3A_126 {strides = array<i32>} : memref<20480xf32, #tpu.memory_space<vmem>>, vector<16xf32>,
        %parallel_loop3A_261 = arith.constant 0 : i32
        %parallel_loop3A_262 = arith.addi %parallel_loop3A_261, %parallel_loop3A_114 : i32
        %parallel_loop3A_263 = arith.constant 384 : i32
        %parallel_loop3A_264 = arith.addi %parallel_loop3A_262, %parallel_loop3A_263 : i32
        %parallel_loop3A_265 = arith.index_cast %parallel_loop3A_264 : i32 to index
        %parallel_loop3A_266 = tpu.vector_load %arg8[%parallel_loop3A_265] {strides = array<i32>} : memref<20480xf32, #tpu.memory_space<vmem>>, vector<16xf32>,
        tpu.vector_store %arg8[%parallel_loop3A_265], %parallel_loop3A_130 {strides = array<i32>} : memref<20480xf32, #tpu.memory_space<vmem>>, vector<16xf32>,
        %parallel_loop3A_267 = arith.constant 0 : i32
        %parallel_loop3A_268 = arith.addi %parallel_loop3A_267, %parallel_loop3A_114 : i32
        %parallel_loop3A_269 = arith.constant 512 : i32
        %parallel_loop3A_270 = arith.addi %parallel_loop3A_268, %parallel_loop3A_269 : i32
        %parallel_loop3A_271 = arith.index_cast %parallel_loop3A_270 : i32 to index
        %parallel_loop3A_272 = tpu.vector_load %arg8[%parallel_loop3A_271] {strides = array<i32>} : memref<20480xf32, #tpu.memory_space<vmem>>, vector<16xf32>,
        tpu.vector_store %arg8[%parallel_loop3A_271], %parallel_loop3A_134 {strides = array<i32>} : memref<20480xf32, #tpu.memory_space<vmem>>, vector<16xf32>,
        %parallel_loop3A_273 = arith.constant 0 : i32
        %parallel_loop3A_274 = arith.addi %parallel_loop3A_273, %parallel_loop3A_114 : i32
        %parallel_loop3A_275 = arith.constant 640 : i32
        %parallel_loop3A_276 = arith.addi %parallel_loop3A_274, %parallel_loop3A_275 : i32
        %parallel_loop3A_277 = arith.index_cast %parallel_loop3A_276 : i32 to index
        %parallel_loop3A_278 = tpu.vector_load %arg8[%parallel_loop3A_277] {strides = array<i32>} : memref<20480xf32, #tpu.memory_space<vmem>>, vector<16xf32>,
        tpu.vector_store %arg8[%parallel_loop3A_277], %parallel_loop3A_138 {strides = array<i32>} : memref<20480xf32, #tpu.memory_space<vmem>>, vector<16xf32>,
        %parallel_loop3A_279 = arith.constant 0 : i32
        %parallel_loop3A_280 = arith.addi %parallel_loop3A_279, %parallel_loop3A_114 : i32
        %parallel_loop3A_281 = arith.constant 768 : i32
        %parallel_loop3A_282 = arith.addi %parallel_loop3A_280, %parallel_loop3A_281 : i32
        %parallel_loop3A_283 = arith.index_cast %parallel_loop3A_282 : i32 to index
        %parallel_loop3A_284 = tpu.vector_load %arg8[%parallel_loop3A_283] {strides = array<i32>} : memref<20480xf32, #tpu.memory_space<vmem>>, vector<16xf32>,
        tpu.vector_store %arg8[%parallel_loop3A_283], %parallel_loop3A_142 {strides = array<i32>} : memref<20480xf32, #tpu.memory_space<vmem>>, vector<16xf32>,
        %parallel_loop3A_285 = arith.constant 0 : i32
        %parallel_loop3A_286 = arith.addi %parallel_loop3A_285, %parallel_loop3A_114 : i32
        %parallel_loop3A_287 = arith.constant 896 : i32
        %parallel_loop3A_288 = arith.addi %parallel_loop3A_286, %parallel_loop3A_287 : i32
        %parallel_loop3A_289 = arith.index_cast %parallel_loop3A_288 : i32 to index
        %parallel_loop3A_290 = tpu.vector_load %arg8[%parallel_loop3A_289] {strides = array<i32>} : memref<20480xf32, #tpu.memory_space<vmem>>, vector<16xf32>,
        tpu.vector_store %arg8[%parallel_loop3A_289], %parallel_loop3A_146 {strides = array<i32>} : memref<20480xf32, #tpu.memory_space<vmem>>, vector<16xf32>,
        %parallel_loop3A_291 = arith.constant 1024 : i32
        %parallel_loop3A_292 = arith.addi %parallel_loop3A_291, %parallel_loop3A_114 : i32
        %parallel_loop3A_293 = arith.constant 0 : i32
        %parallel_loop3A_294 = arith.addi %parallel_loop3A_292, %parallel_loop3A_293 : i32
        %parallel_loop3A_295 = arith.index_cast %parallel_loop3A_294 : i32 to index
        %parallel_loop3A_296 = tpu.vector_load %arg8[%parallel_loop3A_295] {strides = array<i32>} : memref<20480xf32, #tpu.memory_space<vmem>>, vector<16xf32>,
        tpu.vector_store %arg8[%parallel_loop3A_295], %parallel_loop3A_150 {strides = array<i32>} : memref<20480xf32, #tpu.memory_space<vmem>>, vector<16xf32>,
        %parallel_loop3A_297 = arith.constant 1024 : i32
        %parallel_loop3A_298 = arith.addi %parallel_loop3A_297, %parallel_loop3A_114 : i32
        %parallel_loop3A_299 = arith.constant 128 : i32
        %parallel_loop3A_300 = arith.addi %parallel_loop3A_298, %parallel_loop3A_299 : i32
        %parallel_loop3A_301 = arith.index_cast %parallel_loop3A_300 : i32 to index
        %parallel_loop3A_302 = tpu.vector_load %arg8[%parallel_loop3A_301] {strides = array<i32>} : memref<20480xf32, #tpu.memory_space<vmem>>, vector<16xf32>,
        tpu.vector_store %arg8[%parallel_loop3A_301], %parallel_loop3A_154 {strides = array<i32>} : memref<20480xf32, #tpu.memory_space<vmem>>, vector<16xf32>,
        %parallel_loop3A_303 = arith.constant 1024 : i32
        %parallel_loop3A_304 = arith.addi %parallel_loop3A_303, %parallel_loop3A_114 : i32
        %parallel_loop3A_305 = arith.constant 256 : i32
        %parallel_loop3A_306 = arith.addi %parallel_loop3A_304, %parallel_loop3A_305 : i32
        %parallel_loop3A_307 = arith.index_cast %parallel_loop3A_306 : i32 to index
        %parallel_loop3A_308 = tpu.vector_load %arg8[%parallel_loop3A_307] {strides = array<i32>} : memref<20480xf32, #tpu.memory_space<vmem>>, vector<16xf32>,
        tpu.vector_store %arg8[%parallel_loop3A_307], %parallel_loop3A_158 {strides = array<i32>} : memref<20480xf32, #tpu.memory_space<vmem>>, vector<16xf32>,
        %parallel_loop3A_309 = arith.constant 1024 : i32
        %parallel_loop3A_310 = arith.addi %parallel_loop3A_309, %parallel_loop3A_114 : i32
        %parallel_loop3A_311 = arith.constant 384 : i32
        %parallel_loop3A_312 = arith.addi %parallel_loop3A_310, %parallel_loop3A_311 : i32
        %parallel_loop3A_313 = arith.index_cast %parallel_loop3A_312 : i32 to index
        %parallel_loop3A_314 = tpu.vector_load %arg8[%parallel_loop3A_313] {strides = array<i32>} : memref<20480xf32, #tpu.memory_space<vmem>>, vector<16xf32>,
        tpu.vector_store %arg8[%parallel_loop3A_313], %parallel_loop3A_162 {strides = array<i32>} : memref<20480xf32, #tpu.memory_space<vmem>>, vector<16xf32>,
        %parallel_loop3A_315 = arith.constant 1024 : i32
        %parallel_loop3A_316 = arith.addi %parallel_loop3A_315, %parallel_loop3A_114 : i32
        %parallel_loop3A_317 = arith.constant 512 : i32
        %parallel_loop3A_318 = arith.addi %parallel_loop3A_316, %parallel_loop3A_317 : i32
        %parallel_loop3A_319 = arith.index_cast %parallel_loop3A_318 : i32 to index
        %parallel_loop3A_320 = tpu.vector_load %arg8[%parallel_loop3A_319] {strides = array<i32>} : memref<20480xf32, #tpu.memory_space<vmem>>, vector<16xf32>,
        tpu.vector_store %arg8[%parallel_loop3A_319], %parallel_loop3A_166 {strides = array<i32>} : memref<20480xf32, #tpu.memory_space<vmem>>, vector<16xf32>,
        %parallel_loop3A_321 = arith.constant 1024 : i32
        %parallel_loop3A_322 = arith.addi %parallel_loop3A_321, %parallel_loop3A_114 : i32
        %parallel_loop3A_323 = arith.constant 640 : i32
        %parallel_loop3A_324 = arith.addi %parallel_loop3A_322, %parallel_loop3A_323 : i32
        %parallel_loop3A_325 = arith.index_cast %parallel_loop3A_324 : i32 to index
        %parallel_loop3A_326 = tpu.vector_load %arg8[%parallel_loop3A_325] {strides = array<i32>} : memref<20480xf32, #tpu.memory_space<vmem>>, vector<16xf32>,
        tpu.vector_store %arg8[%parallel_loop3A_325], %parallel_loop3A_170 {strides = array<i32>} : memref<20480xf32, #tpu.memory_space<vmem>>, vector<16xf32>,
        %parallel_loop3A_327 = arith.constant 1024 : i32
        %parallel_loop3A_328 = arith.addi %parallel_loop3A_327, %parallel_loop3A_114 : i32
        %parallel_loop3A_329 = arith.constant 768 : i32
        %parallel_loop3A_330 = arith.addi %parallel_loop3A_328, %parallel_loop3A_329 : i32
        %parallel_loop3A_331 = arith.index_cast %parallel_loop3A_330 : i32 to index
        %parallel_loop3A_332 = tpu.vector_load %arg8[%parallel_loop3A_331] {strides = array<i32>} : memref<20480xf32, #tpu.memory_space<vmem>>, vector<16xf32>,
        tpu.vector_store %arg8[%parallel_loop3A_331], %parallel_loop3A_174 {strides = array<i32>} : memref<20480xf32, #tpu.memory_space<vmem>>, vector<16xf32>,
        %parallel_loop3A_333 = arith.constant 1024 : i32
        %parallel_loop3A_334 = arith.addi %parallel_loop3A_333, %parallel_loop3A_114 : i32
        %parallel_loop3A_335 = arith.constant 896 : i32
        %parallel_loop3A_336 = arith.addi %parallel_loop3A_334, %parallel_loop3A_335 : i32
        %parallel_loop3A_337 = arith.index_cast %parallel_loop3A_336 : i32 to index
        %parallel_loop3A_338 = tpu.vector_load %arg8[%parallel_loop3A_337] {strides = array<i32>} : memref<20480xf32, #tpu.memory_space<vmem>>, vector<16xf32>,
        tpu.vector_store %arg8[%parallel_loop3A_337], %parallel_loop3A_178 {strides = array<i32>} : memref<20480xf32, #tpu.memory_space<vmem>>, vector<16xf32>,
        %parallel_loop3A_339 = arith.constant 2048 : i32
        %parallel_loop3A_340 = arith.addi %parallel_loop3A_339, %parallel_loop3A_114 : i32
        %parallel_loop3A_341 = arith.constant 0 : i32
        %parallel_loop3A_342 = arith.addi %parallel_loop3A_340, %parallel_loop3A_341 : i32
        %parallel_loop3A_343 = arith.index_cast %parallel_loop3A_342 : i32 to index
        %parallel_loop3A_344 = tpu.vector_load %arg8[%parallel_loop3A_343] {strides = array<i32>} : memref<20480xf32, #tpu.memory_space<vmem>>, vector<16xf32>,
        tpu.vector_store %arg8[%parallel_loop3A_343], %parallel_loop3A_182 {strides = array<i32>} : memref<20480xf32, #tpu.memory_space<vmem>>, vector<16xf32>,
        %parallel_loop3A_345 = arith.constant 2048 : i32
        %parallel_loop3A_346 = arith.addi %parallel_loop3A_345, %parallel_loop3A_114 : i32
        %parallel_loop3A_347 = arith.constant 128 : i32
        %parallel_loop3A_348 = arith.addi %parallel_loop3A_346, %parallel_loop3A_347 : i32
        %parallel_loop3A_349 = arith.index_cast %parallel_loop3A_348 : i32 to index
        %parallel_loop3A_350 = tpu.vector_load %arg8[%parallel_loop3A_349] {strides = array<i32>} : memref<20480xf32, #tpu.memory_space<vmem>>, vector<16xf32>,
        tpu.vector_store %arg8[%parallel_loop3A_349], %parallel_loop3A_186 {strides = array<i32>} : memref<20480xf32, #tpu.memory_space<vmem>>, vector<16xf32>,
        %parallel_loop3A_351 = arith.constant 2048 : i32
        %parallel_loop3A_352 = arith.addi %parallel_loop3A_351, %parallel_loop3A_114 : i32
        %parallel_loop3A_353 = arith.constant 256 : i32
        %parallel_loop3A_354 = arith.addi %parallel_loop3A_352, %parallel_loop3A_353 : i32
        %parallel_loop3A_355 = arith.index_cast %parallel_loop3A_354 : i32 to index
        %parallel_loop3A_356 = tpu.vector_load %arg8[%parallel_loop3A_355] {strides = array<i32>} : memref<20480xf32, #tpu.memory_space<vmem>>, vector<16xf32>,
        tpu.vector_store %arg8[%parallel_loop3A_355], %parallel_loop3A_190 {strides = array<i32>} : memref<20480xf32, #tpu.memory_space<vmem>>, vector<16xf32>,
        %parallel_loop3A_357 = arith.constant 2048 : i32
        %parallel_loop3A_358 = arith.addi %parallel_loop3A_357, %parallel_loop3A_114 : i32
        %parallel_loop3A_359 = arith.constant 384 : i32
        %parallel_loop3A_360 = arith.addi %parallel_loop3A_358, %parallel_loop3A_359 : i32
        %parallel_loop3A_361 = arith.index_cast %parallel_loop3A_360 : i32 to index
        %parallel_loop3A_362 = tpu.vector_load %arg8[%parallel_loop3A_361] {strides = array<i32>} : memref<20480xf32, #tpu.memory_space<vmem>>, vector<16xf32>,
        tpu.vector_store %arg8[%parallel_loop3A_361], %parallel_loop3A_194 {strides = array<i32>} : memref<20480xf32, #tpu.memory_space<vmem>>, vector<16xf32>,
        %parallel_loop3A_363 = arith.constant 2048 : i32
        %parallel_loop3A_364 = arith.addi %parallel_loop3A_363, %parallel_loop3A_114 : i32
        %parallel_loop3A_365 = arith.constant 512 : i32
        %parallel_loop3A_366 = arith.addi %parallel_loop3A_364, %parallel_loop3A_365 : i32
        %parallel_loop3A_367 = arith.index_cast %parallel_loop3A_366 : i32 to index
        %parallel_loop3A_368 = tpu.vector_load %arg8[%parallel_loop3A_367] {strides = array<i32>} : memref<20480xf32, #tpu.memory_space<vmem>>, vector<16xf32>,
        tpu.vector_store %arg8[%parallel_loop3A_367], %parallel_loop3A_198 {strides = array<i32>} : memref<20480xf32, #tpu.memory_space<vmem>>, vector<16xf32>,
        %parallel_loop3A_369 = arith.constant 2048 : i32
        %parallel_loop3A_370 = arith.addi %parallel_loop3A_369, %parallel_loop3A_114 : i32
        %parallel_loop3A_371 = arith.constant 640 : i32
        %parallel_loop3A_372 = arith.addi %parallel_loop3A_370, %parallel_loop3A_371 : i32
        %parallel_loop3A_373 = arith.index_cast %parallel_loop3A_372 : i32 to index
        %parallel_loop3A_374 = tpu.vector_load %arg8[%parallel_loop3A_373] {strides = array<i32>} : memref<20480xf32, #tpu.memory_space<vmem>>, vector<16xf32>,
        tpu.vector_store %arg8[%parallel_loop3A_373], %parallel_loop3A_202 {strides = array<i32>} : memref<20480xf32, #tpu.memory_space<vmem>>, vector<16xf32>,
        %parallel_loop3A_375 = arith.constant 2048 : i32
        %parallel_loop3A_376 = arith.addi %parallel_loop3A_375, %parallel_loop3A_114 : i32
        %parallel_loop3A_377 = arith.constant 768 : i32
        %parallel_loop3A_378 = arith.addi %parallel_loop3A_376, %parallel_loop3A_377 : i32
        %parallel_loop3A_379 = arith.index_cast %parallel_loop3A_378 : i32 to index
        %parallel_loop3A_380 = tpu.vector_load %arg8[%parallel_loop3A_379] {strides = array<i32>} : memref<20480xf32, #tpu.memory_space<vmem>>, vector<16xf32>,
        tpu.vector_store %arg8[%parallel_loop3A_379], %parallel_loop3A_206 {strides = array<i32>} : memref<20480xf32, #tpu.memory_space<vmem>>, vector<16xf32>,
        %parallel_loop3A_381 = arith.constant 2048 : i32
        %parallel_loop3A_382 = arith.addi %parallel_loop3A_381, %parallel_loop3A_114 : i32
        %parallel_loop3A_383 = arith.constant 896 : i32
        %parallel_loop3A_384 = arith.addi %parallel_loop3A_382, %parallel_loop3A_383 : i32
        %parallel_loop3A_385 = arith.index_cast %parallel_loop3A_384 : i32 to index
        %parallel_loop3A_386 = tpu.vector_load %arg8[%parallel_loop3A_385] {strides = array<i32>} : memref<20480xf32, #tpu.memory_space<vmem>>, vector<16xf32>,
        tpu.vector_store %arg8[%parallel_loop3A_385], %parallel_loop3A_210 {strides = array<i32>} : memref<20480xf32, #tpu.memory_space<vmem>>, vector<16xf32>,
        %parallel_loop3A_387 = arith.constant 3072 : i32
        %parallel_loop3A_388 = arith.addi %parallel_loop3A_387, %parallel_loop3A_114 : i32
        %parallel_loop3A_389 = arith.constant 0 : i32
        %parallel_loop3A_390 = arith.addi %parallel_loop3A_388, %parallel_loop3A_389 : i32
        %parallel_loop3A_391 = arith.index_cast %parallel_loop3A_390 : i32 to index
        %parallel_loop3A_392 = tpu.vector_load %arg8[%parallel_loop3A_391] {strides = array<i32>} : memref<20480xf32, #tpu.memory_space<vmem>>, vector<16xf32>,
        tpu.vector_store %arg8[%parallel_loop3A_391], %parallel_loop3A_214 {strides = array<i32>} : memref<20480xf32, #tpu.memory_space<vmem>>, vector<16xf32>,
        %parallel_loop3A_393 = arith.constant 3072 : i32
        %parallel_loop3A_394 = arith.addi %parallel_loop3A_393, %parallel_loop3A_114 : i32
        %parallel_loop3A_395 = arith.constant 128 : i32
        %parallel_loop3A_396 = arith.addi %parallel_loop3A_394, %parallel_loop3A_395 : i32
        %parallel_loop3A_397 = arith.index_cast %parallel_loop3A_396 : i32 to index
        %parallel_loop3A_398 = tpu.vector_load %arg8[%parallel_loop3A_397] {strides = array<i32>} : memref<20480xf32, #tpu.memory_space<vmem>>, vector<16xf32>,
        tpu.vector_store %arg8[%parallel_loop3A_397], %parallel_loop3A_218 {strides = array<i32>} : memref<20480xf32, #tpu.memory_space<vmem>>, vector<16xf32>,
        %parallel_loop3A_399 = arith.constant 3072 : i32
        %parallel_loop3A_400 = arith.addi %parallel_loop3A_399, %parallel_loop3A_114 : i32
        %parallel_loop3A_401 = arith.constant 256 : i32
        %parallel_loop3A_402 = arith.addi %parallel_loop3A_400, %parallel_loop3A_401 : i32
        %parallel_loop3A_403 = arith.index_cast %parallel_loop3A_402 : i32 to index
        %parallel_loop3A_404 = tpu.vector_load %arg8[%parallel_loop3A_403] {strides = array<i32>} : memref<20480xf32, #tpu.memory_space<vmem>>, vector<16xf32>,
        tpu.vector_store %arg8[%parallel_loop3A_403], %parallel_loop3A_222 {strides = array<i32>} : memref<20480xf32, #tpu.memory_space<vmem>>, vector<16xf32>,
        %parallel_loop3A_405 = arith.constant 3072 : i32
        %parallel_loop3A_406 = arith.addi %parallel_loop3A_405, %parallel_loop3A_114 : i32
        %parallel_loop3A_407 = arith.constant 384 : i32
        %parallel_loop3A_408 = arith.addi %parallel_loop3A_406, %parallel_loop3A_407 : i32
        %parallel_loop3A_409 = arith.index_cast %parallel_loop3A_408 : i32 to index
        %parallel_loop3A_410 = tpu.vector_load %arg8[%parallel_loop3A_409] {strides = array<i32>} : memref<20480xf32, #tpu.memory_space<vmem>>, vector<16xf32>,
        tpu.vector_store %arg8[%parallel_loop3A_409], %parallel_loop3A_226 {strides = array<i32>} : memref<20480xf32, #tpu.memory_space<vmem>>, vector<16xf32>,
        %parallel_loop3A_411 = arith.constant 3072 : i32
        %parallel_loop3A_412 = arith.addi %parallel_loop3A_411, %parallel_loop3A_114 : i32
        %parallel_loop3A_413 = arith.constant 512 : i32
        %parallel_loop3A_414 = arith.addi %parallel_loop3A_412, %parallel_loop3A_413 : i32
        %parallel_loop3A_415 = arith.index_cast %parallel_loop3A_414 : i32 to index
        %parallel_loop3A_416 = tpu.vector_load %arg8[%parallel_loop3A_415] {strides = array<i32>} : memref<20480xf32, #tpu.memory_space<vmem>>, vector<16xf32>,
        tpu.vector_store %arg8[%parallel_loop3A_415], %parallel_loop3A_230 {strides = array<i32>} : memref<20480xf32, #tpu.memory_space<vmem>>, vector<16xf32>,
        %parallel_loop3A_417 = arith.constant 3072 : i32
        %parallel_loop3A_418 = arith.addi %parallel_loop3A_417, %parallel_loop3A_114 : i32
        %parallel_loop3A_419 = arith.constant 640 : i32
        %parallel_loop3A_420 = arith.addi %parallel_loop3A_418, %parallel_loop3A_419 : i32
        %parallel_loop3A_421 = arith.index_cast %parallel_loop3A_420 : i32 to index
        %parallel_loop3A_422 = tpu.vector_load %arg8[%parallel_loop3A_421] {strides = array<i32>} : memref<20480xf32, #tpu.memory_space<vmem>>, vector<16xf32>,
        tpu.vector_store %arg8[%parallel_loop3A_421], %parallel_loop3A_234 {strides = array<i32>} : memref<20480xf32, #tpu.memory_space<vmem>>, vector<16xf32>,
        %parallel_loop3A_423 = arith.constant 3072 : i32
        %parallel_loop3A_424 = arith.addi %parallel_loop3A_423, %parallel_loop3A_114 : i32
        %parallel_loop3A_425 = arith.constant 768 : i32
        %parallel_loop3A_426 = arith.addi %parallel_loop3A_424, %parallel_loop3A_425 : i32
        %parallel_loop3A_427 = arith.index_cast %parallel_loop3A_426 : i32 to index
        %parallel_loop3A_428 = tpu.vector_load %arg8[%parallel_loop3A_427] {strides = array<i32>} : memref<20480xf32, #tpu.memory_space<vmem>>, vector<16xf32>,
        tpu.vector_store %arg8[%parallel_loop3A_427], %parallel_loop3A_238 {strides = array<i32>} : memref<20480xf32, #tpu.memory_space<vmem>>, vector<16xf32>,
        %parallel_loop3A_429 = arith.constant 3072 : i32
        %parallel_loop3A_430 = arith.addi %parallel_loop3A_429, %parallel_loop3A_114 : i32
        %parallel_loop3A_431 = arith.constant 896 : i32
        %parallel_loop3A_432 = arith.addi %parallel_loop3A_430, %parallel_loop3A_431 : i32
        %parallel_loop3A_433 = arith.index_cast %parallel_loop3A_432 : i32 to index
        %parallel_loop3A_434 = tpu.vector_load %arg8[%parallel_loop3A_433] {strides = array<i32>} : memref<20480xf32, #tpu.memory_space<vmem>>, vector<16xf32>,
        tpu.vector_store %arg8[%parallel_loop3A_433], %parallel_loop3A_242 {strides = array<i32>} : memref<20480xf32, #tpu.memory_space<vmem>>, vector<16xf32>,
      } {sc.loop_unroll_factor = 1 : i64, sc.parallel_access}
      %add3A_84 = arith.constant 0 : i32
      %add3A_85 = arith.addi %add3A_84, %add3A_79 : i32
      %mul3A_86 = arith.constant 1024 : i32
      %mul3A_87 = arith.muli %add3A_85, %mul3A_86 : i32
      "tpu.region"() ({
        %run_scoped3A = tpu.sem_alloc : memref<!tpu.dma_semaphore, #tpu.memory_space<semaphore_mem>>
        %dma_start3A_100 = arith.constant 0 : i32
        %dma_start3A_101 = tpu.memref_slice %arg8[%dma_start3A_100] : memref<20480xf32, #tpu.memory_space<vmem>> -> memref<1024xf32, #tpu.memory_space<vmem>>
        %dma_start3A_102 = tpu.memref_slice %arg4[%mul3A_87] : memref<51200000xf32, #tpu.memory_space<hbm>> -> memref<1024xf32, #tpu.memory_space<hbm>>
        %dma_start3A_103 = tpu.memref_slice %arg4[%mul3A_87] : memref<51200000xf32, #tpu.memory_space<hbm>> -> memref<1024xf32, #tpu.memory_space<hbm>>
        %dma_start3A_104 = arith.constant 0 : i32
        %dma_start3A_105 = tpu.memref_slice %arg8[%dma_start3A_104] : memref<20480xf32, #tpu.memory_space<vmem>> -> memref<1024xf32, #tpu.memory_space<vmem>>
        tpu.enqueue_dma source(%dma_start3A_105 : memref<1024xf32, #tpu.memory_space<vmem>>) target(%dma_start3A_103 : memref<1024xf32, #tpu.memory_space<hbm>>) target_semaphore(%run_scoped3A : memref<!tpu.dma_semaphore, #tpu.memory_space<semaphore_mem>>)
        %dma_wait3A_106 = arith.constant 0 : i32
        %dma_wait3A_107 = tpu.memref_slice %arg8[%dma_wait3A_106] : memref<20480xf32, #tpu.memory_space<vmem>> -> memref<1024xf32, #tpu.memory_space<vmem>>
        %dma_wait3A_108 = tpu.memref_slice %arg4[%mul3A_87] : memref<51200000xf32, #tpu.memory_space<hbm>> -> memref<1024xf32, #tpu.memory_space<hbm>>
        %dma_wait3A_109 = tpu.memref_slice %arg4[%mul3A_87] : memref<51200000xf32, #tpu.memory_space<hbm>> -> memref<1024xf32, #tpu.memory_space<hbm>>
        %dma_wait3A_110 = arith.constant 0 : i32
        %dma_wait3A_111 = tpu.memref_slice %arg8[%dma_wait3A_110] : memref<20480xf32, #tpu.memory_space<vmem>> -> memref<1024xf32, #tpu.memory_space<vmem>>
        tpu.wait_dma2 semaphore(%run_scoped3A : memref<!tpu.dma_semaphore, #tpu.memory_space<semaphore_mem>>) src(%dma_wait3A_111 : memref<1024xf32, #tpu.memory_space<vmem>>) dst(%dma_wait3A_109 : memref<1024xf32, #tpu.memory_space<hbm>>)
        tpu.yield
      }) : () -> ()
      %add3A_88 = arith.constant 12500 : i32
      %add3A_89 = arith.addi %add3A_88, %add3A_79 : i32
      %mul3A_90 = arith.constant 1024 : i32
      %mul3A_91 = arith.muli %add3A_89, %mul3A_90 : i32
      "tpu.region"() ({
        %run_scoped3A = tpu.sem_alloc : memref<!tpu.dma_semaphore, #tpu.memory_space<semaphore_mem>>
        %dma_start3A_100 = arith.constant 1024 : i32
        %dma_start3A_101 = tpu.memref_slice %arg8[%dma_start3A_100] : memref<20480xf32, #tpu.memory_space<vmem>> -> memref<1024xf32, #tpu.memory_space<vmem>>
        %dma_start3A_102 = tpu.memref_slice %arg4[%mul3A_91] : memref<51200000xf32, #tpu.memory_space<hbm>> -> memref<1024xf32, #tpu.memory_space<hbm>>
        %dma_start3A_103 = tpu.memref_slice %arg4[%mul3A_91] : memref<51200000xf32, #tpu.memory_space<hbm>> -> memref<1024xf32, #tpu.memory_space<hbm>>
        %dma_start3A_104 = arith.constant 1024 : i32
        %dma_start3A_105 = tpu.memref_slice %arg8[%dma_start3A_104] : memref<20480xf32, #tpu.memory_space<vmem>> -> memref<1024xf32, #tpu.memory_space<vmem>>
        tpu.enqueue_dma source(%dma_start3A_105 : memref<1024xf32, #tpu.memory_space<vmem>>) target(%dma_start3A_103 : memref<1024xf32, #tpu.memory_space<hbm>>) target_semaphore(%run_scoped3A : memref<!tpu.dma_semaphore, #tpu.memory_space<semaphore_mem>>)
        %dma_wait3A_106 = arith.constant 1024 : i32
        %dma_wait3A_107 = tpu.memref_slice %arg8[%dma_wait3A_106] : memref<20480xf32, #tpu.memory_space<vmem>> -> memref<1024xf32, #tpu.memory_space<vmem>>
        %dma_wait3A_108 = tpu.memref_slice %arg4[%mul3A_91] : memref<51200000xf32, #tpu.memory_space<hbm>> -> memref<1024xf32, #tpu.memory_space<hbm>>
        %dma_wait3A_109 = tpu.memref_slice %arg4[%mul3A_91] : memref<51200000xf32, #tpu.memory_space<hbm>> -> memref<1024xf32, #tpu.memory_space<hbm>>
        %dma_wait3A_110 = arith.constant 1024 : i32
        %dma_wait3A_111 = tpu.memref_slice %arg8[%dma_wait3A_110] : memref<20480xf32, #tpu.memory_space<vmem>> -> memref<1024xf32, #tpu.memory_space<vmem>>
        tpu.wait_dma2 semaphore(%run_scoped3A : memref<!tpu.dma_semaphore, #tpu.memory_space<semaphore_mem>>) src(%dma_wait3A_111 : memref<1024xf32, #tpu.memory_space<vmem>>) dst(%dma_wait3A_109 : memref<1024xf32, #tpu.memory_space<hbm>>)
        tpu.yield
      }) : () -> ()
      %add3A_92 = arith.constant 25000 : i32
      %add3A_93 = arith.addi %add3A_92, %add3A_79 : i32
      %mul3A_94 = arith.constant 1024 : i32
      %mul3A_95 = arith.muli %add3A_93, %mul3A_94 : i32
      "tpu.region"() ({
        %run_scoped3A = tpu.sem_alloc : memref<!tpu.dma_semaphore, #tpu.memory_space<semaphore_mem>>
        %dma_start3A_100 = arith.constant 2048 : i32
        %dma_start3A_101 = tpu.memref_slice %arg8[%dma_start3A_100] : memref<20480xf32, #tpu.memory_space<vmem>> -> memref<1024xf32, #tpu.memory_space<vmem>>
        %dma_start3A_102 = tpu.memref_slice %arg4[%mul3A_95] : memref<51200000xf32, #tpu.memory_space<hbm>> -> memref<1024xf32, #tpu.memory_space<hbm>>
        %dma_start3A_103 = tpu.memref_slice %arg4[%mul3A_95] : memref<51200000xf32, #tpu.memory_space<hbm>> -> memref<1024xf32, #tpu.memory_space<hbm>>
        %dma_start3A_104 = arith.constant 2048 : i32
        %dma_start3A_105 = tpu.memref_slice %arg8[%dma_start3A_104] : memref<20480xf32, #tpu.memory_space<vmem>> -> memref<1024xf32, #tpu.memory_space<vmem>>
        tpu.enqueue_dma source(%dma_start3A_105 : memref<1024xf32, #tpu.memory_space<vmem>>) target(%dma_start3A_103 : memref<1024xf32, #tpu.memory_space<hbm>>) target_semaphore(%run_scoped3A : memref<!tpu.dma_semaphore, #tpu.memory_space<semaphore_mem>>)
        %dma_wait3A_106 = arith.constant 2048 : i32
        %dma_wait3A_107 = tpu.memref_slice %arg8[%dma_wait3A_106] : memref<20480xf32, #tpu.memory_space<vmem>> -> memref<1024xf32, #tpu.memory_space<vmem>>
        %dma_wait3A_108 = tpu.memref_slice %arg4[%mul3A_95] : memref<51200000xf32, #tpu.memory_space<hbm>> -> memref<1024xf32, #tpu.memory_space<hbm>>
        %dma_wait3A_109 = tpu.memref_slice %arg4[%mul3A_95] : memref<51200000xf32, #tpu.memory_space<hbm>> -> memref<1024xf32, #tpu.memory_space<hbm>>
        %dma_wait3A_110 = arith.constant 2048 : i32
        %dma_wait3A_111 = tpu.memref_slice %arg8[%dma_wait3A_110] : memref<20480xf32, #tpu.memory_space<vmem>> -> memref<1024xf32, #tpu.memory_space<vmem>>
        tpu.wait_dma2 semaphore(%run_scoped3A : memref<!tpu.dma_semaphore, #tpu.memory_space<semaphore_mem>>) src(%dma_wait3A_111 : memref<1024xf32, #tpu.memory_space<vmem>>) dst(%dma_wait3A_109 : memref<1024xf32, #tpu.memory_space<hbm>>)
        tpu.yield
      }) : () -> ()
      %add3A_96 = arith.constant 37500 : i32
      %add3A_97 = arith.addi %add3A_96, %add3A_79 : i32
      %mul3A_98 = arith.constant 1024 : i32
      %mul3A_99 = arith.muli %add3A_97, %mul3A_98 : i32
      "tpu.region"() ({
        %run_scoped3A = tpu.sem_alloc : memref<!tpu.dma_semaphore, #tpu.memory_space<semaphore_mem>>
        %dma_start3A_100 = arith.constant 3072 : i32
        %dma_start3A_101 = tpu.memref_slice %arg8[%dma_start3A_100] : memref<20480xf32, #tpu.memory_space<vmem>> -> memref<1024xf32, #tpu.memory_space<vmem>>
        %dma_start3A_102 = tpu.memref_slice %arg4[%mul3A_99] : memref<51200000xf32, #tpu.memory_space<hbm>> -> memref<1024xf32, #tpu.memory_space<hbm>>
        %dma_start3A_103 = tpu.memref_slice %arg4[%mul3A_99] : memref<51200000xf32, #tpu.memory_space<hbm>> -> memref<1024xf32, #tpu.memory_space<hbm>>
        %dma_start3A_104 = arith.constant 3072 : i32
        %dma_start3A_105 = tpu.memref_slice %arg8[%dma_start3A_104] : memref<20480xf32, #tpu.memory_space<vmem>> -> memref<1024xf32, #tpu.memory_space<vmem>>
        tpu.enqueue_dma source(%dma_start3A_105 : memref<1024xf32, #tpu.memory_space<vmem>>) target(%dma_start3A_103 : memref<1024xf32, #tpu.memory_space<hbm>>) target_semaphore(%run_scoped3A : memref<!tpu.dma_semaphore, #tpu.memory_space<semaphore_mem>>)
        %dma_wait3A_106 = arith.constant 3072 : i32
        %dma_wait3A_107 = tpu.memref_slice %arg8[%dma_wait3A_106] : memref<20480xf32, #tpu.memory_space<vmem>> -> memref<1024xf32, #tpu.memory_space<vmem>>
        %dma_wait3A_108 = tpu.memref_slice %arg4[%mul3A_99] : memref<51200000xf32, #tpu.memory_space<hbm>> -> memref<1024xf32, #tpu.memory_space<hbm>>
        %dma_wait3A_109 = tpu.memref_slice %arg4[%mul3A_99] : memref<51200000xf32, #tpu.memory_space<hbm>> -> memref<1024xf32, #tpu.memory_space<hbm>>
        %dma_wait3A_110 = arith.constant 3072 : i32
        %dma_wait3A_111 = tpu.memref_slice %arg8[%dma_wait3A_110] : memref<20480xf32, #tpu.memory_space<vmem>> -> memref<1024xf32, #tpu.memory_space<vmem>>
        tpu.wait_dma2 semaphore(%run_scoped3A : memref<!tpu.dma_semaphore, #tpu.memory_space<semaphore_mem>>) src(%dma_wait3A_111 : memref<1024xf32, #tpu.memory_space<vmem>>) dst(%dma_wait3A_109 : memref<1024xf32, #tpu.memory_space<hbm>>)
        tpu.yield
      }) : () -> ()
    } else {
    }
    return
  }
}

</mosaic_0001>

<sc_bundles>
// kernel: kernel.3.cloned.1.call-start
scs
__scs_entry_jumppad:
0x0: {  	(pc) =	sbr.rel $0x88, $3  }
0x1: {  	(tag) =	ssettag $0x0;
	lr =	simm.s32 $0x1  }
0x2: {  	[smem:$0x3F9D] =	sst lr;
	_ =	strace $0xD0000000  }
0x3: {  	_ = 	snop  }
0x4: {  	_ = 	snop  }
0x5: {  	_ = 	snop  }
0x6: {  	_ = 	snop  }
0x7: {  	_ = 	snop  }
__scs_overlays_trampoline_lowered:
0x8: {  	[smem:$0x3FAC] =	sst s0  }
0x9: {  	[smem:$0x3FAD] =	sst s1  }
0xa: {  	[smem:$0x3FAE] =	sst s2  }
0xb: {  	[smem:$0x3FAF] =	sst s3  }
0xc: {  	[smem:$0x3FB0] =	sst s4  }
0xd: {  	[smem:$0x3FB1] =	sst s5  }
0xe: {  	[smem:$0x3FB2] =	sst s6  }
0xf: {  	[smem:$0x3FB3] =	sst s7  }
0x10: {  	[smem:$0x3FB4] =	sst s8  }
0x11: {  	[smem:$0x3FB5] =	sst s9;
	s0 =	simm.s32 @!p0 $0x0  }
0x12: {  	s1 =	sld [smem:$0x3F9B];
	s0 =	simm.s32 @p0 $0x1  }
0x13: {  	[smem:$0x3FB6] =	sst s0;
	s0 =	simm.s32 @!p1 $0x0  }
0x14: {  	s2 =	sld [smem:$0x3F9A];
	s0 =	simm.s32 @p1 $0x1  }
0x15: {  	[smem:$0x3FB7] =	sst s0;
	s0 =	simm.s32 @!p2 $0x0  }
0x16: {  	s3 =	sld [smem:$0x3FDB];
	s0 =	simm.s32 @p2 $0x1  }
0x17: {  	s4 =	simm.s32 $0x1BF5;
	[smem:$0x3FB9] =	sst s0  }
0x18: {  	s0 =	sld [smem:$0x3F9C];
	_ =	swait.ge [sflag:s4], $0x0  }
0x19: {  	s7 =	sld [smem:$0x3F9D]  }
0x1a: {  	s8 =	sadd.s32 $0xFFFFE003, lr  }
0x1b: {  	s9 =	sadd.s32 $0xFFFFFEF7, lr;
	s5 =	simm.s32 $0xFFFFFFFF;
	p2 =	slt.u32 s8, $0xFFFFF086  }
0x1c: {  	p1 =	slt.u32 s9, $0xF7A;
	s5 =	simm.s32 @!p2 $0x0  }
0x1d: {  	s5 =	simm.s32 @p1 $0x1;
	p0 =	seq.s32 s7, s2  }
0x1e: {  	s7 =	smul.u32 @!p0 $0xF7A, s2;
	p2 =	seq.s32 @!p0 s5, $0x0  }
0x1f: {  	s9 =	smul.u32 $0xF7A, s1;
	s8 =	simm.s32 @!p0 $0x1BF5;
	p2 =	por !p2, p0  }
0x20: {  	[sflag:s8] =	ssyncset.s32 @!p0 $0xFFFFF086;
	s6 =	sadd.s32 @!p0 s3, s7;
	s7 =	simm.s32 @!p0 $0x108  }
0x21: {  	s3 =	sadd.s32 s3, s9;
	s6 =	sadd.s32 @!p0 $0x88, s6;
	s7 =	simm.s32 @p2 $0x1082  }
0x22: {  	[simem:s7], [sflag:s8] =	dma.local @!p0 [hbm:s6], $0xF7A  }
0x23: {  	s9 =	sor.u32 $0xD0000000, s2;
	s6 =	simm.s32 $0x108;
	_ =	swait.ge @!p0 [sflag:s8], $0x0  }
0x24: {  	s3 =	sadd.s32 $0x88, s3;
	s6 =	simm.s32 @!p1 $0x1082;
	[sflag:s4] =	ssyncset.s32 $0xFFFFF086  }
0x25: {  	[simem:s6], [sflag:s4] =	dma.local [hbm:s3], $0xF7A  }
0x26: {  	[smem:$0x3F9D] =	sst s1;
	(tag) =	ssettag s2;
	_ =	strace s9  }
0x27: {  	s1 =	sld [smem:$0x3FAD]  }
0x28: {  	s2 =	sld [smem:$0x3FAE]  }
0x29: {  	s4 =	sld [smem:$0x3FB0]  }
0x2a: {  	p0 =	seq.s32 s5, $0x0;
	s5 =	sld [smem:$0x3FB1]  }
0x2b: {  	s6 =	sld [smem:$0x3FB2]  }
0x2c: {  	s7 =	sld [smem:$0x3FB3]  }
0x2d: {  	s3 =	simm.s32 $0x108;
	s8 =	sld [smem:$0x3FB4]  }
0x2e: {  	s3 =	simm.s32 @!p0 $0x1082;
	s9 =	sld [smem:$0x3FB5]  }
0x2f: {  	lr =	sadd.s32 s0, s3;
	s0 =	sld [smem:$0x3FAC]  }
0x30: {  	s3 =	sld [smem:$0x3FAF]  }
0x31: {  	[smem:$0x3FB8] =	sst s10  }
0x32: {  	s10 =	sld [smem:$0x3FB6];
	_ =	sdelay $0x3  }
0x33: {  	p0 =	seq.s32 s10, $0x1;
	s10 =	sld [smem:$0x3FB8];
	_ =	sdelay $0x3  }
0x34: {  	[smem:$0x3FB8] =	sst s10  }
0x35: {  	s10 =	sld [smem:$0x3FB7];
	_ =	sdelay $0x3  }
0x36: {  	p1 =	seq.s32 s10, $0x1;
	s10 =	sld [smem:$0x3FB8];
	_ =	sdelay $0x3  }
0x37: {  	[smem:$0x3FB8] =	sst s10  }
0x38: {  	s10 =	sld [smem:$0x3FB9]  }
0x39: {  	_ = 	snop;
	(pc) =	sbr.ind lr, $3  }
0x3a: {  	_ = 	snop  }
0x3b: {  	_ = 	snop  }
0x3c: {  	p2 =	seq.s32 s10, $0x1;
	s10 =	sld [smem:$0x3FB8]  }
0x3d: {  	_ =	shalt  }
0x3e: {  	_ =	shalt  }
0x3f: {  	_ =	shalt  }
0x40: {  	_ =	shalt  }
0x41: {  	_ =	shalt  }
0x42: {  	_ =	shalt  }
0x43: {  	_ =	shalt  }
0x44: {  	_ =	shalt  }
0x45: {  	_ =	shalt  }
0x46: {  	_ =	shalt  }
0x47: {  	_ =	shalt  }
0x48: {  	_ =	shalt  }
0x49: {  	_ =	shalt  }
0x4a: {  	_ =	shalt  }
0x4b: {  	_ =	shalt  }
0x4c: {  	_ =	shalt  }
0x4d: {  	_ =	shalt  }
0x4e: {  	_ =	shalt  }
0x4f: {  	_ =	shalt  }
0x50: {  	_ =	shalt  }
0x51: {  	_ =	shalt  }
0x52: {  	_ =	shalt  }
0x53: {  	_ =	shalt  }
0x54: {  	_ =	shalt  }
0x55: {  	_ =	shalt  }
0x56: {  	_ =	shalt  }
0x57: {  	_ =	shalt  }
0x58: {  	_ =	shalt  }
0x59: {  	_ =	shalt  }
0x5a: {  	_ =	shalt  }
0x5b: {  	_ =	shalt  }
0x5c: {  	_ =	shalt  }
0x5d: {  	_ =	shalt  }
0x5e: {  	_ =	shalt  }
0x5f: {  	_ =	shalt  }
0x60: {  	_ =	shalt  }
0x61: {  	_ =	shalt  }
0x62: {  	_ =	shalt  }
0x63: {  	_ =	shalt  }
0x64: {  	_ =	shalt  }
0x65: {  	_ =	shalt  }
0x66: {  	_ =	shalt  }
0x67: {  	_ =	shalt  }
0x68: {  	_ =	shalt  }
0x69: {  	_ =	shalt  }
0x6a: {  	_ =	shalt  }
0x6b: {  	_ =	shalt  }
0x6c: {  	_ =	shalt  }
0x6d: {  	_ =	shalt  }
0x6e: {  	_ =	shalt  }
0x6f: {  	_ =	shalt  }
0x70: {  	_ =	shalt  }
0x71: {  	_ =	shalt  }
0x72: {  	_ =	shalt  }
0x73: {  	_ =	shalt  }
0x74: {  	_ =	shalt  }
0x75: {  	_ =	shalt  }
0x76: {  	_ =	shalt  }
0x77: {  	_ =	shalt  }
0x78: {  	_ =	shalt  }
0x79: {  	_ =	shalt  }
0x7a: {  	_ =	shalt  }
0x7b: {  	_ =	shalt  }
0x7c: {  	_ =	shalt  }
0x7d: {  	_ =	shalt  }
0x7e: {  	_ =	shalt  }
0x7f: {  	_ =	shalt  }
0x80: {  	_ =	shalt  }
0x81: {  	_ =	shalt  }
0x82: {  	_ =	shalt  }
0x83: {  	_ =	shalt  }
0x84: {  	_ =	shalt  }
0x85: {  	_ =	shalt  }
0x86: {  	_ =	shalt  }
0x87: {  	_ =	shalt  }
.Lfunc_end0:
.L_simem_size_0:
called_computation_lowered:
.L_overlay_start_0:
0x88: {  	s2 =	sld [smem:$0x3FD9]  }
0x89: {  	s3 =	sld [smem:$0x3FFE];
	_ =	sdelay $0x1  }
0x8a: {  	s1 =	srdreg.scid  }
0x8b: {  	s0 =	sand.u32 $0x1, s1  }
0x8c: {  	s17 =	sshll.u32 s0, $0xA;
	s2 =	sadd.s32 s3, s2  }
0x8d: {  	s2 =	sadd.s32 s2, s17  }
0x8e: {  	[smem:$0x3FC4] =	sst s2  }
0x8f: {  	_ = 	snop  }
0x90: {  	s2 =	sld [smem:$0x3FD0];
	(tm) =	ssettm $0x1  }
0x91: {  	s18 =	sld [smem:$0x3FFB];
	_ =	sdelay $0x3  }
0x92: {  	_ =	strace s18  }
0x93: {  	s3 =	sld [smem:$0x3FFC];
	_ =	sdelay $0x3  }
0x94: {  	_ =	strace s3  }
0x95: {  	s3 =	sld [smem:$0x3FFD];
	_ =	sdelay $0x3  }
0x96: {  	_ =	strace s3  }
0x97: {  	_ =	strace $0x8FFFFFFF  }
0x98: {  	s19 =	sld [smem:$0x3FDB];
	_ =	sdelay $0x1  }
0x99: {  	s4 =	simm.s32 $_scs_section_size  }
0x9a: {  	s5 =	simm.s32 $_size__tile_overlayer_lowered;
	s6 =	simm.s32 $_tile_overlayer_lowered  }
0x9b: {  	s22 =	simm.s32 $0x1BFF;
	s21 =	sshll.u32 s6, $0x1;
	s3 =	sadd.s32 s4, s19  }
0x9c: {  	s7 =	simm.s32 $0x0;
	s20 =	sshll.u32 s5, $0x1;
	s5 =	sadd.s32 s21, s3  }
0x9d: {  	[timem:s7], [sflag:s22] =	dma.local [hbm:s5], s20  }
0x9e: {  	_ =	swait.ge [sflag:s22], s20  }
0x9f: {  	s4 =	ssub.s32 $0x0, s20;
	[sflag:s22] =	ssyncset.done $0x0  }
0xa0: {  	[sflag:s22] =	ssyncadd.s32 s4;
	_ =	sdelay $0x1  }
0xa1: {  	s23 =	simm.s32 $0x1B8B  }
0xa2: {  	_ =	swait.ge [sflag:s23], $0x1  }
0xa3: {  	[sflag:s23] =	ssyncset.done $0x0  }
0xa4: {  	s25 =	simm.s32 $0x1B8E;
	s24 =	sld [smem:$0x3FFE];
	[sflag:s23] =	ssyncadd.s32 $0xFFFFFFFF  }
0xa5: {  	s26 =	simm.s32 $execute0_lowered;
	[smem:$0x3FD2] =	sst s25  }
0xa6: {  	s5 =	sshll.u32 s26, $0x1;
	_ =	strace $0x80000046;
	[dreg:$0x1] =	wrdreg $0xFFFFFFFF  }
0xa7: {  	s28 =	simm.s32 $_size_execute0_lowered;
	s3 =	sadd.s32 s3, s5;
	[dreg:$0x0] =	wrdreg $0x0  }
0xa8: {  	s5 =	sshll.u32 s28, $0x1;
	[dreg:$0x2] =	wrdreg s3  }
0xa9: {  	[dreg:$0x3] =	wrdreg s5  }
0xaa: {  	[dreg:$0x4] =	wrdreg $0xC0  }
0xab: {  	_ =	task [dreg:s7], $0x5FFFF  }
0xac: {  	[dreg:$0x1] =	wrdreg $0xFFFFFFFF  }
0xad: {  	[dreg:$0x0] =	wrdreg $0x60  }
0xae: {  	[dreg:$0x2] =	wrdreg s24  }
0xaf: {  	[dreg:$0x3] =	wrdreg s2  }
0xb0: {  	[dreg:$0x4] =	wrdreg $0x9  }
0xb1: {  	_ =	task.clear_ibuf [dreg:s7], $0x5FFFF;
	_ =	strace $0x90000046  }
0xb2: {  	s29 =	simm.s32 $0x9;
	_ =	strace $0x80000048  }
0xb3: {  	_ =	swait.ge [sflag:s29], $0x1  }
0xb4: {  	[sflag:s29] =	ssyncadd.s32 $0xFFFFFFFF  }
0xb5: {  	_ =	strace $0x90000048  }
0xb6: {  	_ =	sfence  }
0xb7: {  	s30 =	sld [smem:$0x0];
	_ =	sdelay $0x2  }
0xb8: {  	s31 =	sshll.u32 s1, $0xD;
	s1 =	sshrl.u32 s1, $0x2  }
0xb9: {  	s3 =	sand.u32 $0x4000, s31;
	s1 =	sadd.s32 s1, s30  }
0xba: {  	s0 =	sor.u32 s3, s0;
	s1 =	sshll.u32 s1, $0x11  }
0xbb: {  	s0 =	sor.u32 s1, s0  }
0xbc: {  	s0 =	sadd.s32 $0x8F2B, s0  }
0xbd: {  	[sflag:s0] =	ssyncadd.remote.s32 $0x1  }
0xbe: {  	_ =	sfence.sel $0xFFFF  }
0xbf: {  	[dreg:$0x0] =	wrdreg $0xFFFFFFFF;
	(pc) =	sbr.abs _section_cstart, $3  }
0xc0: {  	[dreg:$0x1] =	wrdreg $0xFFFFFFFF  }
0xc1: {  	_ =	task.clear_ibuf [dreg:s7], $0x2FFFF;
	_ =	strace $0x9FFFFFFF  }
0xc2: {  	(tm) =	ssettm $0x7FFFFFFF  }
0xc3: {  	_ =	shalt  }
tec
execute0_lowered:
.L_overlay_start_1:
0x0: {  	(tag) =	ssettag $0x1  }
0x1: {  	s5 =	rddreg [dreg:$0x0];
	s0 =	srdreg.scid  }
0x2: {  	s13 =	stileid.u32;
	s3 =	rddreg [dreg:$0x1]  }
0x3: {  	s4 =	simm.s32 $0x0;
	s16 =	simm.s32 $0x5;
	s20 =	simm.s32 $0x7C0  }
0x4: {  	s21 =	simm.s32 $0xA40;
	s22 =	simm.s32 $0x1;
	s28 =	simm.s32 $0x2  }
0x5: {  	s29 =	simm.s32 $0x4;
	s30 =	simm.s32 $0x5CC0;
	s31 =	simm.s32 $0x70C0  }
0x6: {  	s0 =	sand.u32 $0x1, s0;
	[smem:$0x7FF] =	sst s4;
	s5 =	sadd.s32 $0x200, s5  }
0x7: {  	s1 =	sshll.u32 s13, $0x1;
	s9 =	sadd.s32 $0x186A00, s3;
	s10 =	sadd.s32 $0x30D400, s3  }
0x8: {  	s11 =	sadd.s32 $0x493E00, s3;
	p0 =	sgt.u32 s13, $0x9;
	s1 =	sor.u32 s0, s1  }
0x9: {  	s13 =	simm.s32 $0x0;
	s0 =	ssub.s32 $0x2, s0;
	s2 =	smul.u32 $0x1860, s1  }
0xa: {  	_ =	strace $0x80000047;
	s7 =	sshrl.u32 s0, $0x1;
	s6 =	smul.u32 $0x186, s1  }
0xb: {  	s23 =	sor.u32 $0x30C0, s1;
	s1 =	sshll.u32 s1, $0x7;
	s0 =	ssub.s32 s0, s7  }
0xc: {  	s24 =	sshll.u32 s23, $0x4;
	s1 =	sadd.s32 s3, s1;
	s2 =	sadd.s32 s5, s2  }
0xd: {  	s8 =	sadd.s32 $0x5, s6;
	s7 =	sadd.s32 s5, s24;
	[dreg:$0x3] =	wrdreg s2  }
0xe: {  	s12 =	sadd.s32 $0xA, s6;
	s25 =	sadd.s32 $0x30CA00, s1;
	[dreg:$0x4] =	wrdreg s7  }
0xf: {  	s26 =	sadd.s32 $0x493400, s1;
	s1 =	sadd.s32 $0x619E00, s1;
	[dreg:$0x5] =	wrdreg s25  }
.Ltmp0:
0x10: {  	s0 =	smax.u32 s0, $0x1;
	[dreg:$0x7] =	wrdreg s26;
	(pc) =	sbr.rel .LBB2_1-.Ltmp0, $4  }
0x11: {  	s24 =	simm.s32 $0x20C0;
	s2 =	sshll.u32 s23, $0x7;
	[dreg:$0x8] =	wrdreg s1  }
0x12: {  	[dreg:$0x9] =	wrdreg s0;
	s23 =	simm.s32 $0xCC0;
	s25 =	simm.s32 $0x34C0  }
0x13: {  	s26 =	simm.s32 $0x48C0;
	s1 =	simm.s32 $0x84C0;
	s2 =	sadd.s32 s3, s2  }
0x14: {  	s0 =	simm.s32 $0x98C0;
	[dreg:$0x6] =	wrdreg s2;
	s2 =	simm.s32 $0x3  }
.LBB2_15:
0x15: {  	s13 =	sadd.s32 $0x1, s13;
	s7 =	rddreg [dreg:$0x9]  }
0x16: {  	p1 =	sne.s32 s13, s7  }
.Ltmp1:
0x17: {  	_ = 	snop;
	(pc) =	sbr.rel @!p1 .LBB2_16-.Ltmp1, $1  }
0x18: {  	_ =	sdelay $0x3  }
.LBB2_1:
0x19: {  	s7 =	rddreg [dreg:$0x0]  }
0x1a: {  	[tilespmem:s4], [sflag:$0x5] =	stream.linear.gather [hbm4b:s7+s4], $0x7C0, $0x38;
	[tilespmem:$0xACC0] =	vst v63  }
0x1b: {  	_ =	swait.ge [sflag:s16], $0x7C0  }
0x1c: {  	[sflag:s16] =	ssyncset.done $0x0  }
0x1d: {  	s14 =	simm.s32 $0x0;
	s19 =	rddreg [dreg:$0x3];
	[sflag:s16] =	ssyncadd.s32 $0xFFFFF840  }
0x1e: {  	[tilespmem:s20], [sflag:$0x1] =	stream.linear.gather [hbm4b:s19+s4], $0x280, $0x38;
	[tilespmem:$0xACC0] =	vst v63  }
.LBB2_2:
0x1f: {  	s16 =	smul.u32 $0xA, s14;
	_ =	sdelay $0x1  }
0x20: {  	s15 =	sadd.s32 s16, s8  }
0x21: {  	s7 =	sshll.u32 s15, $0x4  }
0x22: {  	s7 =	sand.u32 $0x1FFFFFF0, s7  }
0x23: {  	s7 =	sadd.s32 s5, s7  }
0x24: {  	[tilespmem:s21], [sflag:$0x2] =	stream.linear.gather [hbm4b:s7+s4], $0x280, $0x38;
	[tilespmem:$0xACC0] =	vst v63  }
0x25: {  	_ =	swait.ge [sflag:s22], $0x280  }
0x26: {  	p1 =	seq.s32 s14, $0x0;
	[sflag:s22] =	ssyncset.done $0x0  }
0x27: {  	s7 =	simm.s32 @!p1 $0x3;
	[sflag:s22] =	ssyncadd.s32 $0xFFFFFD80  }
0x28: {  	_ =	swait.ge @!p1 [sflag:s7], $0x1400  }
0x29: {  	[sflag:s7] =	ssyncset.done @!p1 $0x0  }
0x2a: {  	[sflag:s7] =	ssyncadd.s32 @!p1 $0xFFFFEC00  }
0x2b: {  	_ =	swait.ge @!p1 [sflag:s7], $0x1400  }
0x2c: {  	[sflag:s7] =	ssyncset.done @!p1 $0x0  }
0x2d: {  	[sflag:s7] =	ssyncadd.s32 @!p1 $0xFFFFEC00  }
0x2e: {  	_ =	swait.ge @!p1 [sflag:s7], $0x1400  }
0x2f: {  	[sflag:s7] =	ssyncset.done @!p1 $0x0  }
0x30: {  	[sflag:s7] =	ssyncadd.s32 @!p1 $0xFFFFEC00  }
0x31: {  	_ =	swait.ge @!p1 [sflag:s7], $0x1400  }
0x32: {  	[sflag:s7] =	ssyncset.done @!p1 $0x0  }
0x33: {  	s18 =	simm.s32 $0x0;
	[sflag:s7] =	ssyncadd.s32 @!p1 $0xFFFFEC00  }
0x34: {  	v1 =	vld [tilespmem:s18+$0x7C0];
	_ =	sdelay $0x4  }
0x35: {  	v2 =	vadd.s32 $0x1, v1  }
0x36: {  	v3 =	vadd.s32 $0x2, v1  }
0x37: {  	v4 =	vadd.s32 $0x3, v1  }
0x38: {  	v5 =	vadd.s32 $0x4, v1  }
0x39: {  	v6 =	vadd.s32 $0x5, v1;
	v0 =	vld.idx.msk [tilespmem:v1+s4+$0x0], $0xffff  }
0x3a: {  	v7 =	vadd.s32 $0x6, v1;
	v2 =	vld.idx.msk [tilespmem:v2+s4+$0x0], $0xffff  }
0x3b: {  	v8 =	vld.idx.msk [tilespmem:v3+s4+$0x0], $0xffff;
	v3 =	vadd.s32 $0x7, v1  }
0x3c: {  	v11 =	vld.idx.msk [tilespmem:v4+s4+$0x0], $0xffff;
	v4 =	vadd.s32 $0x8, v1  }
0x3d: {  	v12 =	vld.idx.msk [tilespmem:v5+s4+$0x0], $0xffff;
	v5 =	vadd.s32 $0x9, v1  }
0x3e: {  	v9 =	vadd.s32 $0xA, v1;
	v6 =	vld.idx.msk [tilespmem:v6+s4+$0x0], $0xffff  }
0x3f: {  	v13 =	vld.idx.msk [tilespmem:v7+s4+$0x0], $0xffff;
	v7 =	vadd.s32 $0xB, v1  }
0x40: {  	v14 =	vld.idx.msk [tilespmem:v3+s4+$0x0], $0xffff;
	v3 =	vadd.s32 $0xC, v1  }
0x41: {  	v15 =	vld.idx.msk [tilespmem:v4+s4+$0x0], $0xffff;
	v4 =	vadd.s32 $0xD, v1  }
0x42: {  	v16 =	vld.idx.msk [tilespmem:v5+s4+$0x0], $0xffff;
	v5 =	vadd.s32 $0xE, v1  }
0x43: {  	v17 =	vld.idx.msk [tilespmem:v9+s4+$0x0], $0xffff;
	v9 =	vadd.s32 $0xF, v1  }
0x44: {  	v18 =	vld.idx.msk [tilespmem:v7+s4+$0x0], $0xffff;
	v7 =	vadd.s32 $0x10, v1  }
0x45: {  	v19 =	vld.idx.msk [tilespmem:v3+s4+$0x0], $0xffff;
	v3 =	vadd.s32 $0x11, v1  }
0x46: {  	v20 =	vld.idx.msk [tilespmem:v4+s4+$0x0], $0xffff;
	v4 =	vadd.s32 $0x12, v1  }
0x47: {  	v21 =	vld.idx.msk [tilespmem:v5+s4+$0x0], $0xffff;
	v5 =	vadd.s32 $0x13, v1  }
0x48: {  	v22 =	vld.idx.msk [tilespmem:v9+s4+$0x0], $0xffff;
	v9 =	vadd.s32 $0x14, v1  }
0x49: {  	v23 =	vld.idx.msk [tilespmem:v7+s4+$0x0], $0xffff;
	v7 =	vadd.s32 $0x15, v1  }
0x4a: {  	v24 =	vld.idx.msk [tilespmem:v3+s4+$0x0], $0xffff;
	v3 =	vadd.s32 $0x16, v1  }
0x4b: {  	v25 =	vld.idx.msk [tilespmem:v4+s4+$0x0], $0xffff;
	v4 =	vadd.s32 $0x17, v1  }
0x4c: {  	v26 =	vld.idx.msk [tilespmem:v5+s4+$0x0], $0xffff;
	v5 =	vadd.s32 $0x18, v1  }
0x4d: {  	v27 =	vld.idx.msk [tilespmem:v9+s4+$0x0], $0xffff;
	v9 =	vadd.s32 $0x1F, v1  }
0x4e: {  	v28 =	vld.idx.msk [tilespmem:v7+s4+$0x0], $0xffff;
	v7 =	vadd.s32 $0x19, v1  }
0x4f: {  	v29 =	vld.idx.msk [tilespmem:v3+s4+$0x0], $0xffff;
	v3 =	vadd.s32 $0x1A, v1  }
0x50: {  	v30 =	vld.idx.msk [tilespmem:v4+s4+$0x0], $0xffff;
	v4 =	vadd.s32 $0x1B, v1  }
0x51: {  	v31 =	vld.idx.msk [tilespmem:v5+s4+$0x0], $0xffff;
	v5 =	vadd.s32 $0x1C, v1  }
0x52: {  	v32 =	vadd.s32 $0x1D, v1;
	v33 =	vld.idx.msk [tilespmem:v9+s4+$0x0], $0xffff  }
0x53: {  	s19 =	simm.s32 $0x0;
	v9 =	vld.idx.msk [tilespmem:v7+s4+$0x0], $0xffff;
	v1 =	vadd.s32 $0x1E, v1  }
0x54: {  	s7 =	smul.u32 $0xE00, s19;
	v10 =	vld.idx.msk [tilespmem:v3+s4+$0x0], $0xffff  }
0x55: {  	v7 =	vld.idx.msk [tilespmem:v4+s4+$0x0], $0xffff  }
0x56: {  	s7 =	sshra.s32 s7, $0x2;
	v5 =	vld.idx.msk [tilespmem:v5+s4+$0x0], $0xffff  }
0x57: {  	s7 =	sadd.s32 $0x0, s7;
	v4 =	vld.idx.msk [tilespmem:v32+s4+$0x0], $0xffff  }
0x58: {  	s17 =	simm.s32 $0x10;
	v3 =	vld.idx.msk [tilespmem:v1+s4+$0x0], $0xffff;
	[tilespmem:s7+$0x4C40] =	vst v33  }
0x59: {  	v1 =	vld [tilespmem:s17+$0x7C0];
	[tilespmem:s7+$0xD40] =	vst v2  }
0x5a: {  	[tilespmem:s7+$0xDC0] =	vst v8  }
0x5b: {  	[tilespmem:s7+$0xE40] =	vst v11  }
0x5c: {  	[tilespmem:s7+$0xEC0] =	vst v12  }
0x5d: {  	[tilespmem:s7+$0xF40] =	vst v6  }
0x5e: {  	[tilespmem:s7+$0xFC0] =	vst v13;
	v6 =	vadd.s32 $0x1, v1  }
0x5f: {  	[tilespmem:s7+$0x1040] =	vst v14;
	v8 =	vadd.s32 $0x2, v1  }
0x60: {  	[tilespmem:s7+$0x20C0] =	vst v15;
	v11 =	vadd.s32 $0x3, v1  }
0x61: {  	[tilespmem:s7+$0x2140] =	vst v16;
	v12 =	vadd.s32 $0x4, v1  }
0x62: {  	[tilespmem:s7+$0x21C0] =	vst v17;
	v13 =	vadd.s32 $0x5, v1;
	v2 =	vld.idx.msk [tilespmem:v1+s4+$0x0], $0xffff  }
0x63: {  	[tilespmem:s7+$0x2240] =	vst v18;
	v14 =	vadd.s32 $0x6, v1;
	v6 =	vld.idx.msk [tilespmem:v6+s4+$0x0], $0xffff  }
0x64: {  	[tilespmem:s7+$0x22C0] =	vst v19;
	v15 =	vadd.s32 $0x7, v1;
	v8 =	vld.idx.msk [tilespmem:v8+s4+$0x0], $0xffff  }
0x65: {  	[tilespmem:s7+$0x2340] =	vst v20;
	v16 =	vadd.s32 $0x8, v1;
	v11 =	vld.idx.msk [tilespmem:v11+s4+$0x0], $0xffff  }
0x66: {  	[tilespmem:s7+$0x23C0] =	vst v21;
	v17 =	vadd.s32 $0x9, v1;
	v12 =	vld.idx.msk [tilespmem:v12+s4+$0x0], $0xffff  }
0x67: {  	[tilespmem:s7+$0x2440] =	vst v22;
	v18 =	vadd.s32 $0xA, v1;
	v13 =	vld.idx.msk [tilespmem:v13+s4+$0x0], $0xffff  }
0x68: {  	[tilespmem:s7+$0x34C0] =	vst v23;
	v19 =	vadd.s32 $0xB, v1;
	v14 =	vld.idx.msk [tilespmem:v14+s4+$0x0], $0xffff  }
0x69: {  	[tilespmem:s7+$0x3540] =	vst v24;
	v20 =	vadd.s32 $0xC, v1;
	v15 =	vld.idx.msk [tilespmem:v15+s4+$0x0], $0xffff  }
0x6a: {  	[tilespmem:s7+$0x35C0] =	vst v25;
	v21 =	vadd.s32 $0xD, v1;
	v16 =	vld.idx.msk [tilespmem:v16+s4+$0x0], $0xffff  }
0x6b: {  	[tilespmem:s7+$0x3640] =	vst v26;
	v22 =	vadd.s32 $0xE, v1;
	v17 =	vld.idx.msk [tilespmem:v17+s4+$0x0], $0xffff  }
0x6c: {  	[tilespmem:s7+$0x36C0] =	vst v27;
	v24 =	vadd.s32 $0xF, v1;
	v18 =	vld.idx.msk [tilespmem:v18+s4+$0x0], $0xffff  }
0x6d: {  	[tilespmem:s7+$0x3740] =	vst v28;
	v23 =	vadd.s32 $0x10, v1;
	v19 =	vld.idx.msk [tilespmem:v19+s4+$0x0], $0xffff  }
0x6e: {  	[tilespmem:s7+$0x37C0] =	vst v29;
	v27 =	vadd.s32 $0x11, v1;
	v20 =	vld.idx.msk [tilespmem:v20+s4+$0x0], $0xffff  }
0x6f: {  	[tilespmem:s7+$0x3840] =	vst v30;
	v25 =	vadd.s32 $0x12, v1;
	v21 =	vld.idx.msk [tilespmem:v21+s4+$0x0], $0xffff  }
0x70: {  	s19 =	simm.s32 $0x80;
	s18 =	simm.s32 $0x0;
	[tilespmem:s7+$0x48C0] =	vst v31;
	v26 =	vadd.s32 $0x13, v1;
	v22 =	vld.idx.msk [tilespmem:v22+s4+$0x0], $0xffff  }
.LBB2_3:
0x71: {  	p2 =	sne.s32 s19, $0x9C0;
	v24 =	vld.idx.msk [tilespmem:v24+s4+$0x0], $0xffff;
	v28 =	vadd.s32 $0x14, v1;
	[tilespmem:s7+$0x4940] =	vst v9  }
0x72: {  	v9 =	vadd.s32 $0x15, v1;
	v23 =	vld.idx.msk [tilespmem:v23+s4+$0x0], $0xffff;
	[tilespmem:s7+$0x49C0] =	vst v10  }
0x73: {  	v10 =	vadd.s32 $0x16, v1;
	v27 =	vld.idx.msk [tilespmem:v27+s4+$0x0], $0xffff;
	[tilespmem:s7+$0x4A40] =	vst v7  }
0x74: {  	v7 =	vadd.s32 $0x17, v1;
	v25 =	vld.idx.msk [tilespmem:v25+s4+$0x0], $0xffff;
	[tilespmem:s7+$0x4AC0] =	vst v5  }
0x75: {  	v5 =	vadd.s32 $0x18, v1;
	v26 =	vld.idx.msk [tilespmem:v26+s4+$0x0], $0xffff;
	[tilespmem:s7+$0x4B40] =	vst v4  }
0x76: {  	v4 =	vadd.s32 $0x1F, v1;
	v28 =	vld.idx.msk [tilespmem:v28+s4+$0x0], $0xffff;
	[tilespmem:s7+$0x4BC0] =	vst v3  }
0x77: {  	v3 =	vadd.s32 $0x19, v1;
	v29 =	vld.idx.msk [tilespmem:v9+s4+$0x0], $0xffff;
	[tilespmem:s7+$0xCC0] =	vst v0;
	v0 =	vmov v2  }
0x78: {  	v2 =	vadd.s32 $0x1A, v1;
	v30 =	vld.idx.msk [tilespmem:v10+s4+$0x0], $0xffff  }
0x79: {  	v31 =	vld.idx.msk [tilespmem:v7+s4+$0x0], $0xffff;
	v7 =	vadd.s32 $0x1B, v1  }
0x7a: {  	v32 =	vld.idx.msk [tilespmem:v5+s4+$0x0], $0xffff;
	v5 =	vadd.s32 $0x1C, v1  }
0x7b: {  	v33 =	vadd.s32 $0x1D, v1;
	s18 =	sadd.s32 $0x1, s18;
	v34 =	vld.idx.msk [tilespmem:v4+s4+$0x0], $0xffff  }
0x7c: {  	s7 =	sshrl.u32 s18, $0x3;
	v1 =	vadd.s32 $0x1E, v1;
	v9 =	vld.idx.msk [tilespmem:v3+s4+$0x0], $0xffff  }
0x7d: {  	s7 =	smul.u32 $0xE00, s7;
	v10 =	vld.idx.msk [tilespmem:v2+s4+$0x0], $0xffff  }
0x7e: {  	v7 =	vld.idx.msk [tilespmem:v7+s4+$0x0], $0xffff  }
0x7f: {  	s7 =	sshra.s32 s7, $0x2;
	v5 =	vld.idx.msk [tilespmem:v5+s4+$0x0], $0xffff  }
0x80: {  	s7 =	sadd.s32 s17, s7;
	v4 =	vld.idx.msk [tilespmem:v33+s4+$0x0], $0xffff  }
0x81: {  	s17 =	sshra.s32 s19, $0x2;
	v3 =	vld.idx.msk [tilespmem:v1+s4+$0x0], $0xffff;
	[tilespmem:s7+$0x4C40] =	vst v34  }
0x82: {  	v1 =	vld [tilespmem:s17+$0x7C0];
	[tilespmem:s7+$0xD40] =	vst v6  }
0x83: {  	[tilespmem:s7+$0xDC0] =	vst v8  }
0x84: {  	[tilespmem:s7+$0xE40] =	vst v11  }
0x85: {  	[tilespmem:s7+$0xEC0] =	vst v12  }
0x86: {  	[tilespmem:s7+$0xF40] =	vst v13  }
0x87: {  	v6 =	vadd.s32 $0x1, v1;
	[tilespmem:s7+$0xFC0] =	vst v14  }
0x88: {  	v8 =	vadd.s32 $0x2, v1;
	[tilespmem:s7+$0x1040] =	vst v15  }
0x89: {  	v11 =	vadd.s32 $0x3, v1;
	[tilespmem:s7+$0x20C0] =	vst v16  }
0x8a: {  	v12 =	vadd.s32 $0x4, v1;
	[tilespmem:s7+$0x2140] =	vst v17  }
0x8b: {  	v13 =	vadd.s32 $0x5, v1;
	v2 =	vld.idx.msk [tilespmem:v1+s4+$0x0], $0xffff;
	[tilespmem:s7+$0x21C0] =	vst v18  }
0x8c: {  	v14 =	vadd.s32 $0x6, v1;
	v6 =	vld.idx.msk [tilespmem:v6+s4+$0x0], $0xffff;
	[tilespmem:s7+$0x2240] =	vst v19  }
0x8d: {  	v15 =	vadd.s32 $0x7, v1;
	v8 =	vld.idx.msk [tilespmem:v8+s4+$0x0], $0xffff;
	[tilespmem:s7+$0x22C0] =	vst v20  }
0x8e: {  	v16 =	vadd.s32 $0x8, v1;
	v11 =	vld.idx.msk [tilespmem:v11+s4+$0x0], $0xffff;
	[tilespmem:s7+$0x2340] =	vst v21  }
0x8f: {  	v17 =	vadd.s32 $0x9, v1;
	v12 =	vld.idx.msk [tilespmem:v12+s4+$0x0], $0xffff;
	[tilespmem:s7+$0x23C0] =	vst v22  }
0x90: {  	v18 =	vadd.s32 $0xA, v1;
	v13 =	vld.idx.msk [tilespmem:v13+s4+$0x0], $0xffff;
	[tilespmem:s7+$0x2440] =	vst v24  }
0x91: {  	v19 =	vadd.s32 $0xB, v1;
	v14 =	vld.idx.msk [tilespmem:v14+s4+$0x0], $0xffff;
	[tilespmem:s7+$0x34C0] =	vst v23  }
0x92: {  	v20 =	vadd.s32 $0xC, v1;
	v15 =	vld.idx.msk [tilespmem:v15+s4+$0x0], $0xffff;
	[tilespmem:s7+$0x3540] =	vst v27  }
0x93: {  	v21 =	vadd.s32 $0xD, v1;
	v16 =	vld.idx.msk [tilespmem:v16+s4+$0x0], $0xffff;
	[tilespmem:s7+$0x35C0] =	vst v25  }
0x94: {  	v22 =	vadd.s32 $0xE, v1;
	v17 =	vld.idx.msk [tilespmem:v17+s4+$0x0], $0xffff;
	[tilespmem:s7+$0x3640] =	vst v26  }
.Ltmp2:
0x95: {  	v24 =	vadd.s32 $0xF, v1;
	v18 =	vld.idx.msk [tilespmem:v18+s4+$0x0], $0xffff;
	[tilespmem:s7+$0x36C0] =	vst v28;
	(pc) =	sbr.rel @p2 .LBB2_3-.Ltmp2, $4  }
0x96: {  	v23 =	vadd.s32 $0x10, v1;
	v19 =	vld.idx.msk [tilespmem:v19+s4+$0x0], $0xffff;
	[tilespmem:s7+$0x3740] =	vst v29  }
0x97: {  	v27 =	vadd.s32 $0x11, v1;
	v20 =	vld.idx.msk [tilespmem:v20+s4+$0x0], $0xffff;
	[tilespmem:s7+$0x37C0] =	vst v30  }
0x98: {  	v25 =	vadd.s32 $0x12, v1;
	v21 =	vld.idx.msk [tilespmem:v21+s4+$0x0], $0xffff;
	[tilespmem:s7+$0x3840] =	vst v31  }
0x99: {  	s19 =	sadd.s32 $0x40, s19;
	v26 =	vadd.s32 $0x13, v1;
	v22 =	vld.idx.msk [tilespmem:v22+s4+$0x0], $0xffff;
	[tilespmem:s7+$0x48C0] =	vst v32  }
0x9a: {  	_ =	sdelay $0x3  }
0x9b: {  	v24 =	vld.idx.msk [tilespmem:v24+s4+$0x0], $0xffff;
	v28 =	vadd.s32 $0x14, v1  }
0x9c: {  	v23 =	vld.idx.msk [tilespmem:v23+s4+$0x0], $0xffff;
	v29 =	vadd.s32 $0x15, v1  }
0x9d: {  	v27 =	vld.idx.msk [tilespmem:v27+s4+$0x0], $0xffff;
	v30 =	vadd.s32 $0x16, v1  }
0x9e: {  	v25 =	vld.idx.msk [tilespmem:v25+s4+$0x0], $0xffff;
	v31 =	vadd.s32 $0x17, v1  }
0x9f: {  	v26 =	vld.idx.msk [tilespmem:v26+s4+$0x0], $0xffff;
	v32 =	vadd.s32 $0x18, v1  }
0xa0: {  	v33 =	vadd.s32 $0x1F, v1;
	v28 =	vld.idx.msk [tilespmem:v28+s4+$0x0], $0xffff  }
0xa1: {  	v34 =	vadd.s32 $0x19, v1;
	v29 =	vld.idx.msk [tilespmem:v29+s4+$0x0], $0xffff  }
0xa2: {  	v35 =	vadd.s32 $0x1A, v1;
	v30 =	vld.idx.msk [tilespmem:v30+s4+$0x0], $0xffff  }
0xa3: {  	v36 =	vadd.s32 $0x1B, v1;
	v31 =	vld.idx.msk [tilespmem:v31+s4+$0x0], $0xffff  }
0xa4: {  	v37 =	vadd.s32 $0x1C, v1;
	[tilespmem:s7+$0x4940] =	vst v9;
	v32 =	vld.idx.msk [tilespmem:v32+s4+$0x0], $0xffff  }
0xa5: {  	v56 =	vadd.s32 $0x1D, v1;
	[tilespmem:s7+$0x49C0] =	vst v10;
	s18 =	sadd.s32 $0x1, s18;
	v33 =	vld.idx.msk [tilespmem:v33+s4+$0x0], $0xffff  }
0xa6: {  	v58 =	vadd.s32 $0x1E, v1;
	[tilespmem:s7+$0x4A40] =	vst v7;
	s18 =	sshrl.u32 s18, $0x3;
	v57 =	vld.idx.msk [tilespmem:v34+s4+$0x0], $0xffff  }
0xa7: {  	[tilespmem:s7+$0x4AC0] =	vst v5;
	s18 =	smul.u32 $0xE00, s18;
	v59 =	vld.idx.msk [tilespmem:v35+s4+$0x0], $0xffff  }
0xa8: {  	[tilespmem:s7+$0x4B40] =	vst v4;
	v60 =	vld.idx.msk [tilespmem:v36+s4+$0x0], $0xffff  }
0xa9: {  	[tilespmem:s7+$0x4BC0] =	vst v3;
	s18 =	sshra.s32 s18, $0x2;
	v61 =	vld.idx.msk [tilespmem:v37+s4+$0x0], $0xffff  }
0xaa: {  	[tilespmem:s7+$0xCC0] =	vst v0;
	v62 =	vld.idx.msk [tilespmem:v56+s4+$0x0], $0xffff;
	s18 =	sadd.s32 s17, s18  }
0xab: {  	v63 =	vld.idx.msk [tilespmem:v58+s4+$0x0], $0xffff;
	[tilespmem:s18+$0xD40] =	vst v6  }
0xac: {  	[tilespmem:s18+$0xDC0] =	vst v8  }
0xad: {  	[tilespmem:s18+$0xE40] =	vst v11  }
0xae: {  	[tilespmem:s18+$0xEC0] =	vst v12  }
0xaf: {  	[tilespmem:s18+$0xF40] =	vst v13  }
0xb0: {  	[tilespmem:s18+$0xFC0] =	vst v14  }
0xb1: {  	[tilespmem:s18+$0x1040] =	vst v15  }
0xb2: {  	[tilespmem:s18+$0x20C0] =	vst v16  }
0xb3: {  	[tilespmem:s18+$0x2140] =	vst v17  }
0xb4: {  	[tilespmem:s18+$0x21C0] =	vst v18  }
0xb5: {  	[tilespmem:s18+$0x2240] =	vst v19  }
0xb6: {  	[tilespmem:s18+$0x22C0] =	vst v20  }
0xb7: {  	[tilespmem:s18+$0x2340] =	vst v21  }
0xb8: {  	[tilespmem:s18+$0x23C0] =	vst v22  }
0xb9: {  	[tilespmem:s18+$0x2440] =	vst v24  }
0xba: {  	[tilespmem:s18+$0x34C0] =	vst v23  }
0xbb: {  	[tilespmem:s18+$0x3540] =	vst v27  }
0xbc: {  	[tilespmem:s18+$0x35C0] =	vst v25  }
0xbd: {  	[tilespmem:s18+$0x3640] =	vst v26  }
0xbe: {  	[tilespmem:s18+$0xCC0] =	vst v2  }
0xbf: {  	[tilespmem:s18+$0x4C40] =	vst v33  }
0xc0: {  	[tilespmem:s18+$0x36C0] =	vst v28  }
0xc1: {  	[tilespmem:s18+$0x3740] =	vst v29  }
0xc2: {  	[tilespmem:s18+$0x37C0] =	vst v30  }
0xc3: {  	[tilespmem:s18+$0x3840] =	vst v31  }
0xc4: {  	[tilespmem:s18+$0x48C0] =	vst v32  }
0xc5: {  	[tilespmem:s18+$0x4940] =	vst v57  }
0xc6: {  	[tilespmem:s18+$0x49C0] =	vst v59  }
0xc7: {  	[tilespmem:s18+$0x4A40] =	vst v60  }
0xc8: {  	s19 =	sadd.s32 s6, s16;
	[tilespmem:s18+$0x4AC0] =	vst v61  }
0xc9: {  	s17 =	sshll.u32 s19, $0x7;
	[tilespmem:s18+$0x4B40] =	vst v62  }
0xca: {  	[tilespmem:s18+$0x4BC0] =	vst v63;
	s18 =	sadd.s32 s3, s17  }
0xcb: {  	[hbm4b:s18+s4] =	stream.linear.scatter [tilespmem:s23], [sflag:$0x3], $0x1400, $0x38;
	[tilespmem:$0xACC0] =	vst v63  }
0xcc: {  	p2 =	sne.s32 s14, $0x26;
	s19 =	sadd.s32 s17, s9  }
0xcd: {  	[hbm4b:s19+s4] =	stream.linear.scatter [tilespmem:s24], [sflag:$0x3], $0x1400, $0x38;
	[tilespmem:$0xACC0] =	vst v63  }
.Ltmp3:
0xce: {  	_ = 	snop;
	(pc) =	sbr.rel @p2 .LBB2_6-.Ltmp3, $4  }
0xcf: {  	s18 =	sadd.s32 s17, s10  }
0xd0: {  	[hbm4b:s18+s4] =	stream.linear.scatter [tilespmem:s25], [sflag:$0x3], $0x1400, $0x38;
	[tilespmem:$0xACC0] =	vst v63  }
0xd1: {  	s19 =	sadd.s32 s17, s11  }
0xd2: {  	[hbm4b:s19+s4] =	stream.linear.scatter [tilespmem:s26], [sflag:$0x3], $0x1400, $0x38;
	[tilespmem:$0xACC0] =	vst v63  }
.Ltmp4:
0xd3: {  	(pc) =	sbr.rel .LBB2_7-.Ltmp4, $4  }
0xd4: {  	_ = 	snop  }
0xd5: {  	_ =	swait.ge [sflag:s28], $0x280  }
0xd6: {  	[sflag:s28] =	ssyncset.done $0x0  }
0xd7: {  	[sflag:s28] =	ssyncadd.s32 $0xFFFFFD80  }
.LBB2_6:
0xd8: {  	s7 =	sadd.s32 s16, s12  }
0xd9: {  	s7 =	sshll.u32 s7, $0x4  }
0xda: {  	s7 =	sand.u32 $0x1FFFFFE0, s7  }
.Ltmp5:
0xdb: {  	s7 =	sadd.s32 s5, s7;
	(pc) =	sbr.rel @p1 .LBB2_8-.Ltmp5, $4  }
0xdc: {  	[tilespmem:s20], [sflag:$0x1] =	stream.linear.gather [hbm4b:s7+s4], $0x280, $0x38;
	[tilespmem:$0xACC0] =	vst v63  }
0xdd: {  	_ =	swait.ge [sflag:s28], $0x280  }
0xde: {  	[sflag:s28] =	ssyncset.done $0x0  }
0xdf: {  	[sflag:s28] =	ssyncadd.s32 $0xFFFFFD80  }
.LBB2_7:
0xe0: {  	_ =	swait.ge [sflag:s29], $0x1400  }
0xe1: {  	[sflag:s29] =	ssyncset.done $0x0  }
0xe2: {  	[sflag:s29] =	ssyncadd.s32 $0xFFFFEC00  }
0xe3: {  	_ =	swait.ge [sflag:s29], $0x1400  }
0xe4: {  	[sflag:s29] =	ssyncset.done $0x0  }
0xe5: {  	[sflag:s29] =	ssyncadd.s32 $0xFFFFEC00  }
0xe6: {  	_ =	swait.ge [sflag:s29], $0x1400  }
0xe7: {  	[sflag:s29] =	ssyncset.done $0x0  }
0xe8: {  	[sflag:s29] =	ssyncadd.s32 $0xFFFFEC00  }
0xe9: {  	_ =	swait.ge [sflag:s29], $0x1400  }
0xea: {  	[sflag:s29] =	ssyncset.done $0x0  }
0xeb: {  	[sflag:s29] =	ssyncadd.s32 $0xFFFFEC00  }
.LBB2_8:
0xec: {  	s7 =	simm.s32 $0x0  }
0xed: {  	v1 =	vld [tilespmem:s7+$0xA40];
	_ =	sdelay $0x4  }
0xee: {  	v2 =	vadd.s32 $0x1, v1  }
0xef: {  	v3 =	vadd.s32 $0x2, v1  }
0xf0: {  	v4 =	vadd.s32 $0x3, v1  }
0xf1: {  	v5 =	vadd.s32 $0x4, v1  }
0xf2: {  	v6 =	vadd.s32 $0x5, v1;
	v0 =	vld.idx.msk [tilespmem:v1+s4+$0x0], $0xffff  }
0xf3: {  	v7 =	vadd.s32 $0x6, v1;
	v2 =	vld.idx.msk [tilespmem:v2+s4+$0x0], $0xffff  }
0xf4: {  	v8 =	vld.idx.msk [tilespmem:v3+s4+$0x0], $0xffff;
	v3 =	vadd.s32 $0x7, v1  }
0xf5: {  	v11 =	vld.idx.msk [tilespmem:v4+s4+$0x0], $0xffff;
	v4 =	vadd.s32 $0x8, v1  }
0xf6: {  	v12 =	vld.idx.msk [tilespmem:v5+s4+$0x0], $0xffff;
	v5 =	vadd.s32 $0x9, v1  }
0xf7: {  	v9 =	vadd.s32 $0xA, v1;
	v6 =	vld.idx.msk [tilespmem:v6+s4+$0x0], $0xffff  }
0xf8: {  	v13 =	vld.idx.msk [tilespmem:v7+s4+$0x0], $0xffff;
	v7 =	vadd.s32 $0xB, v1  }
0xf9: {  	v14 =	vld.idx.msk [tilespmem:v3+s4+$0x0], $0xffff;
	v3 =	vadd.s32 $0xC, v1  }
0xfa: {  	v15 =	vld.idx.msk [tilespmem:v4+s4+$0x0], $0xffff;
	v4 =	vadd.s32 $0xD, v1  }
0xfb: {  	v16 =	vld.idx.msk [tilespmem:v5+s4+$0x0], $0xffff;
	v5 =	vadd.s32 $0xE, v1  }
0xfc: {  	v17 =	vld.idx.msk [tilespmem:v9+s4+$0x0], $0xffff;
	v9 =	vadd.s32 $0xF, v1  }
0xfd: {  	v18 =	vld.idx.msk [tilespmem:v7+s4+$0x0], $0xffff;
	v7 =	vadd.s32 $0x10, v1  }
0xfe: {  	v19 =	vld.idx.msk [tilespmem:v3+s4+$0x0], $0xffff;
	v3 =	vadd.s32 $0x11, v1  }
0xff: {  	v20 =	vld.idx.msk [tilespmem:v4+s4+$0x0], $0xffff;
	v4 =	vadd.s32 $0x12, v1  }
0x100: {  	v21 =	vld.idx.msk [tilespmem:v5+s4+$0x0], $0xffff;
	v5 =	vadd.s32 $0x13, v1  }
0x101: {  	v22 =	vld.idx.msk [tilespmem:v9+s4+$0x0], $0xffff;
	v9 =	vadd.s32 $0x14, v1  }
0x102: {  	v23 =	vld.idx.msk [tilespmem:v7+s4+$0x0], $0xffff;
	v7 =	vadd.s32 $0x15, v1  }
0x103: {  	v24 =	vld.idx.msk [tilespmem:v3+s4+$0x0], $0xffff;
	v3 =	vadd.s32 $0x16, v1  }
0x104: {  	v25 =	vld.idx.msk [tilespmem:v4+s4+$0x0], $0xffff;
	v4 =	vadd.s32 $0x17, v1  }
0x105: {  	v26 =	vld.idx.msk [tilespmem:v5+s4+$0x0], $0xffff;
	v5 =	vadd.s32 $0x18, v1  }
0x106: {  	v27 =	vld.idx.msk [tilespmem:v9+s4+$0x0], $0xffff;
	v9 =	vadd.s32 $0x1F, v1  }
0x107: {  	v28 =	vld.idx.msk [tilespmem:v7+s4+$0x0], $0xffff;
	v7 =	vadd.s32 $0x19, v1  }
0x108: {  	v29 =	vld.idx.msk [tilespmem:v3+s4+$0x0], $0xffff;
	v3 =	vadd.s32 $0x1A, v1  }
0x109: {  	v30 =	vld.idx.msk [tilespmem:v4+s4+$0x0], $0xffff;
	v4 =	vadd.s32 $0x1B, v1  }
0x10a: {  	v31 =	vld.idx.msk [tilespmem:v5+s4+$0x0], $0xffff;
	v5 =	vadd.s32 $0x1C, v1  }
0x10b: {  	v32 =	vadd.s32 $0x1D, v1;
	v33 =	vld.idx.msk [tilespmem:v9+s4+$0x0], $0xffff  }
0x10c: {  	s19 =	simm.s32 $0x0;
	v9 =	vld.idx.msk [tilespmem:v7+s4+$0x0], $0xffff;
	v1 =	vadd.s32 $0x1E, v1  }
0x10d: {  	s7 =	smul.u32 $0xE00, s19;
	v10 =	vld.idx.msk [tilespmem:v3+s4+$0x0], $0xffff  }
0x10e: {  	v7 =	vld.idx.msk [tilespmem:v4+s4+$0x0], $0xffff  }
0x10f: {  	s7 =	sshra.s32 s7, $0x2;
	v5 =	vld.idx.msk [tilespmem:v5+s4+$0x0], $0xffff  }
0x110: {  	s7 =	sadd.s32 $0x0, s7;
	v4 =	vld.idx.msk [tilespmem:v32+s4+$0x0], $0xffff  }
0x111: {  	s16 =	simm.s32 $0x10;
	v3 =	vld.idx.msk [tilespmem:v1+s4+$0x0], $0xffff;
	[tilespmem:s7+$0x9C40] =	vst v33  }
0x112: {  	v1 =	vld [tilespmem:s16+$0xA40];
	[tilespmem:s7+$0x5D40] =	vst v2  }
0x113: {  	[tilespmem:s7+$0x5DC0] =	vst v8  }
0x114: {  	[tilespmem:s7+$0x5E40] =	vst v11  }
0x115: {  	[tilespmem:s7+$0x5EC0] =	vst v12  }
0x116: {  	[tilespmem:s7+$0x5F40] =	vst v6  }
0x117: {  	[tilespmem:s7+$0x5FC0] =	vst v13;
	v6 =	vadd.s32 $0x1, v1  }
0x118: {  	[tilespmem:s7+$0x6040] =	vst v14;
	v8 =	vadd.s32 $0x2, v1  }
0x119: {  	[tilespmem:s7+$0x70C0] =	vst v15;
	v11 =	vadd.s32 $0x3, v1  }
0x11a: {  	[tilespmem:s7+$0x7140] =	vst v16;
	v12 =	vadd.s32 $0x4, v1  }
0x11b: {  	[tilespmem:s7+$0x71C0] =	vst v17;
	v13 =	vadd.s32 $0x5, v1;
	v2 =	vld.idx.msk [tilespmem:v1+s4+$0x0], $0xffff  }
0x11c: {  	[tilespmem:s7+$0x7240] =	vst v18;
	v14 =	vadd.s32 $0x6, v1;
	v6 =	vld.idx.msk [tilespmem:v6+s4+$0x0], $0xffff  }
0x11d: {  	[tilespmem:s7+$0x72C0] =	vst v19;
	v15 =	vadd.s32 $0x7, v1;
	v8 =	vld.idx.msk [tilespmem:v8+s4+$0x0], $0xffff  }
0x11e: {  	[tilespmem:s7+$0x7340] =	vst v20;
	v16 =	vadd.s32 $0x8, v1;
	v11 =	vld.idx.msk [tilespmem:v11+s4+$0x0], $0xffff  }
0x11f: {  	[tilespmem:s7+$0x73C0] =	vst v21;
	v17 =	vadd.s32 $0x9, v1;
	v12 =	vld.idx.msk [tilespmem:v12+s4+$0x0], $0xffff  }
0x120: {  	[tilespmem:s7+$0x7440] =	vst v22;
	v18 =	vadd.s32 $0xA, v1;
	v13 =	vld.idx.msk [tilespmem:v13+s4+$0x0], $0xffff  }
0x121: {  	[tilespmem:s7+$0x84C0] =	vst v23;
	v19 =	vadd.s32 $0xB, v1;
	v14 =	vld.idx.msk [tilespmem:v14+s4+$0x0], $0xffff  }
0x122: {  	[tilespmem:s7+$0x8540] =	vst v24;
	v20 =	vadd.s32 $0xC, v1;
	v15 =	vld.idx.msk [tilespmem:v15+s4+$0x0], $0xffff  }
0x123: {  	[tilespmem:s7+$0x85C0] =	vst v25;
	v21 =	vadd.s32 $0xD, v1;
	v16 =	vld.idx.msk [tilespmem:v16+s4+$0x0], $0xffff  }
0x124: {  	[tilespmem:s7+$0x8640] =	vst v26;
	v22 =	vadd.s32 $0xE, v1;
	v17 =	vld.idx.msk [tilespmem:v17+s4+$0x0], $0xffff  }
0x125: {  	[tilespmem:s7+$0x86C0] =	vst v27;
	v24 =	vadd.s32 $0xF, v1;
	v18 =	vld.idx.msk [tilespmem:v18+s4+$0x0], $0xffff  }
0x126: {  	[tilespmem:s7+$0x8740] =	vst v28;
	v23 =	vadd.s32 $0x10, v1;
	v19 =	vld.idx.msk [tilespmem:v19+s4+$0x0], $0xffff  }
0x127: {  	[tilespmem:s7+$0x87C0] =	vst v29;
	v27 =	vadd.s32 $0x11, v1;
	v20 =	vld.idx.msk [tilespmem:v20+s4+$0x0], $0xffff  }
0x128: {  	[tilespmem:s7+$0x8840] =	vst v30;
	v25 =	vadd.s32 $0x12, v1;
	v21 =	vld.idx.msk [tilespmem:v21+s4+$0x0], $0xffff  }
0x129: {  	s17 =	simm.s32 $0x0;
	s18 =	simm.s32 $0x80;
	[tilespmem:s7+$0x98C0] =	vst v31;
	v26 =	vadd.s32 $0x13, v1;
	v22 =	vld.idx.msk [tilespmem:v22+s4+$0x0], $0xffff  }
.LBB2_9:
0x12a: {  	p1 =	sne.s32 s18, $0x9C0;
	v24 =	vld.idx.msk [tilespmem:v24+s4+$0x0], $0xffff;
	v28 =	vadd.s32 $0x14, v1;
	[tilespmem:s7+$0x9940] =	vst v9  }
0x12b: {  	v9 =	vadd.s32 $0x15, v1;
	v23 =	vld.idx.msk [tilespmem:v23+s4+$0x0], $0xffff;
	[tilespmem:s7+$0x99C0] =	vst v10  }
0x12c: {  	v10 =	vadd.s32 $0x16, v1;
	v27 =	vld.idx.msk [tilespmem:v27+s4+$0x0], $0xffff;
	[tilespmem:s7+$0x9A40] =	vst v7  }
0x12d: {  	v7 =	vadd.s32 $0x17, v1;
	v25 =	vld.idx.msk [tilespmem:v25+s4+$0x0], $0xffff;
	[tilespmem:s7+$0x9AC0] =	vst v5  }
0x12e: {  	v5 =	vadd.s32 $0x18, v1;
	v26 =	vld.idx.msk [tilespmem:v26+s4+$0x0], $0xffff;
	[tilespmem:s7+$0x9B40] =	vst v4  }
0x12f: {  	v4 =	vadd.s32 $0x1F, v1;
	v28 =	vld.idx.msk [tilespmem:v28+s4+$0x0], $0xffff;
	[tilespmem:s7+$0x9BC0] =	vst v3  }
0x130: {  	v3 =	vadd.s32 $0x19, v1;
	v29 =	vld.idx.msk [tilespmem:v9+s4+$0x0], $0xffff;
	[tilespmem:s7+$0x5CC0] =	vst v0;
	v0 =	vmov v2  }
0x131: {  	v2 =	vadd.s32 $0x1A, v1;
	v30 =	vld.idx.msk [tilespmem:v10+s4+$0x0], $0xffff  }
0x132: {  	v31 =	vld.idx.msk [tilespmem:v7+s4+$0x0], $0xffff;
	v7 =	vadd.s32 $0x1B, v1  }
0x133: {  	v32 =	vld.idx.msk [tilespmem:v5+s4+$0x0], $0xffff;
	v5 =	vadd.s32 $0x1C, v1  }
0x134: {  	v33 =	vadd.s32 $0x1D, v1;
	s17 =	sadd.s32 $0x1, s17;
	v34 =	vld.idx.msk [tilespmem:v4+s4+$0x0], $0xffff  }
0x135: {  	s7 =	sshrl.u32 s17, $0x3;
	v1 =	vadd.s32 $0x1E, v1;
	v9 =	vld.idx.msk [tilespmem:v3+s4+$0x0], $0xffff  }
0x136: {  	s7 =	smul.u32 $0xE00, s7;
	v10 =	vld.idx.msk [tilespmem:v2+s4+$0x0], $0xffff  }
0x137: {  	v7 =	vld.idx.msk [tilespmem:v7+s4+$0x0], $0xffff  }
0x138: {  	s7 =	sshra.s32 s7, $0x2;
	v5 =	vld.idx.msk [tilespmem:v5+s4+$0x0], $0xffff  }
0x139: {  	s7 =	sadd.s32 s16, s7;
	v4 =	vld.idx.msk [tilespmem:v33+s4+$0x0], $0xffff  }
0x13a: {  	s16 =	sshra.s32 s18, $0x2;
	v3 =	vld.idx.msk [tilespmem:v1+s4+$0x0], $0xffff;
	[tilespmem:s7+$0x9C40] =	vst v34  }
0x13b: {  	v1 =	vld [tilespmem:s16+$0xA40];
	[tilespmem:s7+$0x5D40] =	vst v6  }
0x13c: {  	[tilespmem:s7+$0x5DC0] =	vst v8  }
0x13d: {  	[tilespmem:s7+$0x5E40] =	vst v11  }
0x13e: {  	[tilespmem:s7+$0x5EC0] =	vst v12  }
0x13f: {  	[tilespmem:s7+$0x5F40] =	vst v13  }
0x140: {  	v6 =	vadd.s32 $0x1, v1;
	[tilespmem:s7+$0x5FC0] =	vst v14  }
0x141: {  	v8 =	vadd.s32 $0x2, v1;
	[tilespmem:s7+$0x6040] =	vst v15  }
0x142: {  	v11 =	vadd.s32 $0x3, v1;
	[tilespmem:s7+$0x70C0] =	vst v16  }
0x143: {  	v12 =	vadd.s32 $0x4, v1;
	[tilespmem:s7+$0x7140] =	vst v17  }
0x144: {  	v13 =	vadd.s32 $0x5, v1;
	v2 =	vld.idx.msk [tilespmem:v1+s4+$0x0], $0xffff;
	[tilespmem:s7+$0x71C0] =	vst v18  }
0x145: {  	v14 =	vadd.s32 $0x6, v1;
	v6 =	vld.idx.msk [tilespmem:v6+s4+$0x0], $0xffff;
	[tilespmem:s7+$0x7240] =	vst v19  }
0x146: {  	v15 =	vadd.s32 $0x7, v1;
	v8 =	vld.idx.msk [tilespmem:v8+s4+$0x0], $0xffff;
	[tilespmem:s7+$0x72C0] =	vst v20  }
0x147: {  	v16 =	vadd.s32 $0x8, v1;
	v11 =	vld.idx.msk [tilespmem:v11+s4+$0x0], $0xffff;
	[tilespmem:s7+$0x7340] =	vst v21  }
0x148: {  	v17 =	vadd.s32 $0x9, v1;
	v12 =	vld.idx.msk [tilespmem:v12+s4+$0x0], $0xffff;
	[tilespmem:s7+$0x73C0] =	vst v22  }
0x149: {  	v18 =	vadd.s32 $0xA, v1;
	v13 =	vld.idx.msk [tilespmem:v13+s4+$0x0], $0xffff;
	[tilespmem:s7+$0x7440] =	vst v24  }
0x14a: {  	v19 =	vadd.s32 $0xB, v1;
	v14 =	vld.idx.msk [tilespmem:v14+s4+$0x0], $0xffff;
	[tilespmem:s7+$0x84C0] =	vst v23  }
0x14b: {  	v20 =	vadd.s32 $0xC, v1;
	v15 =	vld.idx.msk [tilespmem:v15+s4+$0x0], $0xffff;
	[tilespmem:s7+$0x8540] =	vst v27  }
0x14c: {  	v21 =	vadd.s32 $0xD, v1;
	v16 =	vld.idx.msk [tilespmem:v16+s4+$0x0], $0xffff;
	[tilespmem:s7+$0x85C0] =	vst v25  }
0x14d: {  	v22 =	vadd.s32 $0xE, v1;
	v17 =	vld.idx.msk [tilespmem:v17+s4+$0x0], $0xffff;
	[tilespmem:s7+$0x8640] =	vst v26  }
.Ltmp6:
0x14e: {  	v24 =	vadd.s32 $0xF, v1;
	v18 =	vld.idx.msk [tilespmem:v18+s4+$0x0], $0xffff;
	[tilespmem:s7+$0x86C0] =	vst v28;
	(pc) =	sbr.rel @p1 .LBB2_9-.Ltmp6, $4  }
0x14f: {  	v23 =	vadd.s32 $0x10, v1;
	v19 =	vld.idx.msk [tilespmem:v19+s4+$0x0], $0xffff;
	[tilespmem:s7+$0x8740] =	vst v29  }
0x150: {  	v27 =	vadd.s32 $0x11, v1;
	v20 =	vld.idx.msk [tilespmem:v20+s4+$0x0], $0xffff;
	[tilespmem:s7+$0x87C0] =	vst v30  }
0x151: {  	v25 =	vadd.s32 $0x12, v1;
	v21 =	vld.idx.msk [tilespmem:v21+s4+$0x0], $0xffff;
	[tilespmem:s7+$0x8840] =	vst v31  }
0x152: {  	s18 =	sadd.s32 $0x40, s18;
	v26 =	vadd.s32 $0x13, v1;
	v22 =	vld.idx.msk [tilespmem:v22+s4+$0x0], $0xffff;
	[tilespmem:s7+$0x98C0] =	vst v32  }
0x153: {  	_ =	sdelay $0x3  }
0x154: {  	v24 =	vld.idx.msk [tilespmem:v24+s4+$0x0], $0xffff;
	v28 =	vadd.s32 $0x14, v1  }
0x155: {  	v23 =	vld.idx.msk [tilespmem:v23+s4+$0x0], $0xffff;
	v29 =	vadd.s32 $0x15, v1  }
0x156: {  	v27 =	vld.idx.msk [tilespmem:v27+s4+$0x0], $0xffff;
	v30 =	vadd.s32 $0x16, v1  }
0x157: {  	v25 =	vld.idx.msk [tilespmem:v25+s4+$0x0], $0xffff;
	v31 =	vadd.s32 $0x17, v1  }
0x158: {  	v26 =	vld.idx.msk [tilespmem:v26+s4+$0x0], $0xffff;
	v32 =	vadd.s32 $0x18, v1  }
0x159: {  	v33 =	vadd.s32 $0x1F, v1;
	v28 =	vld.idx.msk [tilespmem:v28+s4+$0x0], $0xffff  }
0x15a: {  	v34 =	vadd.s32 $0x19, v1;
	v29 =	vld.idx.msk [tilespmem:v29+s4+$0x0], $0xffff  }
0x15b: {  	v35 =	vadd.s32 $0x1A, v1;
	v30 =	vld.idx.msk [tilespmem:v30+s4+$0x0], $0xffff  }
0x15c: {  	v36 =	vadd.s32 $0x1B, v1;
	v31 =	vld.idx.msk [tilespmem:v31+s4+$0x0], $0xffff  }
0x15d: {  	v37 =	vadd.s32 $0x1C, v1;
	[tilespmem:s7+$0x9940] =	vst v9;
	v32 =	vld.idx.msk [tilespmem:v32+s4+$0x0], $0xffff  }
0x15e: {  	v56 =	vadd.s32 $0x1D, v1;
	[tilespmem:s7+$0x99C0] =	vst v10;
	s17 =	sadd.s32 $0x1, s17;
	v33 =	vld.idx.msk [tilespmem:v33+s4+$0x0], $0xffff  }
0x15f: {  	v58 =	vadd.s32 $0x1E, v1;
	[tilespmem:s7+$0x9A40] =	vst v7;
	s17 =	sshrl.u32 s17, $0x3;
	v57 =	vld.idx.msk [tilespmem:v34+s4+$0x0], $0xffff  }
0x160: {  	[tilespmem:s7+$0x9AC0] =	vst v5;
	s17 =	smul.u32 $0xE00, s17;
	v59 =	vld.idx.msk [tilespmem:v35+s4+$0x0], $0xffff  }
0x161: {  	[tilespmem:s7+$0x9B40] =	vst v4;
	v60 =	vld.idx.msk [tilespmem:v36+s4+$0x0], $0xffff  }
0x162: {  	[tilespmem:s7+$0x9BC0] =	vst v3;
	s17 =	sshra.s32 s17, $0x2;
	v61 =	vld.idx.msk [tilespmem:v37+s4+$0x0], $0xffff  }
0x163: {  	[tilespmem:s7+$0x5CC0] =	vst v0;
	v62 =	vld.idx.msk [tilespmem:v56+s4+$0x0], $0xffff;
	s18 =	sadd.s32 s16, s17  }
0x164: {  	v63 =	vld.idx.msk [tilespmem:v58+s4+$0x0], $0xffff;
	[tilespmem:s18+$0x5D40] =	vst v6  }
0x165: {  	[tilespmem:s18+$0x5DC0] =	vst v8  }
0x166: {  	[tilespmem:s18+$0x5E40] =	vst v11  }
0x167: {  	[tilespmem:s18+$0x5EC0] =	vst v12  }
0x168: {  	[tilespmem:s18+$0x5F40] =	vst v13  }
0x169: {  	[tilespmem:s18+$0x5FC0] =	vst v14  }
0x16a: {  	[tilespmem:s18+$0x6040] =	vst v15  }
0x16b: {  	[tilespmem:s18+$0x70C0] =	vst v16  }
0x16c: {  	[tilespmem:s18+$0x7140] =	vst v17  }
0x16d: {  	[tilespmem:s18+$0x71C0] =	vst v18  }
0x16e: {  	[tilespmem:s18+$0x7240] =	vst v19  }
0x16f: {  	[tilespmem:s18+$0x72C0] =	vst v20  }
0x170: {  	[tilespmem:s18+$0x7340] =	vst v21  }
0x171: {  	[tilespmem:s18+$0x73C0] =	vst v22  }
0x172: {  	[tilespmem:s18+$0x7440] =	vst v24  }
0x173: {  	[tilespmem:s18+$0x84C0] =	vst v23  }
0x174: {  	[tilespmem:s18+$0x8540] =	vst v27  }
0x175: {  	[tilespmem:s18+$0x85C0] =	vst v25  }
0x176: {  	[tilespmem:s18+$0x8640] =	vst v26  }
0x177: {  	[tilespmem:s18+$0x5CC0] =	vst v2  }
0x178: {  	[tilespmem:s18+$0x9C40] =	vst v33  }
0x179: {  	[tilespmem:s18+$0x86C0] =	vst v28  }
0x17a: {  	[tilespmem:s18+$0x8740] =	vst v29  }
0x17b: {  	[tilespmem:s18+$0x87C0] =	vst v30  }
0x17c: {  	[tilespmem:s18+$0x8840] =	vst v31  }
0x17d: {  	[tilespmem:s18+$0x98C0] =	vst v32  }
0x17e: {  	[tilespmem:s18+$0x9940] =	vst v57  }
0x17f: {  	[tilespmem:s18+$0x99C0] =	vst v59  }
0x180: {  	[tilespmem:s18+$0x9A40] =	vst v60  }
0x181: {  	s15 =	sshll.u32 s15, $0x7;
	[tilespmem:s18+$0x9AC0] =	vst v61  }
0x182: {  	s19 =	sand.u32 $0x1FFFFF80, s15;
	[tilespmem:s18+$0x9B40] =	vst v62  }
0x183: {  	s14 =	sadd.s32 $0x1, s14;
	s16 =	sadd.s32 s3, s19;
	[tilespmem:s18+$0x9BC0] =	vst v63  }
0x184: {  	[hbm4b:s16+s4] =	stream.linear.scatter [tilespmem:s30], [sflag:$0x4], $0x1400, $0x38;
	[tilespmem:$0xACC0] =	vst v63  }
0x185: {  	p1 =	sne.s32 s14, $0x27;
	s17 =	sadd.s32 s15, s9  }
0x186: {  	[hbm4b:s17+s4] =	stream.linear.scatter [tilespmem:s31], [sflag:$0x4], $0x1400, $0x38;
	[tilespmem:$0xACC0] =	vst v63  }
.Ltmp7:
0x187: {  	_ = 	snop;
	(pc) =	sbr.rel @p1 .LBB2_2-.Ltmp7, $4  }
0x188: {  	s18 =	sadd.s32 s15, s10  }
0x189: {  	[hbm4b:s18+s4] =	stream.linear.scatter [tilespmem:s1], [sflag:$0x4], $0x1400, $0x38;
	[tilespmem:$0xACC0] =	vst v63  }
0x18a: {  	s19 =	sadd.s32 s15, s11  }
0x18b: {  	[hbm4b:s19+s4] =	stream.linear.scatter [tilespmem:s0], [sflag:$0x4], $0x1400, $0x38;
	[tilespmem:$0xACC0] =	vst v63  }
0x18c: {  	_ =	swait.ge [sflag:s2], $0x1400  }
0x18d: {  	[sflag:s2] =	ssyncset.done $0x0  }
0x18e: {  	[sflag:s2] =	ssyncadd.s32 $0xFFFFEC00  }
0x18f: {  	_ =	swait.ge [sflag:s2], $0x1400  }
0x190: {  	[sflag:s2] =	ssyncset.done $0x0  }
0x191: {  	[sflag:s2] =	ssyncadd.s32 $0xFFFFEC00  }
0x192: {  	_ =	swait.ge [sflag:s2], $0x1400  }
0x193: {  	[sflag:s2] =	ssyncset.done $0x0  }
0x194: {  	[sflag:s2] =	ssyncadd.s32 $0xFFFFEC00  }
0x195: {  	_ =	swait.ge [sflag:s2], $0x1400  }
0x196: {  	[sflag:s2] =	ssyncset.done $0x0  }
0x197: {  	[sflag:s2] =	ssyncadd.s32 $0xFFFFEC00  }
0x198: {  	_ =	swait.ge [sflag:s29], $0x1400  }
0x199: {  	[sflag:s29] =	ssyncset.done $0x0  }
0x19a: {  	[sflag:s29] =	ssyncadd.s32 $0xFFFFEC00  }
0x19b: {  	_ =	swait.ge [sflag:s29], $0x1400  }
0x19c: {  	[sflag:s29] =	ssyncset.done $0x0  }
0x19d: {  	[sflag:s29] =	ssyncadd.s32 $0xFFFFEC00  }
0x19e: {  	_ =	swait.ge [sflag:s29], $0x1400  }
.Ltmp8:
0x19f: {  	[sflag:s29] =	ssyncset.done $0x0;
	(pc) =	sbr.rel @p0 .LBB2_15-.Ltmp8, $4  }
0x1a0: {  	[sflag:s29] =	ssyncadd.s32 $0xFFFFEC00  }
0x1a1: {  	_ =	swait.ge [sflag:s29], $0x1400  }
0x1a2: {  	[sflag:s29] =	ssyncset.done $0x0  }
0x1a3: {  	s16 =	simm.s32 $0x5;
	[sflag:s29] =	ssyncadd.s32 $0xFFFFEC00  }
0x1a4: {  	s7 =	simm.s32 $0x0;
	s14 =	rddreg [dreg:$0x4]  }
0x1a5: {  	[tilespmem:s20], [sflag:$0x5] =	stream.linear.gather [hbm4b:s14+s7], $0x80, $0x38;
	[tilespmem:$0xACC0] =	vst v63  }
0x1a6: {  	_ =	swait.ge [sflag:s16], $0x80  }
0x1a7: {  	[sflag:s16] =	ssyncset.done $0x0  }
0x1a8: {  	s14 =	simm.s32 $0x0;
	[sflag:s16] =	ssyncadd.s32 $0xFFFFFF80  }
0x1a9: {  	v1 =	vld [tilespmem:s14+$0x7C0];
	_ =	sdelay $0x4  }
0x1aa: {  	v2 =	vadd.s32 $0x1, v1  }
0x1ab: {  	v3 =	vadd.s32 $0x2, v1  }
0x1ac: {  	v4 =	vadd.s32 $0x3, v1  }
0x1ad: {  	v5 =	vadd.s32 $0x4, v1  }
0x1ae: {  	v6 =	vadd.s32 $0x5, v1;
	v0 =	vld.idx.msk [tilespmem:v1+s4+$0x0], $0xffff  }
0x1af: {  	v8 =	vadd.s32 $0x8, v1;
	v7 =	vld.idx.msk [tilespmem:v2+s4+$0x0], $0xffff  }
0x1b0: {  	v2 =	vadd.s32 $0x6, v1;
	v9 =	vld.idx.msk [tilespmem:v3+s4+$0x0], $0xffff  }
0x1b1: {  	v3 =	vadd.s32 $0x7, v1;
	v4 =	vld.idx.msk [tilespmem:v4+s4+$0x0], $0xffff  }
0x1b2: {  	v11 =	vld.idx.msk [tilespmem:v5+s4+$0x0], $0xffff;
	v5 =	vadd.s32 $0x9, v1  }
0x1b3: {  	v12 =	vld.idx.msk [tilespmem:v6+s4+$0x0], $0xffff;
	v6 =	vadd.s32 $0xA, v1  }
0x1b4: {  	v15 =	vld.idx.msk [tilespmem:v8+s4+$0x0], $0xffff;
	v8 =	vadd.s32 $0xD, v1  }
0x1b5: {  	v13 =	vld.idx.msk [tilespmem:v2+s4+$0x0], $0xffff;
	v2 =	vadd.s32 $0xB, v1  }
0x1b6: {  	v14 =	vld.idx.msk [tilespmem:v3+s4+$0x0], $0xffff;
	v3 =	vadd.s32 $0xC, v1  }
0x1b7: {  	v16 =	vld.idx.msk [tilespmem:v5+s4+$0x0], $0xffff;
	v5 =	vadd.s32 $0xE, v1  }
0x1b8: {  	v17 =	vld.idx.msk [tilespmem:v6+s4+$0x0], $0xffff;
	v6 =	vadd.s32 $0xF, v1  }
0x1b9: {  	v20 =	vld.idx.msk [tilespmem:v8+s4+$0x0], $0xffff;
	v8 =	vadd.s32 $0x12, v1  }
0x1ba: {  	v18 =	vld.idx.msk [tilespmem:v2+s4+$0x0], $0xffff;
	v2 =	vadd.s32 $0x10, v1  }
0x1bb: {  	v19 =	vld.idx.msk [tilespmem:v3+s4+$0x0], $0xffff;
	v3 =	vadd.s32 $0x11, v1  }
0x1bc: {  	v21 =	vld.idx.msk [tilespmem:v5+s4+$0x0], $0xffff;
	v5 =	vadd.s32 $0x13, v1  }
0x1bd: {  	v22 =	vld.idx.msk [tilespmem:v6+s4+$0x0], $0xffff;
	v6 =	vadd.s32 $0x14, v1  }
0x1be: {  	v25 =	vld.idx.msk [tilespmem:v8+s4+$0x0], $0xffff;
	v8 =	vadd.s32 $0x17, v1  }
0x1bf: {  	v23 =	vld.idx.msk [tilespmem:v2+s4+$0x0], $0xffff;
	v2 =	vadd.s32 $0x15, v1  }
0x1c0: {  	v24 =	vld.idx.msk [tilespmem:v3+s4+$0x0], $0xffff;
	v3 =	vadd.s32 $0x16, v1  }
0x1c1: {  	v26 =	vld.idx.msk [tilespmem:v5+s4+$0x0], $0xffff;
	v5 =	vadd.s32 $0x18, v1  }
0x1c2: {  	v27 =	vld.idx.msk [tilespmem:v6+s4+$0x0], $0xffff;
	v6 =	vadd.s32 $0x1F, v1  }
0x1c3: {  	v31 =	vadd.s32 $0x1B, v1;
	v30 =	vld.idx.msk [tilespmem:v8+s4+$0x0], $0xffff  }
0x1c4: {  	v28 =	vld.idx.msk [tilespmem:v2+s4+$0x0], $0xffff;
	v2 =	vadd.s32 $0x19, v1  }
0x1c5: {  	v29 =	vld.idx.msk [tilespmem:v3+s4+$0x0], $0xffff;
	v3 =	vadd.s32 $0x1A, v1  }
0x1c6: {  	v32 =	vld.idx.msk [tilespmem:v5+s4+$0x0], $0xffff;
	v5 =	vadd.s32 $0x1C, v1  }
0x1c7: {  	v33 =	vadd.s32 $0x1D, v1;
	v34 =	vld.idx.msk [tilespmem:v6+s4+$0x0], $0xffff  }
0x1c8: {  	v1 =	vadd.s32 $0x1E, v1;
	v6 =	vld.idx.msk [tilespmem:v31+s4+$0x0], $0xffff  }
0x1c9: {  	v10 =	vld.idx.msk [tilespmem:v2+s4+$0x0], $0xffff  }
0x1ca: {  	v8 =	vld.idx.msk [tilespmem:v3+s4+$0x0], $0xffff  }
0x1cb: {  	v5 =	vld.idx.msk [tilespmem:v5+s4+$0x0], $0xffff  }
0x1cc: {  	v3 =	vld.idx.msk [tilespmem:v33+s4+$0x0], $0xffff  }
0x1cd: {  	s15 =	simm.s32 $0x10;
	v2 =	vld.idx.msk [tilespmem:v1+s4+$0x0], $0xffff;
	[tilespmem:s14+$0x1C40] =	vst v34  }
0x1ce: {  	v1 =	vld [tilespmem:s15+$0x7C0];
	[tilespmem:s14+$0xD40] =	vst v7  }
0x1cf: {  	[tilespmem:s14+$0xDC0] =	vst v9  }
0x1d0: {  	[tilespmem:s14+$0xE40] =	vst v4  }
0x1d1: {  	[tilespmem:s14+$0xEC0] =	vst v11  }
0x1d2: {  	[tilespmem:s14+$0xF40] =	vst v12  }
0x1d3: {  	[tilespmem:s14+$0xFC0] =	vst v13;
	v7 =	vadd.s32 $0x1, v1  }
0x1d4: {  	[tilespmem:s14+$0x1040] =	vst v14;
	v9 =	vadd.s32 $0x2, v1  }
0x1d5: {  	[tilespmem:s14+$0x10C0] =	vst v15;
	v11 =	vadd.s32 $0x3, v1  }
0x1d6: {  	[tilespmem:s14+$0x1140] =	vst v16;
	v12 =	vadd.s32 $0x4, v1  }
0x1d7: {  	[tilespmem:s14+$0x11C0] =	vst v17;
	v13 =	vadd.s32 $0x5, v1;
	v4 =	vld.idx.msk [tilespmem:v1+s4+$0x0], $0xffff  }
0x1d8: {  	[tilespmem:s14+$0x1240] =	vst v18;
	v14 =	vadd.s32 $0x6, v1;
	v7 =	vld.idx.msk [tilespmem:v7+s4+$0x0], $0xffff  }
0x1d9: {  	[tilespmem:s14+$0x12C0] =	vst v19;
	v15 =	vadd.s32 $0x7, v1;
	v9 =	vld.idx.msk [tilespmem:v9+s4+$0x0], $0xffff  }
0x1da: {  	[tilespmem:s14+$0x1340] =	vst v20;
	v16 =	vadd.s32 $0x8, v1;
	v11 =	vld.idx.msk [tilespmem:v11+s4+$0x0], $0xffff  }
0x1db: {  	[tilespmem:s14+$0x13C0] =	vst v21;
	v17 =	vadd.s32 $0x9, v1;
	v12 =	vld.idx.msk [tilespmem:v12+s4+$0x0], $0xffff  }
0x1dc: {  	[tilespmem:s14+$0x1440] =	vst v22;
	v18 =	vadd.s32 $0xA, v1;
	v13 =	vld.idx.msk [tilespmem:v13+s4+$0x0], $0xffff  }
0x1dd: {  	[tilespmem:s14+$0x14C0] =	vst v23;
	v19 =	vadd.s32 $0xB, v1;
	v14 =	vld.idx.msk [tilespmem:v14+s4+$0x0], $0xffff  }
0x1de: {  	[tilespmem:s14+$0x1540] =	vst v24;
	v20 =	vadd.s32 $0xC, v1;
	v15 =	vld.idx.msk [tilespmem:v15+s4+$0x0], $0xffff  }
0x1df: {  	[tilespmem:s14+$0x15C0] =	vst v25;
	v21 =	vadd.s32 $0xD, v1;
	v16 =	vld.idx.msk [tilespmem:v16+s4+$0x0], $0xffff  }
0x1e0: {  	[tilespmem:s14+$0x1640] =	vst v26;
	v22 =	vadd.s32 $0xE, v1;
	v17 =	vld.idx.msk [tilespmem:v17+s4+$0x0], $0xffff  }
0x1e1: {  	[tilespmem:s14+$0x16C0] =	vst v27;
	v26 =	vadd.s32 $0xF, v1;
	v18 =	vld.idx.msk [tilespmem:v18+s4+$0x0], $0xffff  }
0x1e2: {  	[tilespmem:s14+$0x1740] =	vst v28;
	v23 =	vadd.s32 $0x10, v1;
	v19 =	vld.idx.msk [tilespmem:v19+s4+$0x0], $0xffff  }
0x1e3: {  	[tilespmem:s14+$0x17C0] =	vst v29;
	v27 =	vadd.s32 $0x11, v1;
	v20 =	vld.idx.msk [tilespmem:v20+s4+$0x0], $0xffff  }
0x1e4: {  	[tilespmem:s14+$0x1840] =	vst v30;
	v24 =	vadd.s32 $0x12, v1;
	v21 =	vld.idx.msk [tilespmem:v21+s4+$0x0], $0xffff  }
0x1e5: {  	s7 =	simm.s32 $0x80;
	[tilespmem:s14+$0x18C0] =	vst v32;
	v25 =	vadd.s32 $0x13, v1;
	v22 =	vld.idx.msk [tilespmem:v22+s4+$0x0], $0xffff  }
.LBB2_13:
0x1e6: {  	p1 =	sne.s32 s7, $0x1C0;
	v26 =	vld.idx.msk [tilespmem:v26+s4+$0x0], $0xffff;
	v28 =	vadd.s32 $0x14, v1;
	[tilespmem:s14+$0x1940] =	vst v10  }
0x1e7: {  	v10 =	vadd.s32 $0x15, v1;
	v23 =	vld.idx.msk [tilespmem:v23+s4+$0x0], $0xffff;
	[tilespmem:s14+$0x19C0] =	vst v8  }
0x1e8: {  	v8 =	vadd.s32 $0x16, v1;
	v27 =	vld.idx.msk [tilespmem:v27+s4+$0x0], $0xffff;
	[tilespmem:s14+$0x1A40] =	vst v6  }
0x1e9: {  	v6 =	vadd.s32 $0x17, v1;
	v24 =	vld.idx.msk [tilespmem:v24+s4+$0x0], $0xffff;
	[tilespmem:s14+$0x1AC0] =	vst v5  }
0x1ea: {  	v5 =	vadd.s32 $0x18, v1;
	v25 =	vld.idx.msk [tilespmem:v25+s4+$0x0], $0xffff;
	[tilespmem:s14+$0x1B40] =	vst v3  }
0x1eb: {  	v3 =	vadd.s32 $0x1F, v1;
	v28 =	vld.idx.msk [tilespmem:v28+s4+$0x0], $0xffff;
	[tilespmem:s14+$0x1BC0] =	vst v2  }
0x1ec: {  	v2 =	vadd.s32 $0x19, v1;
	v29 =	vld.idx.msk [tilespmem:v10+s4+$0x0], $0xffff;
	[tilespmem:s14+$0xCC0] =	vst v0;
	v0 =	vmov v4;
	s14 =	smov.u32 s15  }
0x1ed: {  	v4 =	vadd.s32 $0x1A, v1;
	v30 =	vld.idx.msk [tilespmem:v8+s4+$0x0], $0xffff  }
0x1ee: {  	v31 =	vld.idx.msk [tilespmem:v6+s4+$0x0], $0xffff;
	v6 =	vadd.s32 $0x1B, v1  }
0x1ef: {  	v32 =	vld.idx.msk [tilespmem:v5+s4+$0x0], $0xffff;
	v5 =	vadd.s32 $0x1C, v1  }
0x1f0: {  	v33 =	vadd.s32 $0x1D, v1;
	v34 =	vld.idx.msk [tilespmem:v3+s4+$0x0], $0xffff  }
0x1f1: {  	v1 =	vadd.s32 $0x1E, v1;
	v10 =	vld.idx.msk [tilespmem:v2+s4+$0x0], $0xffff  }
0x1f2: {  	v8 =	vld.idx.msk [tilespmem:v4+s4+$0x0], $0xffff  }
0x1f3: {  	v6 =	vld.idx.msk [tilespmem:v6+s4+$0x0], $0xffff  }
0x1f4: {  	v5 =	vld.idx.msk [tilespmem:v5+s4+$0x0], $0xffff  }
0x1f5: {  	v3 =	vld.idx.msk [tilespmem:v33+s4+$0x0], $0xffff  }
0x1f6: {  	s15 =	sshra.s32 s7, $0x2;
	v2 =	vld.idx.msk [tilespmem:v1+s4+$0x0], $0xffff;
	[tilespmem:s14+$0x1C40] =	vst v34  }
0x1f7: {  	v1 =	vld [tilespmem:s15+$0x7C0];
	[tilespmem:s14+$0xD40] =	vst v7  }
0x1f8: {  	[tilespmem:s14+$0xDC0] =	vst v9  }
0x1f9: {  	[tilespmem:s14+$0xE40] =	vst v11  }
0x1fa: {  	[tilespmem:s14+$0xEC0] =	vst v12  }
0x1fb: {  	[tilespmem:s14+$0xF40] =	vst v13  }
0x1fc: {  	v7 =	vadd.s32 $0x1, v1;
	[tilespmem:s14+$0xFC0] =	vst v14  }
0x1fd: {  	v9 =	vadd.s32 $0x2, v1;
	[tilespmem:s14+$0x1040] =	vst v15  }
0x1fe: {  	v11 =	vadd.s32 $0x3, v1;
	[tilespmem:s14+$0x10C0] =	vst v16  }
0x1ff: {  	v12 =	vadd.s32 $0x4, v1;
	[tilespmem:s14+$0x1140] =	vst v17  }
0x200: {  	v13 =	vadd.s32 $0x5, v1;
	v4 =	vld.idx.msk [tilespmem:v1+s4+$0x0], $0xffff;
	[tilespmem:s14+$0x11C0] =	vst v18  }
0x201: {  	v14 =	vadd.s32 $0x6, v1;
	v7 =	vld.idx.msk [tilespmem:v7+s4+$0x0], $0xffff;
	[tilespmem:s14+$0x1240] =	vst v19  }
0x202: {  	v15 =	vadd.s32 $0x7, v1;
	v9 =	vld.idx.msk [tilespmem:v9+s4+$0x0], $0xffff;
	[tilespmem:s14+$0x12C0] =	vst v20  }
0x203: {  	v16 =	vadd.s32 $0x8, v1;
	v11 =	vld.idx.msk [tilespmem:v11+s4+$0x0], $0xffff;
	[tilespmem:s14+$0x1340] =	vst v21  }
0x204: {  	v17 =	vadd.s32 $0x9, v1;
	v12 =	vld.idx.msk [tilespmem:v12+s4+$0x0], $0xffff;
	[tilespmem:s14+$0x13C0] =	vst v22  }
0x205: {  	v18 =	vadd.s32 $0xA, v1;
	v13 =	vld.idx.msk [tilespmem:v13+s4+$0x0], $0xffff;
	[tilespmem:s14+$0x1440] =	vst v26  }
0x206: {  	v19 =	vadd.s32 $0xB, v1;
	v14 =	vld.idx.msk [tilespmem:v14+s4+$0x0], $0xffff;
	[tilespmem:s14+$0x14C0] =	vst v23  }
0x207: {  	v20 =	vadd.s32 $0xC, v1;
	v15 =	vld.idx.msk [tilespmem:v15+s4+$0x0], $0xffff;
	[tilespmem:s14+$0x1540] =	vst v27  }
0x208: {  	v21 =	vadd.s32 $0xD, v1;
	v16 =	vld.idx.msk [tilespmem:v16+s4+$0x0], $0xffff;
	[tilespmem:s14+$0x15C0] =	vst v24  }
0x209: {  	v22 =	vadd.s32 $0xE, v1;
	v17 =	vld.idx.msk [tilespmem:v17+s4+$0x0], $0xffff;
	[tilespmem:s14+$0x1640] =	vst v25  }
.Ltmp9:
0x20a: {  	v26 =	vadd.s32 $0xF, v1;
	v18 =	vld.idx.msk [tilespmem:v18+s4+$0x0], $0xffff;
	[tilespmem:s14+$0x16C0] =	vst v28;
	(pc) =	sbr.rel @p1 .LBB2_13-.Ltmp9, $4  }
0x20b: {  	v23 =	vadd.s32 $0x10, v1;
	v19 =	vld.idx.msk [tilespmem:v19+s4+$0x0], $0xffff;
	[tilespmem:s14+$0x1740] =	vst v29  }
0x20c: {  	v27 =	vadd.s32 $0x11, v1;
	v20 =	vld.idx.msk [tilespmem:v20+s4+$0x0], $0xffff;
	[tilespmem:s14+$0x17C0] =	vst v30  }
0x20d: {  	v24 =	vadd.s32 $0x12, v1;
	v21 =	vld.idx.msk [tilespmem:v21+s4+$0x0], $0xffff;
	[tilespmem:s14+$0x1840] =	vst v31  }
0x20e: {  	s7 =	sadd.s32 $0x40, s7;
	v25 =	vadd.s32 $0x13, v1;
	v22 =	vld.idx.msk [tilespmem:v22+s4+$0x0], $0xffff;
	[tilespmem:s14+$0x18C0] =	vst v32  }
0x20f: {  	_ =	sdelay $0x3  }
0x210: {  	v26 =	vld.idx.msk [tilespmem:v26+s4+$0x0], $0xffff;
	v28 =	vadd.s32 $0x14, v1  }
0x211: {  	v23 =	vld.idx.msk [tilespmem:v23+s4+$0x0], $0xffff;
	v29 =	vadd.s32 $0x15, v1  }
0x212: {  	v27 =	vld.idx.msk [tilespmem:v27+s4+$0x0], $0xffff;
	v30 =	vadd.s32 $0x16, v1  }
0x213: {  	v24 =	vld.idx.msk [tilespmem:v24+s4+$0x0], $0xffff;
	v31 =	vadd.s32 $0x17, v1  }
0x214: {  	v25 =	vld.idx.msk [tilespmem:v25+s4+$0x0], $0xffff;
	v32 =	vadd.s32 $0x18, v1  }
0x215: {  	v33 =	vadd.s32 $0x1F, v1;
	v28 =	vld.idx.msk [tilespmem:v28+s4+$0x0], $0xffff  }
0x216: {  	v34 =	vadd.s32 $0x19, v1;
	v29 =	vld.idx.msk [tilespmem:v29+s4+$0x0], $0xffff  }
0x217: {  	v35 =	vadd.s32 $0x1A, v1;
	v30 =	vld.idx.msk [tilespmem:v30+s4+$0x0], $0xffff  }
0x218: {  	v36 =	vadd.s32 $0x1B, v1;
	v31 =	vld.idx.msk [tilespmem:v31+s4+$0x0], $0xffff  }
0x219: {  	v37 =	vadd.s32 $0x1C, v1;
	[tilespmem:s14+$0x1940] =	vst v10;
	v32 =	vld.idx.msk [tilespmem:v32+s4+$0x0], $0xffff  }
0x21a: {  	v56 =	vadd.s32 $0x1D, v1;
	[tilespmem:s14+$0x19C0] =	vst v8;
	v33 =	vld.idx.msk [tilespmem:v33+s4+$0x0], $0xffff  }
0x21b: {  	v58 =	vadd.s32 $0x1E, v1;
	[tilespmem:s14+$0x1A40] =	vst v6;
	v57 =	vld.idx.msk [tilespmem:v34+s4+$0x0], $0xffff  }
0x21c: {  	[tilespmem:s14+$0x1AC0] =	vst v5;
	v59 =	vld.idx.msk [tilespmem:v35+s4+$0x0], $0xffff  }
0x21d: {  	[tilespmem:s14+$0x1B40] =	vst v3;
	v60 =	vld.idx.msk [tilespmem:v36+s4+$0x0], $0xffff  }
0x21e: {  	[tilespmem:s14+$0x1BC0] =	vst v2;
	v61 =	vld.idx.msk [tilespmem:v37+s4+$0x0], $0xffff  }
0x21f: {  	[tilespmem:s14+$0xCC0] =	vst v0;
	v62 =	vld.idx.msk [tilespmem:v56+s4+$0x0], $0xffff  }
0x220: {  	v63 =	vld.idx.msk [tilespmem:v58+s4+$0x0], $0xffff;
	[tilespmem:s15+$0xD40] =	vst v7  }
0x221: {  	[tilespmem:s15+$0xDC0] =	vst v9  }
0x222: {  	[tilespmem:s15+$0xE40] =	vst v11  }
0x223: {  	[tilespmem:s15+$0xEC0] =	vst v12  }
0x224: {  	[tilespmem:s15+$0xF40] =	vst v13  }
0x225: {  	[tilespmem:s15+$0xFC0] =	vst v14  }
0x226: {  	[tilespmem:s15+$0x1040] =	vst v15  }
0x227: {  	[tilespmem:s15+$0x10C0] =	vst v16  }
0x228: {  	[tilespmem:s15+$0x1140] =	vst v17  }
0x229: {  	[tilespmem:s15+$0x11C0] =	vst v18  }
0x22a: {  	[tilespmem:s15+$0x1240] =	vst v19  }
0x22b: {  	[tilespmem:s15+$0x12C0] =	vst v20  }
0x22c: {  	[tilespmem:s15+$0x1340] =	vst v21  }
0x22d: {  	[tilespmem:s15+$0x13C0] =	vst v22  }
0x22e: {  	[tilespmem:s15+$0x1440] =	vst v26  }
0x22f: {  	[tilespmem:s15+$0x14C0] =	vst v23  }
0x230: {  	[tilespmem:s15+$0x1540] =	vst v27  }
0x231: {  	[tilespmem:s15+$0x15C0] =	vst v24  }
0x232: {  	[tilespmem:s15+$0x1640] =	vst v25  }
0x233: {  	[tilespmem:s15+$0xCC0] =	vst v4  }
0x234: {  	[tilespmem:s15+$0x1C40] =	vst v33  }
0x235: {  	[tilespmem:s15+$0x16C0] =	vst v28  }
0x236: {  	[tilespmem:s15+$0x1740] =	vst v29  }
0x237: {  	[tilespmem:s15+$0x17C0] =	vst v30  }
0x238: {  	[tilespmem:s15+$0x1840] =	vst v31  }
0x239: {  	[tilespmem:s15+$0x18C0] =	vst v32  }
0x23a: {  	[tilespmem:s15+$0x1940] =	vst v57  }
0x23b: {  	[tilespmem:s15+$0x19C0] =	vst v59  }
0x23c: {  	[tilespmem:s15+$0x1A40] =	vst v60  }
0x23d: {  	[tilespmem:s15+$0x1AC0] =	vst v61  }
0x23e: {  	[tilespmem:s15+$0x1B40] =	vst v62  }
0x23f: {  	[tilespmem:s15+$0x1BC0] =	vst v63  }
0x240: {  	s7 =	rddreg [dreg:$0x6]  }
0x241: {  	[hbm4b:s7+s4] =	stream.linear.scatter [tilespmem:s23], [sflag:$0x5], $0x400, $0x38;
	[tilespmem:$0xACC0] =	vst v63  }
0x242: {  	_ =	swait.ge [sflag:s16], $0x400  }
0x243: {  	[sflag:s16] =	ssyncset.done $0x0  }
0x244: {  	s19 =	simm.s32 $0x10C0;
	s18 =	rddreg [dreg:$0x5];
	[sflag:s16] =	ssyncadd.s32 $0xFFFFFC00  }
0x245: {  	[hbm4b:s18+s4] =	stream.linear.scatter [tilespmem:s19], [sflag:$0x5], $0x400, $0x38;
	[tilespmem:$0xACC0] =	vst v63  }
0x246: {  	_ =	swait.ge [sflag:s16], $0x400  }
0x247: {  	[sflag:s16] =	ssyncset.done $0x0  }
0x248: {  	s17 =	simm.s32 $0x14C0;
	s15 =	rddreg [dreg:$0x7];
	[sflag:s16] =	ssyncadd.s32 $0xFFFFFC00  }
0x249: {  	[hbm4b:s15+s4] =	stream.linear.scatter [tilespmem:s17], [sflag:$0x5], $0x400, $0x38;
	[tilespmem:$0xACC0] =	vst v63  }
0x24a: {  	_ =	swait.ge [sflag:s16], $0x400  }
0x24b: {  	s19 =	simm.s32 $0x18C0;
	[sflag:s16] =	ssyncset.done $0x0  }
.Ltmp10:
0x24c: {  	s18 =	rddreg [dreg:$0x8];
	[sflag:s16] =	ssyncadd.s32 $0xFFFFFC00;
	(pc) =	sbr.rel .LBB2_15-.Ltmp10, $4  }
0x24d: {  	[hbm4b:s18+s4] =	stream.linear.scatter [tilespmem:s19], [sflag:$0x5], $0x400, $0x38;
	[tilespmem:$0xACC0] =	vst v63  }
0x24e: {  	_ =	swait.ge [sflag:s16], $0x400  }
0x24f: {  	[sflag:s16] =	ssyncset.done $0x0  }
0x250: {  	[sflag:s16] =	ssyncadd.s32 $0xFFFFFC00  }
.LBB2_16:
0x251: {  	_ =	sfence.sel $0x180000  }
0x252: {  	[bflag:$0x0] =	sbarrier.arrive $0xFFFF  }
0x253: {  	_ =	strace $0x90000047  }
0x254: {  	s0 =	stileid.u32;
	[bflag:$0x2] =	sbarrier.arrive $0xFFFF  }
0x255: {  	p0 =	sne.s32 s0, $0x0;
	s0 =	rddreg [dreg:$0x2]  }
0x256: {  	s0 =	sadd.s32 @!p0 $0x100000, s0  }
0x257: {  	[sflag:s0] =	ssyncadd.tile.s32 @!p0 $0x1;
	_ =	shalt  }
.Lfunc_end2:
_tile_overlayer_lowered:
.L_overlay_start_2:
0x258: {  	(tag) =	ssettag $0x2  }
0x259: {  	s0 =	rddreg [dreg:$0x0];
	s2 =	stileid.u32  }
0x25a: {  	s1 =	rddreg [dreg:$0x1];
	p0 =	sne.s32 s2, $0x0  }
0x25b: {  	s3 =	rddreg [dreg:$0x2];
	[bflag:$0x3] =	sbarrier.arrive $0xFFFF;
	s2 =	simm.s32 @!p0 $0x1C05  }
0x25c: {  	[timem:s3], [sflag:s2] =	dma.local @!p0 [hbm:s0], s1  }
0x25d: {  	s0 =	simm.s32 @!p0 $0x5  }
0x25e: {  	_ =	swait.ge @!p0 [sflag:s0], s1  }
0x25f: {  	s1 =	ssub.s32 @!p0 $0x0, s1;
	[sflag:s0] =	ssyncset.done @!p0 $0x0  }
0x260: {  	[sflag:s0] =	ssyncadd.s32 @!p0 s1  }
0x261: {  	[bflag:$0x3] =	sbarrier.arrive $0xFFFF  }
0x262: {  	_ =	shalt  }

</sc_bundles>
